<compile_context>
chip_gen: v7x
topology: tpu7x:2x2x1
jax: 0.10.2.dev20260603
libtpu: 0.0.44.dev20260713+nightly
codegen_flags: <defaults>
</compile_context>

<pallas_src>
import functools

import jax
import jax.numpy as jnp
from jax import lax
from jax.experimental import pallas as pl
from jax.experimental.pallas import tpu as pltpu
from jax.experimental.pallas import tpu_sc as plsc

B = 4096
L = 200
D = 128
L_HALF = 104
L_PAD = 2 * L_HALF

NC, NS, LANES = 2, 16, 16
NW = NC * NS
BPW = B // NW
NVR = D // LANES

_sc_mesh = plsc.VectorSubcoreMesh(core_axis_name="c", subcore_axis_name="s")


NCHUNK = 2
BCH = B // NCHUNK
BPWC = BCH // NW
NBUF = 4
NUNITS = 2 * BPWC


@functools.partial(
    pl.kernel,
    out_type=jax.ShapeDtypeStruct((BCH, D), jnp.float32),
    mesh=_sc_mesh,
    scratch_types=[
        pltpu.VMEM((BPWC, 2, L_HALF), jnp.int32),
        pltpu.VMEM((NBUF, L_HALF, D), jnp.float32),
        pltpu.VMEM((BPWC, D), jnp.float32),
        [pltpu.SemaphoreType.DMA] * NBUF,
    ],
)
def _sc_pool(ids_hbm, table_hbm, out_hbm, ids_v, ring_v, out_v, sems):
    wid = lax.axis_index("s") * NC + lax.axis_index("c")
    base = wid * BPWC
    pltpu.sync_copy(ids_hbm.at[pl.ds(base, BPWC)], ids_v)

    zeros = jnp.zeros((LANES,), jnp.float32)

    def zero_body(b, _):
        for j in range(NVR):
            out_v[b, pl.ds(j * LANES, LANES)] = zeros
        return _
    lax.fori_loop(0, BPWC, zero_body, None)

    def issue(u, slot):
        b = lax.div(u, 2)
        h = lax.rem(u, 2)
        pltpu.async_copy(table_hbm.at[ids_v.at[b, h]], ring_v.at[slot], sems[slot])

    def reduce_unit(u, slot):
        b = lax.div(u, 2)
        buf = ring_v.at[slot]

        def body(l, accs):
            return tuple(a + buf[l, pl.ds(j * LANES, LANES)]
                         for j, a in enumerate(accs))
        accs = lax.fori_loop(0, L_HALF, body, tuple(zeros for _ in range(NVR)))
        for j, a in enumerate(accs):
            sl = pl.ds(j * LANES, LANES)
            out_v[b, sl] = out_v[b, sl] + a

    for s in range(NBUF):
        issue(s, s)

    def round_body(r, _):
        for s in range(NBUF):
            u = r * NBUF + s
            pltpu.make_async_copy(table_hbm.at[ids_v.at[0, 0]], ring_v.at[s],
                                  sems[s]).wait()
            reduce_unit(u, s)

            @pl.when(u + NBUF < NUNITS)
            def _():
                issue(u + NBUF, s)
        return _

    lax.fori_loop(0, NUNITS // NBUF, round_body, None)
    pltpu.sync_copy(out_v, out_hbm.at[pl.ds(base, BPWC)])


_TC_CHUNK = 512


def _mlp_body(ids_ref, x_ref, w0_ref, b0_ref, w1_ref, b1_ref, w2_ref, b2_ref,
              wo_ref, bo_ref, o_ref):
    cnt = jnp.sum((ids_ref[...] != 0).astype(jnp.float32), axis=1, keepdims=True)
    x = x_ref[...] * lax.rsqrt(cnt)
    h = jnp.maximum(jnp.dot(x, w0_ref[...], preferred_element_type=jnp.float32)
                    + b0_ref[...], 0.0)
    h = jnp.maximum(jnp.dot(h, w1_ref[...], preferred_element_type=jnp.float32)
                    + b1_ref[...], 0.0)
    h = jnp.maximum(jnp.dot(h, w2_ref[...], preferred_element_type=jnp.float32)
                    + b2_ref[...], 0.0)
    o_ref[...] = (jnp.dot(h, wo_ref[...], preferred_element_type=jnp.float32)
                  + bo_ref[...])


def _resident(shape):
    return pl.BlockSpec(shape, lambda i: (0,) * len(shape))


_mlp_call = pl.pallas_call(
    _mlp_body,
    grid=(BCH // _TC_CHUNK,),
    in_specs=[
        pl.BlockSpec((_TC_CHUNK, L), lambda i: (i, 0)),
        pl.BlockSpec((_TC_CHUNK, D), lambda i: (i, 0)),
        _resident((D, 2048)),
        _resident((1, 2048)),
        _resident((2048, 1024)),
        _resident((1, 1024)),
        _resident((1024, 2048)),
        _resident((1, 2048)),
        _resident((2048, D)),
        _resident((1, D)),
    ],
    out_specs=pl.BlockSpec((_TC_CHUNK, D), lambda i: (i, 0)),
    out_shape=jax.ShapeDtypeStruct((BCH, D), jnp.float32),
)


def kernel(in_item_id, table, W0, b0, W1, b1, W2, b2, W_out, b_out):
    ids = in_item_id.astype(jnp.int32)
    ids_pad = jnp.pad(ids, ((0, 0), (0, L_PAD - L))).reshape(B, 2, L_HALF)
    ws = (W0, b0.reshape(1, -1), W1, b1.reshape(1, -1), W2, b2.reshape(1, -1),
          W_out, b_out.reshape(1, -1))
    pooled, outs = [], []
    for k in range(NCHUNK):
        ids_k = ids_pad[k * BCH:(k + 1) * BCH]
        if pooled:
            ids_k, _ = lax.optimization_barrier((ids_k, pooled[-1]))
        pooled.append(_sc_pool(ids_k, table))
    for k in range(NCHUNK):
        outs.append(_mlp_call(ids[k * BCH:(k + 1) * BCH], pooled[k], *ws))
    return jnp.concatenate(outs)

# --- scband reference (transcript-rebuilt; emitter-appended) ---
"""Pipeline reference for scband-multi-daequery-encoder-20547123544747 (READ-ONLY COPY).

The authoritative reference and input builder live on the scoring server;
editing this copy changes nothing except your own understanding.
"""

import jax, jax.numpy as jnp
import numpy as np

B, L = 4096, 200
NUM_ITEMS, EMBED_DIM = 100000, 128
# MLPModule dims = [embed_dim] + encoder_dims + decoder_dims[1:-1]
#               = [128] + [2048, 1024] + [2048] = [128, 2048, 1024, 2048]
MLP_DIMS = [128, 2048, 1024, 2048]


def setup_inputs(seed: int = 0) -> dict:
    key = jax.random.key(seed)
    ks = jax.random.split(key, 12)
    in_item_id = jax.random.randint(ks[0], (B, L), 0, NUM_ITEMS)
    table = jax.random.normal(ks[1], (NUM_ITEMS, EMBED_DIM), dtype=jnp.float32) * 0.02
    table = table.at[0].set(0.0)  # padding_idx=0
    params = {"in_item_id": in_item_id, "table": table}
    for i in range(len(MLP_DIMS) - 1):
        fan_in, fan_out = MLP_DIMS[i], MLP_DIMS[i + 1]
        bound = 1.0 / np.sqrt(fan_in)
        params[f"W{i}"] = jax.random.uniform(ks[2 + 2 * i], (fan_in, fan_out), jnp.float32, -bound, bound)
        params[f"b{i}"] = jax.random.uniform(ks[3 + 2 * i], (fan_out,), jnp.float32, -bound, bound)
    # final torch.nn.Linear(decoder_dims[-1]=2048, embed_dim=128)
    bound = 1.0 / np.sqrt(2048)
    params["W_out"] = jax.random.uniform(ks[8], (2048, EMBED_DIM), jnp.float32, -bound, bound)
    params["b_out"] = jax.random.uniform(ks[9], (EMBED_DIM,), jnp.float32, -bound, bound)
    return params


def reference(in_item_id, table, W0, b0, W1, b1, W2, b2, W_out, b_out):
    # seq_emb = self.item_embedding(batch['in_item_id'])
    seq_emb = jnp.take(table, in_item_id, axis=0)  # [B, L, D]
    # non_zero_num = batch['in_item_id'].count_nonzero(dim=1).unsqueeze(-1)
    non_zero_num = jnp.count_nonzero(in_item_id, axis=1)[:, None].astype(jnp.float32)
    # seq_emb = seq_emb.sum(1) / non_zero_num.pow(0.5)
    h = seq_emb.sum(axis=1) / jnp.power(non_zero_num, 0.5)
    # dropout is identity in eval mode
    # MLPModule: Linear + ReLU per layer
    h = jax.nn.relu(h @ W0 + b0)
    h = jax.nn.relu(h @ W1 + b1)
    h = jax.nn.relu(h @ W2 + b2)
    # final Linear(decoder_dims[-1], embed_dim), no activation
    out = h @ W_out + b_out
    return out

if __name__ == "__main__":
    import jax
    _d = setup_inputs()
    print(jax.jit(kernel)(*tuple(_d.values())))

</pallas_src>

<mosaic_0001>
#map = affine_map<(d0, d1) -> (0, 0, 0)>
#map1 = affine_map<(d0, d1) -> (0, 0)>
module attributes {stable_mosaic.version = 14 : i64} {
  func.func @_sc_pool(%arg0: i32, %arg1: i32, %arg2: memref<2048x2x104xi32, #tpu.memory_space<hbm>>, %arg3: memref<100000x128xf32, #tpu.memory_space<hbm>>, %arg4: memref<2048x128xf32, #tpu.memory_space<hbm>>, %arg5: memref<64x2x104xi32, #tpu.memory_space<vmem>>, %arg6: memref<4x104x128xf32, #tpu.memory_space<vmem>>, %arg7: memref<64x128xf32, #tpu.memory_space<vmem>>, %arg8: memref<!tpu.dma_semaphore, #tpu.memory_space<semaphore_mem>>, %arg9: memref<!tpu.dma_semaphore, #tpu.memory_space<semaphore_mem>>, %arg10: memref<!tpu.dma_semaphore, #tpu.memory_space<semaphore_mem>>, %arg11: memref<!tpu.dma_semaphore, #tpu.memory_space<semaphore_mem>>) attributes {dimension_semantics = [#tpu.dimension_semantics<core_parallel>, #tpu.dimension_semantics<subcore_parallel>], iteration_bounds = array<i64: 2, 16>, scalar_prefetch = 0 : i64, scratch_operands = 7 : i64, tpu.core_type = #tpu.core_type<sc_vector_subcore>, window_params = [{transform_indices = #map}, {transform_indices = #map1}, {transform_indices = #map1}]} {
    %mul3A = arith.constant 2 : i32
    %mul3A_0 = arith.muli %arg1, %mul3A : i32
    %add3A = arith.addi %mul3A_0, %arg0 : i32
    %mul3A_1 = arith.constant 64 : i32
    %mul3A_2 = arith.muli %add3A, %mul3A_1 : i32
    "tpu.region"() ({
      %run_scoped3A = tpu.sem_alloc : memref<!tpu.dma_semaphore, #tpu.memory_space<semaphore_mem>>
      %dma_start3A_78 = arith.constant 0 : i32
      %dma_start3A_79 = arith.constant 0 : i32
      %dma_start3A_80 = tpu.memref_slice %arg2[%mul3A_2, %dma_start3A_78, %dma_start3A_79] : memref<2048x2x104xi32, #tpu.memory_space<hbm>> -> memref<64x2x104xi32, #tpu.memory_space<hbm>>
      %dma_start3A_81 = arith.constant 0 : i32
      %dma_start3A_82 = arith.constant 0 : i32
      %dma_start3A_83 = tpu.memref_slice %arg2[%mul3A_2, %dma_start3A_81, %dma_start3A_82] : memref<2048x2x104xi32, #tpu.memory_space<hbm>> -> memref<64x2x104xi32, #tpu.memory_space<hbm>>
      tpu.enqueue_dma source(%dma_start3A_83 : memref<64x2x104xi32, #tpu.memory_space<hbm>>) target(%arg5 : memref<64x2x104xi32, #tpu.memory_space<vmem>>) target_semaphore(%run_scoped3A : memref<!tpu.dma_semaphore, #tpu.memory_space<semaphore_mem>>)
      %dma_wait3A = arith.constant 0 : i32
      %dma_wait3A_84 = arith.constant 0 : i32
      %dma_wait3A_85 = tpu.memref_slice %arg2[%mul3A_2, %dma_wait3A, %dma_wait3A_84] : memref<2048x2x104xi32, #tpu.memory_space<hbm>> -> memref<64x2x104xi32, #tpu.memory_space<hbm>>
      %dma_wait3A_86 = arith.constant 0 : i32
      %dma_wait3A_87 = arith.constant 0 : i32
      %dma_wait3A_88 = tpu.memref_slice %arg2[%mul3A_2, %dma_wait3A_86, %dma_wait3A_87] : memref<2048x2x104xi32, #tpu.memory_space<hbm>> -> memref<64x2x104xi32, #tpu.memory_space<hbm>>
      tpu.wait_dma2 semaphore(%run_scoped3A : memref<!tpu.dma_semaphore, #tpu.memory_space<semaphore_mem>>) src(%dma_wait3A_88 : memref<64x2x104xi32, #tpu.memory_space<hbm>>) dst(%arg5 : memref<64x2x104xi32, #tpu.memory_space<vmem>>)
      tpu.yield
    }) : () -> ()
    %broadcast_in_dim3A = arith.constant 0.000000e+00 : f32
    %broadcast_in_dim3A_3 = vector.broadcast %broadcast_in_dim3A : f32 to vector<16xf32>
    %scan3A = arith.constant 0 : i32
    %scan3A_4 = arith.constant 64 : i32
    %scan3A_5 = arith.addi %scan3A, %scan3A_4 : i32
    %scan3A_6 = arith.constant 1 : i32
    scf.for %scan3A_78 = %scan3A to %scan3A_5 step %scan3A_6  : i32 {
      %swap3A = arith.index_cast %scan3A_78 : i32 to index
      %swap3A_79 = arith.constant 0 : index
      %swap3A_80 = tpu.vector_load %arg7[%swap3A, %swap3A_79] {strides = array<i32>} : memref<64x128xf32, #tpu.memory_space<vmem>>, vector<1x16xf32>,
      %swap3A_81 = vector.shape_cast %swap3A_80 : vector<1x16xf32> to vector<16xf32>
      %swap3A_82 = vector.shape_cast %broadcast_in_dim3A_3 : vector<16xf32> to vector<1x16xf32>
      tpu.vector_store %arg7[%swap3A, %swap3A_79], %swap3A_82 {strides = array<i32>} : memref<64x128xf32, #tpu.memory_space<vmem>>, vector<1x16xf32>,
      %swap3A_83 = arith.index_cast %scan3A_78 : i32 to index
      %swap3A_84 = arith.constant 16 : index
      %swap3A_85 = tpu.vector_load %arg7[%swap3A_83, %swap3A_84] {strides = array<i32>} : memref<64x128xf32, #tpu.memory_space<vmem>>, vector<1x16xf32>,
      %swap3A_86 = vector.shape_cast %swap3A_85 : vector<1x16xf32> to vector<16xf32>
      %swap3A_87 = vector.shape_cast %broadcast_in_dim3A_3 : vector<16xf32> to vector<1x16xf32>
      tpu.vector_store %arg7[%swap3A_83, %swap3A_84], %swap3A_87 {strides = array<i32>} : memref<64x128xf32, #tpu.memory_space<vmem>>, vector<1x16xf32>,
      %swap3A_88 = arith.index_cast %scan3A_78 : i32 to index
      %swap3A_89 = arith.constant 32 : index
      %swap3A_90 = tpu.vector_load %arg7[%swap3A_88, %swap3A_89] {strides = array<i32>} : memref<64x128xf32, #tpu.memory_space<vmem>>, vector<1x16xf32>,
      %swap3A_91 = vector.shape_cast %swap3A_90 : vector<1x16xf32> to vector<16xf32>
      %swap3A_92 = vector.shape_cast %broadcast_in_dim3A_3 : vector<16xf32> to vector<1x16xf32>
      tpu.vector_store %arg7[%swap3A_88, %swap3A_89], %swap3A_92 {strides = array<i32>} : memref<64x128xf32, #tpu.memory_space<vmem>>, vector<1x16xf32>,
      %swap3A_93 = arith.index_cast %scan3A_78 : i32 to index
      %swap3A_94 = arith.constant 48 : index
      %swap3A_95 = tpu.vector_load %arg7[%swap3A_93, %swap3A_94] {strides = array<i32>} : memref<64x128xf32, #tpu.memory_space<vmem>>, vector<1x16xf32>,
      %swap3A_96 = vector.shape_cast %swap3A_95 : vector<1x16xf32> to vector<16xf32>
      %swap3A_97 = vector.shape_cast %broadcast_in_dim3A_3 : vector<16xf32> to vector<1x16xf32>
      tpu.vector_store %arg7[%swap3A_93, %swap3A_94], %swap3A_97 {strides = array<i32>} : memref<64x128xf32, #tpu.memory_space<vmem>>, vector<1x16xf32>,
      %swap3A_98 = arith.index_cast %scan3A_78 : i32 to index
      %swap3A_99 = arith.constant 64 : index
      %swap3A_100 = tpu.vector_load %arg7[%swap3A_98, %swap3A_99] {strides = array<i32>} : memref<64x128xf32, #tpu.memory_space<vmem>>, vector<1x16xf32>,
      %swap3A_101 = vector.shape_cast %swap3A_100 : vector<1x16xf32> to vector<16xf32>
      %swap3A_102 = vector.shape_cast %broadcast_in_dim3A_3 : vector<16xf32> to vector<1x16xf32>
      tpu.vector_store %arg7[%swap3A_98, %swap3A_99], %swap3A_102 {strides = array<i32>} : memref<64x128xf32, #tpu.memory_space<vmem>>, vector<1x16xf32>,
      %swap3A_103 = arith.index_cast %scan3A_78 : i32 to index
      %swap3A_104 = arith.constant 80 : index
      %swap3A_105 = tpu.vector_load %arg7[%swap3A_103, %swap3A_104] {strides = array<i32>} : memref<64x128xf32, #tpu.memory_space<vmem>>, vector<1x16xf32>,
      %swap3A_106 = vector.shape_cast %swap3A_105 : vector<1x16xf32> to vector<16xf32>
      %swap3A_107 = vector.shape_cast %broadcast_in_dim3A_3 : vector<16xf32> to vector<1x16xf32>
      tpu.vector_store %arg7[%swap3A_103, %swap3A_104], %swap3A_107 {strides = array<i32>} : memref<64x128xf32, #tpu.memory_space<vmem>>, vector<1x16xf32>,
      %swap3A_108 = arith.index_cast %scan3A_78 : i32 to index
      %swap3A_109 = arith.constant 96 : index
      %swap3A_110 = tpu.vector_load %arg7[%swap3A_108, %swap3A_109] {strides = array<i32>} : memref<64x128xf32, #tpu.memory_space<vmem>>, vector<1x16xf32>,
      %swap3A_111 = vector.shape_cast %swap3A_110 : vector<1x16xf32> to vector<16xf32>
      %swap3A_112 = vector.shape_cast %broadcast_in_dim3A_3 : vector<16xf32> to vector<1x16xf32>
      tpu.vector_store %arg7[%swap3A_108, %swap3A_109], %swap3A_112 {strides = array<i32>} : memref<64x128xf32, #tpu.memory_space<vmem>>, vector<1x16xf32>,
      %swap3A_113 = arith.index_cast %scan3A_78 : i32 to index
      %swap3A_114 = arith.constant 112 : index
      %swap3A_115 = tpu.vector_load %arg7[%swap3A_113, %swap3A_114] {strides = array<i32>} : memref<64x128xf32, #tpu.memory_space<vmem>>, vector<1x16xf32>,
      %swap3A_116 = vector.shape_cast %swap3A_115 : vector<1x16xf32> to vector<16xf32>
      %swap3A_117 = vector.shape_cast %broadcast_in_dim3A_3 : vector<16xf32> to vector<1x16xf32>
      tpu.vector_store %arg7[%swap3A_113, %swap3A_114], %swap3A_117 {strides = array<i32>} : memref<64x128xf32, #tpu.memory_space<vmem>>, vector<1x16xf32>,
    }
    %scan3A_7 = arith.constant 64 : i32
    %div3A = arith.constant 0 : i32
    %div3A_8 = arith.constant 2 : i32
    %div3A_9 = arith.divsi %div3A, %div3A_8 : i32
    %rem3A = arith.constant 0 : i32
    %rem3A_10 = arith.constant 2 : i32
    %rem3A_11 = arith.remsi %rem3A, %rem3A_10 : i32
    %dma_start3A = arith.constant 0 : i32
    %dma_start3A_12 = arith.constant 0 : i32
    %dma_start3A_13 = arith.constant 0 : i32
    %dma_start3A_14 = tpu.memref_slice %arg6[%dma_start3A, %dma_start3A_12, %dma_start3A_13] : memref<4x104x128xf32, #tpu.memory_space<vmem>> -> memref<1x104x128xf32, #tpu.memory_space<vmem>>
    %dma_start3A_15 = tpu.memref_squeeze %dma_start3A_14 : memref<1x104x128xf32, #tpu.memory_space<vmem>> -> memref<104x128xf32, #tpu.memory_space<vmem>>
    %dma_start3A_16 = arith.constant 0 : i32
    %dma_start3A_17 = tpu.memref_slice %arg5[%div3A_9, %rem3A_11, %dma_start3A_16] : memref<64x2x104xi32, #tpu.memory_space<vmem>> -> memref<1x1x104xi32, #tpu.memory_space<vmem>>
    %dma_start3A_18 = tpu.memref_squeeze %dma_start3A_17 : memref<1x1x104xi32, #tpu.memory_space<vmem>> -> memref<104xi32, #tpu.memory_space<vmem>>
    %dma_start3A_19 = arith.constant 0 : i32
    %dma_start3A_20 = arith.constant 0 : i32
    %dma_start3A_21 = tpu.memref_slice %arg3[%dma_start3A_19, %dma_start3A_20] : memref<100000x128xf32, #tpu.memory_space<hbm>> -> memref<100000x128xf32, #tpu.memory_space<hbm>>
    tpu.enqueue_indirect_dma source(%dma_start3A_21 : memref<100000x128xf32, #tpu.memory_space<hbm>>) target(%dma_start3A_15 : memref<104x128xf32, #tpu.memory_space<vmem>>) offsets(%dma_start3A_18 : memref<104xi32, #tpu.memory_space<vmem>>) semaphore(%arg8 : memref<!tpu.dma_semaphore, #tpu.memory_space<semaphore_mem>>)
    %div3A_22 = arith.constant 1 : i32
    %div3A_23 = arith.constant 2 : i32
    %div3A_24 = arith.divsi %div3A_22, %div3A_23 : i32
    %rem3A_25 = arith.constant 1 : i32
    %rem3A_26 = arith.constant 2 : i32
    %rem3A_27 = arith.remsi %rem3A_25, %rem3A_26 : i32
    %dma_start3A_28 = arith.constant 1 : i32
    %dma_start3A_29 = arith.constant 0 : i32
    %dma_start3A_30 = arith.constant 0 : i32
    %dma_start3A_31 = tpu.memref_slice %arg6[%dma_start3A_28, %dma_start3A_29, %dma_start3A_30] : memref<4x104x128xf32, #tpu.memory_space<vmem>> -> memref<1x104x128xf32, #tpu.memory_space<vmem>>
    %dma_start3A_32 = tpu.memref_squeeze %dma_start3A_31 : memref<1x104x128xf32, #tpu.memory_space<vmem>> -> memref<104x128xf32, #tpu.memory_space<vmem>>
    %dma_start3A_33 = arith.constant 0 : i32
    %dma_start3A_34 = tpu.memref_slice %arg5[%div3A_24, %rem3A_27, %dma_start3A_33] : memref<64x2x104xi32, #tpu.memory_space<vmem>> -> memref<1x1x104xi32, #tpu.memory_space<vmem>>
    %dma_start3A_35 = tpu.memref_squeeze %dma_start3A_34 : memref<1x1x104xi32, #tpu.memory_space<vmem>> -> memref<104xi32, #tpu.memory_space<vmem>>
    %dma_start3A_36 = arith.constant 0 : i32
    %dma_start3A_37 = arith.constant 0 : i32
    %dma_start3A_38 = tpu.memref_slice %arg3[%dma_start3A_36, %dma_start3A_37] : memref<100000x128xf32, #tpu.memory_space<hbm>> -> memref<100000x128xf32, #tpu.memory_space<hbm>>
    tpu.enqueue_indirect_dma source(%dma_start3A_38 : memref<100000x128xf32, #tpu.memory_space<hbm>>) target(%dma_start3A_32 : memref<104x128xf32, #tpu.memory_space<vmem>>) offsets(%dma_start3A_35 : memref<104xi32, #tpu.memory_space<vmem>>) semaphore(%arg9 : memref<!tpu.dma_semaphore, #tpu.memory_space<semaphore_mem>>)
    %div3A_39 = arith.constant 2 : i32
    %div3A_40 = arith.constant 2 : i32
    %div3A_41 = arith.divsi %div3A_39, %div3A_40 : i32
    %rem3A_42 = arith.constant 2 : i32
    %rem3A_43 = arith.constant 2 : i32
    %rem3A_44 = arith.remsi %rem3A_42, %rem3A_43 : i32
    %dma_start3A_45 = arith.constant 2 : i32
    %dma_start3A_46 = arith.constant 0 : i32
    %dma_start3A_47 = arith.constant 0 : i32
    %dma_start3A_48 = tpu.memref_slice %arg6[%dma_start3A_45, %dma_start3A_46, %dma_start3A_47] : memref<4x104x128xf32, #tpu.memory_space<vmem>> -> memref<1x104x128xf32, #tpu.memory_space<vmem>>
    %dma_start3A_49 = tpu.memref_squeeze %dma_start3A_48 : memref<1x104x128xf32, #tpu.memory_space<vmem>> -> memref<104x128xf32, #tpu.memory_space<vmem>>
    %dma_start3A_50 = arith.constant 0 : i32
    %dma_start3A_51 = tpu.memref_slice %arg5[%div3A_41, %rem3A_44, %dma_start3A_50] : memref<64x2x104xi32, #tpu.memory_space<vmem>> -> memref<1x1x104xi32, #tpu.memory_space<vmem>>
    %dma_start3A_52 = tpu.memref_squeeze %dma_start3A_51 : memref<1x1x104xi32, #tpu.memory_space<vmem>> -> memref<104xi32, #tpu.memory_space<vmem>>
    %dma_start3A_53 = arith.constant 0 : i32
    %dma_start3A_54 = arith.constant 0 : i32
    %dma_start3A_55 = tpu.memref_slice %arg3[%dma_start3A_53, %dma_start3A_54] : memref<100000x128xf32, #tpu.memory_space<hbm>> -> memref<100000x128xf32, #tpu.memory_space<hbm>>
    tpu.enqueue_indirect_dma source(%dma_start3A_55 : memref<100000x128xf32, #tpu.memory_space<hbm>>) target(%dma_start3A_49 : memref<104x128xf32, #tpu.memory_space<vmem>>) offsets(%dma_start3A_52 : memref<104xi32, #tpu.memory_space<vmem>>) semaphore(%arg10 : memref<!tpu.dma_semaphore, #tpu.memory_space<semaphore_mem>>)
    %div3A_56 = arith.constant 3 : i32
    %div3A_57 = arith.constant 2 : i32
    %div3A_58 = arith.divsi %div3A_56, %div3A_57 : i32
    %rem3A_59 = arith.constant 3 : i32
    %rem3A_60 = arith.constant 2 : i32
    %rem3A_61 = arith.remsi %rem3A_59, %rem3A_60 : i32
    %dma_start3A_62 = arith.constant 3 : i32
    %dma_start3A_63 = arith.constant 0 : i32
    %dma_start3A_64 = arith.constant 0 : i32
    %dma_start3A_65 = tpu.memref_slice %arg6[%dma_start3A_62, %dma_start3A_63, %dma_start3A_64] : memref<4x104x128xf32, #tpu.memory_space<vmem>> -> memref<1x104x128xf32, #tpu.memory_space<vmem>>
    %dma_start3A_66 = tpu.memref_squeeze %dma_start3A_65 : memref<1x104x128xf32, #tpu.memory_space<vmem>> -> memref<104x128xf32, #tpu.memory_space<vmem>>
    %dma_start3A_67 = arith.constant 0 : i32
    %dma_start3A_68 = tpu.memref_slice %arg5[%div3A_58, %rem3A_61, %dma_start3A_67] : memref<64x2x104xi32, #tpu.memory_space<vmem>> -> memref<1x1x104xi32, #tpu.memory_space<vmem>>
    %dma_start3A_69 = tpu.memref_squeeze %dma_start3A_68 : memref<1x1x104xi32, #tpu.memory_space<vmem>> -> memref<104xi32, #tpu.memory_space<vmem>>
    %dma_start3A_70 = arith.constant 0 : i32
    %dma_start3A_71 = arith.constant 0 : i32
    %dma_start3A_72 = tpu.memref_slice %arg3[%dma_start3A_70, %dma_start3A_71] : memref<100000x128xf32, #tpu.memory_space<hbm>> -> memref<100000x128xf32, #tpu.memory_space<hbm>>
    tpu.enqueue_indirect_dma source(%dma_start3A_72 : memref<100000x128xf32, #tpu.memory_space<hbm>>) target(%dma_start3A_66 : memref<104x128xf32, #tpu.memory_space<vmem>>) offsets(%dma_start3A_69 : memref<104xi32, #tpu.memory_space<vmem>>) semaphore(%arg11 : memref<!tpu.dma_semaphore, #tpu.memory_space<semaphore_mem>>)
    %scan3A_73 = arith.constant 0 : i32
    %scan3A_74 = arith.constant 32 : i32
    %scan3A_75 = arith.addi %scan3A_73, %scan3A_74 : i32
    %scan3A_76 = arith.constant 1 : i32
    scf.for %scan3A_78 = %scan3A_73 to %scan3A_75 step %scan3A_76  : i32 {
      %mul3A_79 = arith.constant 4 : i32
      %mul3A_80 = arith.muli %scan3A_78, %mul3A_79 : i32
      %add3A_81 = arith.constant 0 : i32
      %add3A_82 = arith.addi %mul3A_80, %add3A_81 : i32
      %dma_wait3A = arith.constant 0 : i32
      %dma_wait3A_83 = arith.constant 0 : i32
      %dma_wait3A_84 = arith.constant 0 : i32
      %dma_wait3A_85 = arith.constant 0 : i32
      %dma_wait3A_86 = arith.constant 0 : i32
      %dma_wait3A_87 = tpu.memref_slice %arg6[%dma_wait3A_84, %dma_wait3A_85, %dma_wait3A_86] : memref<4x104x128xf32, #tpu.memory_space<vmem>> -> memref<1x104x128xf32, #tpu.memory_space<vmem>>
      %dma_wait3A_88 = tpu.memref_squeeze %dma_wait3A_87 : memref<1x104x128xf32, #tpu.memory_space<vmem>> -> memref<104x128xf32, #tpu.memory_space<vmem>>
      %dma_wait3A_89 = arith.constant 0 : i32
      %dma_wait3A_90 = tpu.memref_slice %arg5[%dma_wait3A, %dma_wait3A_83, %dma_wait3A_89] : memref<64x2x104xi32, #tpu.memory_space<vmem>> -> memref<1x1x104xi32, #tpu.memory_space<vmem>>
      %dma_wait3A_91 = tpu.memref_squeeze %dma_wait3A_90 : memref<1x1x104xi32, #tpu.memory_space<vmem>> -> memref<104xi32, #tpu.memory_space<vmem>>
      %dma_wait3A_92 = arith.constant 0 : i32
      %dma_wait3A_93 = arith.constant 0 : i32
      %dma_wait3A_94 = tpu.memref_slice %arg3[%dma_wait3A_92, %dma_wait3A_93] : memref<100000x128xf32, #tpu.memory_space<hbm>> -> memref<100000x128xf32, #tpu.memory_space<hbm>>
      tpu.wait_indirect_dma semaphore(%arg8 : memref<!tpu.dma_semaphore, #tpu.memory_space<semaphore_mem>>) src(%dma_wait3A_94 : memref<100000x128xf32, #tpu.memory_space<hbm>>) dst(%dma_wait3A_88 : memref<104x128xf32, #tpu.memory_space<vmem>>)
      %div3A_95 = arith.constant 2 : i32
      %div3A_96 = arith.divsi %add3A_82, %div3A_95 : i32
      %scan3A_97 = arith.constant 0 : i32
      %scan3A_98 = arith.constant 0 : i32
      %scan3A_99 = arith.constant 104 : i32
      %scan3A_100 = arith.addi %scan3A_98, %scan3A_99 : i32
      %scan3A_101 = arith.constant 1 : i32
      %scan3A_102:8 = scf.for %scan3A_525 = %scan3A_98 to %scan3A_100 step %scan3A_101 iter_args(%scan3A_526 = %broadcast_in_dim3A_3, %scan3A_527 = %broadcast_in_dim3A_3, %scan3A_528 = %broadcast_in_dim3A_3, %scan3A_529 = %broadcast_in_dim3A_3, %scan3A_530 = %broadcast_in_dim3A_3, %scan3A_531 = %broadcast_in_dim3A_3, %scan3A_532 = %broadcast_in_dim3A_3, %scan3A_533 = %broadcast_in_dim3A_3) -> (vector<16xf32>, vector<16xf32>, vector<16xf32>, vector<16xf32>, vector<16xf32>, vector<16xf32>, vector<16xf32>, vector<16xf32>)  : i32 {
        %get3A_534 = arith.constant 0 : i32
        %get3A_535 = arith.constant 0 : i32
        %get3A_536 = tpu.memref_slice %arg6[%scan3A_97, %get3A_534, %get3A_535] : memref<4x104x128xf32, #tpu.memory_space<vmem>> -> memref<1x104x128xf32, #tpu.memory_space<vmem>>
        %get3A_537 = tpu.memref_squeeze %get3A_536 : memref<1x104x128xf32, #tpu.memory_space<vmem>> -> memref<104x128xf32, #tpu.memory_space<vmem>>
        %get3A_538 = arith.index_cast %scan3A_525 : i32 to index
        %get3A_539 = arith.constant 0 : index
        %get3A_540 = tpu.vector_load %get3A_537[%get3A_538, %get3A_539] {strides = array<i32>} : memref<104x128xf32, #tpu.memory_space<vmem>>, vector<1x16xf32>,
        %get3A_541 = vector.shape_cast %get3A_540 : vector<1x16xf32> to vector<16xf32>
        %add3A_542 = arith.addf %scan3A_526, %get3A_541 : vector<16xf32>
        %get3A_543 = arith.constant 0 : i32
        %get3A_544 = arith.constant 0 : i32
        %get3A_545 = tpu.memref_slice %arg6[%scan3A_97, %get3A_543, %get3A_544] : memref<4x104x128xf32, #tpu.memory_space<vmem>> -> memref<1x104x128xf32, #tpu.memory_space<vmem>>
        %get3A_546 = tpu.memref_squeeze %get3A_545 : memref<1x104x128xf32, #tpu.memory_space<vmem>> -> memref<104x128xf32, #tpu.memory_space<vmem>>
        %get3A_547 = arith.index_cast %scan3A_525 : i32 to index
        %get3A_548 = arith.constant 16 : index
        %get3A_549 = tpu.vector_load %get3A_546[%get3A_547, %get3A_548] {strides = array<i32>} : memref<104x128xf32, #tpu.memory_space<vmem>>, vector<1x16xf32>,
        %get3A_550 = vector.shape_cast %get3A_549 : vector<1x16xf32> to vector<16xf32>
        %add3A_551 = arith.addf %scan3A_527, %get3A_550 : vector<16xf32>
        %get3A_552 = arith.constant 0 : i32
        %get3A_553 = arith.constant 0 : i32
        %get3A_554 = tpu.memref_slice %arg6[%scan3A_97, %get3A_552, %get3A_553] : memref<4x104x128xf32, #tpu.memory_space<vmem>> -> memref<1x104x128xf32, #tpu.memory_space<vmem>>
        %get3A_555 = tpu.memref_squeeze %get3A_554 : memref<1x104x128xf32, #tpu.memory_space<vmem>> -> memref<104x128xf32, #tpu.memory_space<vmem>>
        %get3A_556 = arith.index_cast %scan3A_525 : i32 to index
        %get3A_557 = arith.constant 32 : index
        %get3A_558 = tpu.vector_load %get3A_555[%get3A_556, %get3A_557] {strides = array<i32>} : memref<104x128xf32, #tpu.memory_space<vmem>>, vector<1x16xf32>,
        %get3A_559 = vector.shape_cast %get3A_558 : vector<1x16xf32> to vector<16xf32>
        %add3A_560 = arith.addf %scan3A_528, %get3A_559 : vector<16xf32>
        %get3A_561 = arith.constant 0 : i32
        %get3A_562 = arith.constant 0 : i32
        %get3A_563 = tpu.memref_slice %arg6[%scan3A_97, %get3A_561, %get3A_562] : memref<4x104x128xf32, #tpu.memory_space<vmem>> -> memref<1x104x128xf32, #tpu.memory_space<vmem>>
        %get3A_564 = tpu.memref_squeeze %get3A_563 : memref<1x104x128xf32, #tpu.memory_space<vmem>> -> memref<104x128xf32, #tpu.memory_space<vmem>>
        %get3A_565 = arith.index_cast %scan3A_525 : i32 to index
        %get3A_566 = arith.constant 48 : index
        %get3A_567 = tpu.vector_load %get3A_564[%get3A_565, %get3A_566] {strides = array<i32>} : memref<104x128xf32, #tpu.memory_space<vmem>>, vector<1x16xf32>,
        %get3A_568 = vector.shape_cast %get3A_567 : vector<1x16xf32> to vector<16xf32>
        %add3A_569 = arith.addf %scan3A_529, %get3A_568 : vector<16xf32>
        %get3A_570 = arith.constant 0 : i32
        %get3A_571 = arith.constant 0 : i32
        %get3A_572 = tpu.memref_slice %arg6[%scan3A_97, %get3A_570, %get3A_571] : memref<4x104x128xf32, #tpu.memory_space<vmem>> -> memref<1x104x128xf32, #tpu.memory_space<vmem>>
        %get3A_573 = tpu.memref_squeeze %get3A_572 : memref<1x104x128xf32, #tpu.memory_space<vmem>> -> memref<104x128xf32, #tpu.memory_space<vmem>>
        %get3A_574 = arith.index_cast %scan3A_525 : i32 to index
        %get3A_575 = arith.constant 64 : index
        %get3A_576 = tpu.vector_load %get3A_573[%get3A_574, %get3A_575] {strides = array<i32>} : memref<104x128xf32, #tpu.memory_space<vmem>>, vector<1x16xf32>,
        %get3A_577 = vector.shape_cast %get3A_576 : vector<1x16xf32> to vector<16xf32>
        %add3A_578 = arith.addf %scan3A_530, %get3A_577 : vector<16xf32>
        %get3A_579 = arith.constant 0 : i32
        %get3A_580 = arith.constant 0 : i32
        %get3A_581 = tpu.memref_slice %arg6[%scan3A_97, %get3A_579, %get3A_580] : memref<4x104x128xf32, #tpu.memory_space<vmem>> -> memref<1x104x128xf32, #tpu.memory_space<vmem>>
        %get3A_582 = tpu.memref_squeeze %get3A_581 : memref<1x104x128xf32, #tpu.memory_space<vmem>> -> memref<104x128xf32, #tpu.memory_space<vmem>>
        %get3A_583 = arith.index_cast %scan3A_525 : i32 to index
        %get3A_584 = arith.constant 80 : index
        %get3A_585 = tpu.vector_load %get3A_582[%get3A_583, %get3A_584] {strides = array<i32>} : memref<104x128xf32, #tpu.memory_space<vmem>>, vector<1x16xf32>,
        %get3A_586 = vector.shape_cast %get3A_585 : vector<1x16xf32> to vector<16xf32>
        %add3A_587 = arith.addf %scan3A_531, %get3A_586 : vector<16xf32>
        %get3A_588 = arith.constant 0 : i32
        %get3A_589 = arith.constant 0 : i32
        %get3A_590 = tpu.memref_slice %arg6[%scan3A_97, %get3A_588, %get3A_589] : memref<4x104x128xf32, #tpu.memory_space<vmem>> -> memref<1x104x128xf32, #tpu.memory_space<vmem>>
        %get3A_591 = tpu.memref_squeeze %get3A_590 : memref<1x104x128xf32, #tpu.memory_space<vmem>> -> memref<104x128xf32, #tpu.memory_space<vmem>>
        %get3A_592 = arith.index_cast %scan3A_525 : i32 to index
        %get3A_593 = arith.constant 96 : index
        %get3A_594 = tpu.vector_load %get3A_591[%get3A_592, %get3A_593] {strides = array<i32>} : memref<104x128xf32, #tpu.memory_space<vmem>>, vector<1x16xf32>,
        %get3A_595 = vector.shape_cast %get3A_594 : vector<1x16xf32> to vector<16xf32>
        %add3A_596 = arith.addf %scan3A_532, %get3A_595 : vector<16xf32>
        %get3A_597 = arith.constant 0 : i32
        %get3A_598 = arith.constant 0 : i32
        %get3A_599 = tpu.memref_slice %arg6[%scan3A_97, %get3A_597, %get3A_598] : memref<4x104x128xf32, #tpu.memory_space<vmem>> -> memref<1x104x128xf32, #tpu.memory_space<vmem>>
        %get3A_600 = tpu.memref_squeeze %get3A_599 : memref<1x104x128xf32, #tpu.memory_space<vmem>> -> memref<104x128xf32, #tpu.memory_space<vmem>>
        %get3A_601 = arith.index_cast %scan3A_525 : i32 to index
        %get3A_602 = arith.constant 112 : index
        %get3A_603 = tpu.vector_load %get3A_600[%get3A_601, %get3A_602] {strides = array<i32>} : memref<104x128xf32, #tpu.memory_space<vmem>>, vector<1x16xf32>,
        %get3A_604 = vector.shape_cast %get3A_603 : vector<1x16xf32> to vector<16xf32>
        %add3A_605 = arith.addf %scan3A_533, %get3A_604 : vector<16xf32>
        scf.yield %add3A_542, %add3A_551, %add3A_560, %add3A_569, %add3A_578, %add3A_587, %add3A_596, %add3A_605 : vector<16xf32>, vector<16xf32>, vector<16xf32>, vector<16xf32>, vector<16xf32>, vector<16xf32>, vector<16xf32>, vector<16xf32>
      }
      %scan3A_103 = arith.constant 104 : i32
      %get3A = arith.index_cast %div3A_96 : i32 to index
      %get3A_104 = arith.constant 0 : index
      %get3A_105 = tpu.vector_load %arg7[%get3A, %get3A_104] {strides = array<i32>} : memref<64x128xf32, #tpu.memory_space<vmem>>, vector<1x16xf32>,
      %get3A_106 = vector.shape_cast %get3A_105 : vector<1x16xf32> to vector<16xf32>
      %add3A_107 = arith.addf %get3A_106, %scan3A_102#0 : vector<16xf32>
      %swap3A = arith.index_cast %div3A_96 : i32 to index
      %swap3A_108 = arith.constant 0 : index
      %swap3A_109 = tpu.vector_load %arg7[%swap3A, %swap3A_108] {strides = array<i32>} : memref<64x128xf32, #tpu.memory_space<vmem>>, vector<1x16xf32>,
      %swap3A_110 = vector.shape_cast %swap3A_109 : vector<1x16xf32> to vector<16xf32>
      %swap3A_111 = vector.shape_cast %add3A_107 : vector<16xf32> to vector<1x16xf32>
      tpu.vector_store %arg7[%swap3A, %swap3A_108], %swap3A_111 {strides = array<i32>} : memref<64x128xf32, #tpu.memory_space<vmem>>, vector<1x16xf32>,
      %get3A_112 = arith.index_cast %div3A_96 : i32 to index
      %get3A_113 = arith.constant 16 : index
      %get3A_114 = tpu.vector_load %arg7[%get3A_112, %get3A_113] {strides = array<i32>} : memref<64x128xf32, #tpu.memory_space<vmem>>, vector<1x16xf32>,
      %get3A_115 = vector.shape_cast %get3A_114 : vector<1x16xf32> to vector<16xf32>
      %add3A_116 = arith.addf %get3A_115, %scan3A_102#1 : vector<16xf32>
      %swap3A_117 = arith.index_cast %div3A_96 : i32 to index
      %swap3A_118 = arith.constant 16 : index
      %swap3A_119 = tpu.vector_load %arg7[%swap3A_117, %swap3A_118] {strides = array<i32>} : memref<64x128xf32, #tpu.memory_space<vmem>>, vector<1x16xf32>,
      %swap3A_120 = vector.shape_cast %swap3A_119 : vector<1x16xf32> to vector<16xf32>
      %swap3A_121 = vector.shape_cast %add3A_116 : vector<16xf32> to vector<1x16xf32>
      tpu.vector_store %arg7[%swap3A_117, %swap3A_118], %swap3A_121 {strides = array<i32>} : memref<64x128xf32, #tpu.memory_space<vmem>>, vector<1x16xf32>,
      %get3A_122 = arith.index_cast %div3A_96 : i32 to index
      %get3A_123 = arith.constant 32 : index
      %get3A_124 = tpu.vector_load %arg7[%get3A_122, %get3A_123] {strides = array<i32>} : memref<64x128xf32, #tpu.memory_space<vmem>>, vector<1x16xf32>,
      %get3A_125 = vector.shape_cast %get3A_124 : vector<1x16xf32> to vector<16xf32>
      %add3A_126 = arith.addf %get3A_125, %scan3A_102#2 : vector<16xf32>
      %swap3A_127 = arith.index_cast %div3A_96 : i32 to index
      %swap3A_128 = arith.constant 32 : index
      %swap3A_129 = tpu.vector_load %arg7[%swap3A_127, %swap3A_128] {strides = array<i32>} : memref<64x128xf32, #tpu.memory_space<vmem>>, vector<1x16xf32>,
      %swap3A_130 = vector.shape_cast %swap3A_129 : vector<1x16xf32> to vector<16xf32>
      %swap3A_131 = vector.shape_cast %add3A_126 : vector<16xf32> to vector<1x16xf32>
      tpu.vector_store %arg7[%swap3A_127, %swap3A_128], %swap3A_131 {strides = array<i32>} : memref<64x128xf32, #tpu.memory_space<vmem>>, vector<1x16xf32>,
      %get3A_132 = arith.index_cast %div3A_96 : i32 to index
      %get3A_133 = arith.constant 48 : index
      %get3A_134 = tpu.vector_load %arg7[%get3A_132, %get3A_133] {strides = array<i32>} : memref<64x128xf32, #tpu.memory_space<vmem>>, vector<1x16xf32>,
      %get3A_135 = vector.shape_cast %get3A_134 : vector<1x16xf32> to vector<16xf32>
      %add3A_136 = arith.addf %get3A_135, %scan3A_102#3 : vector<16xf32>
      %swap3A_137 = arith.index_cast %div3A_96 : i32 to index
      %swap3A_138 = arith.constant 48 : index
      %swap3A_139 = tpu.vector_load %arg7[%swap3A_137, %swap3A_138] {strides = array<i32>} : memref<64x128xf32, #tpu.memory_space<vmem>>, vector<1x16xf32>,
      %swap3A_140 = vector.shape_cast %swap3A_139 : vector<1x16xf32> to vector<16xf32>
      %swap3A_141 = vector.shape_cast %add3A_136 : vector<16xf32> to vector<1x16xf32>
      tpu.vector_store %arg7[%swap3A_137, %swap3A_138], %swap3A_141 {strides = array<i32>} : memref<64x128xf32, #tpu.memory_space<vmem>>, vector<1x16xf32>,
      %get3A_142 = arith.index_cast %div3A_96 : i32 to index
      %get3A_143 = arith.constant 64 : index
      %get3A_144 = tpu.vector_load %arg7[%get3A_142, %get3A_143] {strides = array<i32>} : memref<64x128xf32, #tpu.memory_space<vmem>>, vector<1x16xf32>,
      %get3A_145 = vector.shape_cast %get3A_144 : vector<1x16xf32> to vector<16xf32>
      %add3A_146 = arith.addf %get3A_145, %scan3A_102#4 : vector<16xf32>
      %swap3A_147 = arith.index_cast %div3A_96 : i32 to index
      %swap3A_148 = arith.constant 64 : index
      %swap3A_149 = tpu.vector_load %arg7[%swap3A_147, %swap3A_148] {strides = array<i32>} : memref<64x128xf32, #tpu.memory_space<vmem>>, vector<1x16xf32>,
      %swap3A_150 = vector.shape_cast %swap3A_149 : vector<1x16xf32> to vector<16xf32>
      %swap3A_151 = vector.shape_cast %add3A_146 : vector<16xf32> to vector<1x16xf32>
      tpu.vector_store %arg7[%swap3A_147, %swap3A_148], %swap3A_151 {strides = array<i32>} : memref<64x128xf32, #tpu.memory_space<vmem>>, vector<1x16xf32>,
      %get3A_152 = arith.index_cast %div3A_96 : i32 to index
      %get3A_153 = arith.constant 80 : index
      %get3A_154 = tpu.vector_load %arg7[%get3A_152, %get3A_153] {strides = array<i32>} : memref<64x128xf32, #tpu.memory_space<vmem>>, vector<1x16xf32>,
      %get3A_155 = vector.shape_cast %get3A_154 : vector<1x16xf32> to vector<16xf32>
      %add3A_156 = arith.addf %get3A_155, %scan3A_102#5 : vector<16xf32>
      %swap3A_157 = arith.index_cast %div3A_96 : i32 to index
      %swap3A_158 = arith.constant 80 : index
      %swap3A_159 = tpu.vector_load %arg7[%swap3A_157, %swap3A_158] {strides = array<i32>} : memref<64x128xf32, #tpu.memory_space<vmem>>, vector<1x16xf32>,
      %swap3A_160 = vector.shape_cast %swap3A_159 : vector<1x16xf32> to vector<16xf32>
      %swap3A_161 = vector.shape_cast %add3A_156 : vector<16xf32> to vector<1x16xf32>
      tpu.vector_store %arg7[%swap3A_157, %swap3A_158], %swap3A_161 {strides = array<i32>} : memref<64x128xf32, #tpu.memory_space<vmem>>, vector<1x16xf32>,
      %get3A_162 = arith.index_cast %div3A_96 : i32 to index
      %get3A_163 = arith.constant 96 : index
      %get3A_164 = tpu.vector_load %arg7[%get3A_162, %get3A_163] {strides = array<i32>} : memref<64x128xf32, #tpu.memory_space<vmem>>, vector<1x16xf32>,
      %get3A_165 = vector.shape_cast %get3A_164 : vector<1x16xf32> to vector<16xf32>
      %add3A_166 = arith.addf %get3A_165, %scan3A_102#6 : vector<16xf32>
      %swap3A_167 = arith.index_cast %div3A_96 : i32 to index
      %swap3A_168 = arith.constant 96 : index
      %swap3A_169 = tpu.vector_load %arg7[%swap3A_167, %swap3A_168] {strides = array<i32>} : memref<64x128xf32, #tpu.memory_space<vmem>>, vector<1x16xf32>,
      %swap3A_170 = vector.shape_cast %swap3A_169 : vector<1x16xf32> to vector<16xf32>
      %swap3A_171 = vector.shape_cast %add3A_166 : vector<16xf32> to vector<1x16xf32>
      tpu.vector_store %arg7[%swap3A_167, %swap3A_168], %swap3A_171 {strides = array<i32>} : memref<64x128xf32, #tpu.memory_space<vmem>>, vector<1x16xf32>,
      %get3A_172 = arith.index_cast %div3A_96 : i32 to index
      %get3A_173 = arith.constant 112 : index
      %get3A_174 = tpu.vector_load %arg7[%get3A_172, %get3A_173] {strides = array<i32>} : memref<64x128xf32, #tpu.memory_space<vmem>>, vector<1x16xf32>,
      %get3A_175 = vector.shape_cast %get3A_174 : vector<1x16xf32> to vector<16xf32>
      %add3A_176 = arith.addf %get3A_175, %scan3A_102#7 : vector<16xf32>
      %swap3A_177 = arith.index_cast %div3A_96 : i32 to index
      %swap3A_178 = arith.constant 112 : index
      %swap3A_179 = tpu.vector_load %arg7[%swap3A_177, %swap3A_178] {strides = array<i32>} : memref<64x128xf32, #tpu.memory_space<vmem>>, vector<1x16xf32>,
      %swap3A_180 = vector.shape_cast %swap3A_179 : vector<1x16xf32> to vector<16xf32>
      %swap3A_181 = vector.shape_cast %add3A_176 : vector<16xf32> to vector<1x16xf32>
      tpu.vector_store %arg7[%swap3A_177, %swap3A_178], %swap3A_181 {strides = array<i32>} : memref<64x128xf32, #tpu.memory_space<vmem>>, vector<1x16xf32>,
      %add3A_182 = arith.constant 4 : i32
      %add3A_183 = arith.addi %add3A_82, %add3A_182 : i32
      %lt3A = arith.constant 128 : i32
      %lt3A_184 = arith.cmpi slt, %add3A_183, %lt3A : i32
      %convert_element_type3A = arith.extui %lt3A_184 : i1 to i32
      %cond3A = arith.constant 0 : i32
      %cond3A_185 = arith.cmpi ne, %convert_element_type3A, %cond3A : i32
      scf.if %cond3A_185 {
        %add3A_525 = arith.constant 4 : i32
        %add3A_526 = arith.addi %add3A_82, %add3A_525 : i32
        %div3A_527 = arith.constant 2 : i32
        %div3A_528 = arith.divsi %add3A_526, %div3A_527 : i32
        %rem3A_529 = arith.constant 2 : i32
        %rem3A_530 = arith.remsi %add3A_526, %rem3A_529 : i32
        %dma_start3A_531 = arith.constant 0 : i32
        %dma_start3A_532 = arith.constant 0 : i32
        %dma_start3A_533 = arith.constant 0 : i32
        %dma_start3A_534 = tpu.memref_slice %arg6[%dma_start3A_531, %dma_start3A_532, %dma_start3A_533] : memref<4x104x128xf32, #tpu.memory_space<vmem>> -> memref<1x104x128xf32, #tpu.memory_space<vmem>>
        %dma_start3A_535 = tpu.memref_squeeze %dma_start3A_534 : memref<1x104x128xf32, #tpu.memory_space<vmem>> -> memref<104x128xf32, #tpu.memory_space<vmem>>
        %dma_start3A_536 = arith.constant 0 : i32
        %dma_start3A_537 = tpu.memref_slice %arg5[%div3A_528, %rem3A_530, %dma_start3A_536] : memref<64x2x104xi32, #tpu.memory_space<vmem>> -> memref<1x1x104xi32, #tpu.memory_space<vmem>>
        %dma_start3A_538 = tpu.memref_squeeze %dma_start3A_537 : memref<1x1x104xi32, #tpu.memory_space<vmem>> -> memref<104xi32, #tpu.memory_space<vmem>>
        %dma_start3A_539 = arith.constant 0 : i32
        %dma_start3A_540 = arith.constant 0 : i32
        %dma_start3A_541 = tpu.memref_slice %arg3[%dma_start3A_539, %dma_start3A_540] : memref<100000x128xf32, #tpu.memory_space<hbm>> -> memref<100000x128xf32, #tpu.memory_space<hbm>>
        tpu.enqueue_indirect_dma source(%dma_start3A_541 : memref<100000x128xf32, #tpu.memory_space<hbm>>) target(%dma_start3A_535 : memref<104x128xf32, #tpu.memory_space<vmem>>) offsets(%dma_start3A_538 : memref<104xi32, #tpu.memory_space<vmem>>) semaphore(%arg8 : memref<!tpu.dma_semaphore, #tpu.memory_space<semaphore_mem>>)
      } else {
      }
      %mul3A_186 = arith.constant 4 : i32
      %mul3A_187 = arith.muli %scan3A_78, %mul3A_186 : i32
      %add3A_188 = arith.constant 1 : i32
      %add3A_189 = arith.addi %mul3A_187, %add3A_188 : i32
      %dma_wait3A_190 = arith.constant 0 : i32
      %dma_wait3A_191 = arith.constant 0 : i32
      %dma_wait3A_192 = arith.constant 1 : i32
      %dma_wait3A_193 = arith.constant 0 : i32
      %dma_wait3A_194 = arith.constant 0 : i32
      %dma_wait3A_195 = tpu.memref_slice %arg6[%dma_wait3A_192, %dma_wait3A_193, %dma_wait3A_194] : memref<4x104x128xf32, #tpu.memory_space<vmem>> -> memref<1x104x128xf32, #tpu.memory_space<vmem>>
      %dma_wait3A_196 = tpu.memref_squeeze %dma_wait3A_195 : memref<1x104x128xf32, #tpu.memory_space<vmem>> -> memref<104x128xf32, #tpu.memory_space<vmem>>
      %dma_wait3A_197 = arith.constant 0 : i32
      %dma_wait3A_198 = tpu.memref_slice %arg5[%dma_wait3A_190, %dma_wait3A_191, %dma_wait3A_197] : memref<64x2x104xi32, #tpu.memory_space<vmem>> -> memref<1x1x104xi32, #tpu.memory_space<vmem>>
      %dma_wait3A_199 = tpu.memref_squeeze %dma_wait3A_198 : memref<1x1x104xi32, #tpu.memory_space<vmem>> -> memref<104xi32, #tpu.memory_space<vmem>>
      %dma_wait3A_200 = arith.constant 0 : i32
      %dma_wait3A_201 = arith.constant 0 : i32
      %dma_wait3A_202 = tpu.memref_slice %arg3[%dma_wait3A_200, %dma_wait3A_201] : memref<100000x128xf32, #tpu.memory_space<hbm>> -> memref<100000x128xf32, #tpu.memory_space<hbm>>
      tpu.wait_indirect_dma semaphore(%arg9 : memref<!tpu.dma_semaphore, #tpu.memory_space<semaphore_mem>>) src(%dma_wait3A_202 : memref<100000x128xf32, #tpu.memory_space<hbm>>) dst(%dma_wait3A_196 : memref<104x128xf32, #tpu.memory_space<vmem>>)
      %div3A_203 = arith.constant 2 : i32
      %div3A_204 = arith.divsi %add3A_189, %div3A_203 : i32
      %scan3A_205 = arith.constant 1 : i32
      %scan3A_206 = arith.constant 0 : i32
      %scan3A_207 = arith.constant 104 : i32
      %scan3A_208 = arith.addi %scan3A_206, %scan3A_207 : i32
      %scan3A_209 = arith.constant 1 : i32
      %scan3A_210:8 = scf.for %scan3A_525 = %scan3A_206 to %scan3A_208 step %scan3A_209 iter_args(%scan3A_526 = %broadcast_in_dim3A_3, %scan3A_527 = %broadcast_in_dim3A_3, %scan3A_528 = %broadcast_in_dim3A_3, %scan3A_529 = %broadcast_in_dim3A_3, %scan3A_530 = %broadcast_in_dim3A_3, %scan3A_531 = %broadcast_in_dim3A_3, %scan3A_532 = %broadcast_in_dim3A_3, %scan3A_533 = %broadcast_in_dim3A_3) -> (vector<16xf32>, vector<16xf32>, vector<16xf32>, vector<16xf32>, vector<16xf32>, vector<16xf32>, vector<16xf32>, vector<16xf32>)  : i32 {
        %get3A_534 = arith.constant 0 : i32
        %get3A_535 = arith.constant 0 : i32
        %get3A_536 = tpu.memref_slice %arg6[%scan3A_205, %get3A_534, %get3A_535] : memref<4x104x128xf32, #tpu.memory_space<vmem>> -> memref<1x104x128xf32, #tpu.memory_space<vmem>>
        %get3A_537 = tpu.memref_squeeze %get3A_536 : memref<1x104x128xf32, #tpu.memory_space<vmem>> -> memref<104x128xf32, #tpu.memory_space<vmem>>
        %get3A_538 = arith.index_cast %scan3A_525 : i32 to index
        %get3A_539 = arith.constant 0 : index
        %get3A_540 = tpu.vector_load %get3A_537[%get3A_538, %get3A_539] {strides = array<i32>} : memref<104x128xf32, #tpu.memory_space<vmem>>, vector<1x16xf32>,
        %get3A_541 = vector.shape_cast %get3A_540 : vector<1x16xf32> to vector<16xf32>
        %add3A_542 = arith.addf %scan3A_526, %get3A_541 : vector<16xf32>
        %get3A_543 = arith.constant 0 : i32
        %get3A_544 = arith.constant 0 : i32
        %get3A_545 = tpu.memref_slice %arg6[%scan3A_205, %get3A_543, %get3A_544] : memref<4x104x128xf32, #tpu.memory_space<vmem>> -> memref<1x104x128xf32, #tpu.memory_space<vmem>>
        %get3A_546 = tpu.memref_squeeze %get3A_545 : memref<1x104x128xf32, #tpu.memory_space<vmem>> -> memref<104x128xf32, #tpu.memory_space<vmem>>
        %get3A_547 = arith.index_cast %scan3A_525 : i32 to index
        %get3A_548 = arith.constant 16 : index
        %get3A_549 = tpu.vector_load %get3A_546[%get3A_547, %get3A_548] {strides = array<i32>} : memref<104x128xf32, #tpu.memory_space<vmem>>, vector<1x16xf32>,
        %get3A_550 = vector.shape_cast %get3A_549 : vector<1x16xf32> to vector<16xf32>
        %add3A_551 = arith.addf %scan3A_527, %get3A_550 : vector<16xf32>
        %get3A_552 = arith.constant 0 : i32
        %get3A_553 = arith.constant 0 : i32
        %get3A_554 = tpu.memref_slice %arg6[%scan3A_205, %get3A_552, %get3A_553] : memref<4x104x128xf32, #tpu.memory_space<vmem>> -> memref<1x104x128xf32, #tpu.memory_space<vmem>>
        %get3A_555 = tpu.memref_squeeze %get3A_554 : memref<1x104x128xf32, #tpu.memory_space<vmem>> -> memref<104x128xf32, #tpu.memory_space<vmem>>
        %get3A_556 = arith.index_cast %scan3A_525 : i32 to index
        %get3A_557 = arith.constant 32 : index
        %get3A_558 = tpu.vector_load %get3A_555[%get3A_556, %get3A_557] {strides = array<i32>} : memref<104x128xf32, #tpu.memory_space<vmem>>, vector<1x16xf32>,
        %get3A_559 = vector.shape_cast %get3A_558 : vector<1x16xf32> to vector<16xf32>
        %add3A_560 = arith.addf %scan3A_528, %get3A_559 : vector<16xf32>
        %get3A_561 = arith.constant 0 : i32
        %get3A_562 = arith.constant 0 : i32
        %get3A_563 = tpu.memref_slice %arg6[%scan3A_205, %get3A_561, %get3A_562] : memref<4x104x128xf32, #tpu.memory_space<vmem>> -> memref<1x104x128xf32, #tpu.memory_space<vmem>>
        %get3A_564 = tpu.memref_squeeze %get3A_563 : memref<1x104x128xf32, #tpu.memory_space<vmem>> -> memref<104x128xf32, #tpu.memory_space<vmem>>
        %get3A_565 = arith.index_cast %scan3A_525 : i32 to index
        %get3A_566 = arith.constant 48 : index
        %get3A_567 = tpu.vector_load %get3A_564[%get3A_565, %get3A_566] {strides = array<i32>} : memref<104x128xf32, #tpu.memory_space<vmem>>, vector<1x16xf32>,
        %get3A_568 = vector.shape_cast %get3A_567 : vector<1x16xf32> to vector<16xf32>
        %add3A_569 = arith.addf %scan3A_529, %get3A_568 : vector<16xf32>
        %get3A_570 = arith.constant 0 : i32
        %get3A_571 = arith.constant 0 : i32
        %get3A_572 = tpu.memref_slice %arg6[%scan3A_205, %get3A_570, %get3A_571] : memref<4x104x128xf32, #tpu.memory_space<vmem>> -> memref<1x104x128xf32, #tpu.memory_space<vmem>>
        %get3A_573 = tpu.memref_squeeze %get3A_572 : memref<1x104x128xf32, #tpu.memory_space<vmem>> -> memref<104x128xf32, #tpu.memory_space<vmem>>
        %get3A_574 = arith.index_cast %scan3A_525 : i32 to index
        %get3A_575 = arith.constant 64 : index
        %get3A_576 = tpu.vector_load %get3A_573[%get3A_574, %get3A_575] {strides = array<i32>} : memref<104x128xf32, #tpu.memory_space<vmem>>, vector<1x16xf32>,
        %get3A_577 = vector.shape_cast %get3A_576 : vector<1x16xf32> to vector<16xf32>
        %add3A_578 = arith.addf %scan3A_530, %get3A_577 : vector<16xf32>
        %get3A_579 = arith.constant 0 : i32
        %get3A_580 = arith.constant 0 : i32
        %get3A_581 = tpu.memref_slice %arg6[%scan3A_205, %get3A_579, %get3A_580] : memref<4x104x128xf32, #tpu.memory_space<vmem>> -> memref<1x104x128xf32, #tpu.memory_space<vmem>>
        %get3A_582 = tpu.memref_squeeze %get3A_581 : memref<1x104x128xf32, #tpu.memory_space<vmem>> -> memref<104x128xf32, #tpu.memory_space<vmem>>
        %get3A_583 = arith.index_cast %scan3A_525 : i32 to index
        %get3A_584 = arith.constant 80 : index
        %get3A_585 = tpu.vector_load %get3A_582[%get3A_583, %get3A_584] {strides = array<i32>} : memref<104x128xf32, #tpu.memory_space<vmem>>, vector<1x16xf32>,
        %get3A_586 = vector.shape_cast %get3A_585 : vector<1x16xf32> to vector<16xf32>
        %add3A_587 = arith.addf %scan3A_531, %get3A_586 : vector<16xf32>
        %get3A_588 = arith.constant 0 : i32
        %get3A_589 = arith.constant 0 : i32
        %get3A_590 = tpu.memref_slice %arg6[%scan3A_205, %get3A_588, %get3A_589] : memref<4x104x128xf32, #tpu.memory_space<vmem>> -> memref<1x104x128xf32, #tpu.memory_space<vmem>>
        %get3A_591 = tpu.memref_squeeze %get3A_590 : memref<1x104x128xf32, #tpu.memory_space<vmem>> -> memref<104x128xf32, #tpu.memory_space<vmem>>
        %get3A_592 = arith.index_cast %scan3A_525 : i32 to index
        %get3A_593 = arith.constant 96 : index
        %get3A_594 = tpu.vector_load %get3A_591[%get3A_592, %get3A_593] {strides = array<i32>} : memref<104x128xf32, #tpu.memory_space<vmem>>, vector<1x16xf32>,
        %get3A_595 = vector.shape_cast %get3A_594 : vector<1x16xf32> to vector<16xf32>
        %add3A_596 = arith.addf %scan3A_532, %get3A_595 : vector<16xf32>
        %get3A_597 = arith.constant 0 : i32
        %get3A_598 = arith.constant 0 : i32
        %get3A_599 = tpu.memref_slice %arg6[%scan3A_205, %get3A_597, %get3A_598] : memref<4x104x128xf32, #tpu.memory_space<vmem>> -> memref<1x104x128xf32, #tpu.memory_space<vmem>>
        %get3A_600 = tpu.memref_squeeze %get3A_599 : memref<1x104x128xf32, #tpu.memory_space<vmem>> -> memref<104x128xf32, #tpu.memory_space<vmem>>
        %get3A_601 = arith.index_cast %scan3A_525 : i32 to index
        %get3A_602 = arith.constant 112 : index
        %get3A_603 = tpu.vector_load %get3A_600[%get3A_601, %get3A_602] {strides = array<i32>} : memref<104x128xf32, #tpu.memory_space<vmem>>, vector<1x16xf32>,
        %get3A_604 = vector.shape_cast %get3A_603 : vector<1x16xf32> to vector<16xf32>
        %add3A_605 = arith.addf %scan3A_533, %get3A_604 : vector<16xf32>
        scf.yield %add3A_542, %add3A_551, %add3A_560, %add3A_569, %add3A_578, %add3A_587, %add3A_596, %add3A_605 : vector<16xf32>, vector<16xf32>, vector<16xf32>, vector<16xf32>, vector<16xf32>, vector<16xf32>, vector<16xf32>, vector<16xf32>
      }
      %scan3A_211 = arith.constant 104 : i32
      %get3A_212 = arith.index_cast %div3A_204 : i32 to index
      %get3A_213 = arith.constant 0 : index
      %get3A_214 = tpu.vector_load %arg7[%get3A_212, %get3A_213] {strides = array<i32>} : memref<64x128xf32, #tpu.memory_space<vmem>>, vector<1x16xf32>,
      %get3A_215 = vector.shape_cast %get3A_214 : vector<1x16xf32> to vector<16xf32>
      %add3A_216 = arith.addf %get3A_215, %scan3A_210#0 : vector<16xf32>
      %swap3A_217 = arith.index_cast %div3A_204 : i32 to index
      %swap3A_218 = arith.constant 0 : index
      %swap3A_219 = tpu.vector_load %arg7[%swap3A_217, %swap3A_218] {strides = array<i32>} : memref<64x128xf32, #tpu.memory_space<vmem>>, vector<1x16xf32>,
      %swap3A_220 = vector.shape_cast %swap3A_219 : vector<1x16xf32> to vector<16xf32>
      %swap3A_221 = vector.shape_cast %add3A_216 : vector<16xf32> to vector<1x16xf32>
      tpu.vector_store %arg7[%swap3A_217, %swap3A_218], %swap3A_221 {strides = array<i32>} : memref<64x128xf32, #tpu.memory_space<vmem>>, vector<1x16xf32>,
      %get3A_222 = arith.index_cast %div3A_204 : i32 to index
      %get3A_223 = arith.constant 16 : index
      %get3A_224 = tpu.vector_load %arg7[%get3A_222, %get3A_223] {strides = array<i32>} : memref<64x128xf32, #tpu.memory_space<vmem>>, vector<1x16xf32>,
      %get3A_225 = vector.shape_cast %get3A_224 : vector<1x16xf32> to vector<16xf32>
      %add3A_226 = arith.addf %get3A_225, %scan3A_210#1 : vector<16xf32>
      %swap3A_227 = arith.index_cast %div3A_204 : i32 to index
      %swap3A_228 = arith.constant 16 : index
      %swap3A_229 = tpu.vector_load %arg7[%swap3A_227, %swap3A_228] {strides = array<i32>} : memref<64x128xf32, #tpu.memory_space<vmem>>, vector<1x16xf32>,
      %swap3A_230 = vector.shape_cast %swap3A_229 : vector<1x16xf32> to vector<16xf32>
      %swap3A_231 = vector.shape_cast %add3A_226 : vector<16xf32> to vector<1x16xf32>
      tpu.vector_store %arg7[%swap3A_227, %swap3A_228], %swap3A_231 {strides = array<i32>} : memref<64x128xf32, #tpu.memory_space<vmem>>, vector<1x16xf32>,
      %get3A_232 = arith.index_cast %div3A_204 : i32 to index
      %get3A_233 = arith.constant 32 : index
      %get3A_234 = tpu.vector_load %arg7[%get3A_232, %get3A_233] {strides = array<i32>} : memref<64x128xf32, #tpu.memory_space<vmem>>, vector<1x16xf32>,
      %get3A_235 = vector.shape_cast %get3A_234 : vector<1x16xf32> to vector<16xf32>
      %add3A_236 = arith.addf %get3A_235, %scan3A_210#2 : vector<16xf32>
      %swap3A_237 = arith.index_cast %div3A_204 : i32 to index
      %swap3A_238 = arith.constant 32 : index
      %swap3A_239 = tpu.vector_load %arg7[%swap3A_237, %swap3A_238] {strides = array<i32>} : memref<64x128xf32, #tpu.memory_space<vmem>>, vector<1x16xf32>,
      %swap3A_240 = vector.shape_cast %swap3A_239 : vector<1x16xf32> to vector<16xf32>
      %swap3A_241 = vector.shape_cast %add3A_236 : vector<16xf32> to vector<1x16xf32>
      tpu.vector_store %arg7[%swap3A_237, %swap3A_238], %swap3A_241 {strides = array<i32>} : memref<64x128xf32, #tpu.memory_space<vmem>>, vector<1x16xf32>,
      %get3A_242 = arith.index_cast %div3A_204 : i32 to index
      %get3A_243 = arith.constant 48 : index
      %get3A_244 = tpu.vector_load %arg7[%get3A_242, %get3A_243] {strides = array<i32>} : memref<64x128xf32, #tpu.memory_space<vmem>>, vector<1x16xf32>,
      %get3A_245 = vector.shape_cast %get3A_244 : vector<1x16xf32> to vector<16xf32>
      %add3A_246 = arith.addf %get3A_245, %scan3A_210#3 : vector<16xf32>
      %swap3A_247 = arith.index_cast %div3A_204 : i32 to index
      %swap3A_248 = arith.constant 48 : index
      %swap3A_249 = tpu.vector_load %arg7[%swap3A_247, %swap3A_248] {strides = array<i32>} : memref<64x128xf32, #tpu.memory_space<vmem>>, vector<1x16xf32>,
      %swap3A_250 = vector.shape_cast %swap3A_249 : vector<1x16xf32> to vector<16xf32>
      %swap3A_251 = vector.shape_cast %add3A_246 : vector<16xf32> to vector<1x16xf32>
      tpu.vector_store %arg7[%swap3A_247, %swap3A_248], %swap3A_251 {strides = array<i32>} : memref<64x128xf32, #tpu.memory_space<vmem>>, vector<1x16xf32>,
      %get3A_252 = arith.index_cast %div3A_204 : i32 to index
      %get3A_253 = arith.constant 64 : index
      %get3A_254 = tpu.vector_load %arg7[%get3A_252, %get3A_253] {strides = array<i32>} : memref<64x128xf32, #tpu.memory_space<vmem>>, vector<1x16xf32>,
      %get3A_255 = vector.shape_cast %get3A_254 : vector<1x16xf32> to vector<16xf32>
      %add3A_256 = arith.addf %get3A_255, %scan3A_210#4 : vector<16xf32>
      %swap3A_257 = arith.index_cast %div3A_204 : i32 to index
      %swap3A_258 = arith.constant 64 : index
      %swap3A_259 = tpu.vector_load %arg7[%swap3A_257, %swap3A_258] {strides = array<i32>} : memref<64x128xf32, #tpu.memory_space<vmem>>, vector<1x16xf32>,
      %swap3A_260 = vector.shape_cast %swap3A_259 : vector<1x16xf32> to vector<16xf32>
      %swap3A_261 = vector.shape_cast %add3A_256 : vector<16xf32> to vector<1x16xf32>
      tpu.vector_store %arg7[%swap3A_257, %swap3A_258], %swap3A_261 {strides = array<i32>} : memref<64x128xf32, #tpu.memory_space<vmem>>, vector<1x16xf32>,
      %get3A_262 = arith.index_cast %div3A_204 : i32 to index
      %get3A_263 = arith.constant 80 : index
      %get3A_264 = tpu.vector_load %arg7[%get3A_262, %get3A_263] {strides = array<i32>} : memref<64x128xf32, #tpu.memory_space<vmem>>, vector<1x16xf32>,
      %get3A_265 = vector.shape_cast %get3A_264 : vector<1x16xf32> to vector<16xf32>
      %add3A_266 = arith.addf %get3A_265, %scan3A_210#5 : vector<16xf32>
      %swap3A_267 = arith.index_cast %div3A_204 : i32 to index
      %swap3A_268 = arith.constant 80 : index
      %swap3A_269 = tpu.vector_load %arg7[%swap3A_267, %swap3A_268] {strides = array<i32>} : memref<64x128xf32, #tpu.memory_space<vmem>>, vector<1x16xf32>,
      %swap3A_270 = vector.shape_cast %swap3A_269 : vector<1x16xf32> to vector<16xf32>
      %swap3A_271 = vector.shape_cast %add3A_266 : vector<16xf32> to vector<1x16xf32>
      tpu.vector_store %arg7[%swap3A_267, %swap3A_268], %swap3A_271 {strides = array<i32>} : memref<64x128xf32, #tpu.memory_space<vmem>>, vector<1x16xf32>,
      %get3A_272 = arith.index_cast %div3A_204 : i32 to index
      %get3A_273 = arith.constant 96 : index
      %get3A_274 = tpu.vector_load %arg7[%get3A_272, %get3A_273] {strides = array<i32>} : memref<64x128xf32, #tpu.memory_space<vmem>>, vector<1x16xf32>,
      %get3A_275 = vector.shape_cast %get3A_274 : vector<1x16xf32> to vector<16xf32>
      %add3A_276 = arith.addf %get3A_275, %scan3A_210#6 : vector<16xf32>
      %swap3A_277 = arith.index_cast %div3A_204 : i32 to index
      %swap3A_278 = arith.constant 96 : index
      %swap3A_279 = tpu.vector_load %arg7[%swap3A_277, %swap3A_278] {strides = array<i32>} : memref<64x128xf32, #tpu.memory_space<vmem>>, vector<1x16xf32>,
      %swap3A_280 = vector.shape_cast %swap3A_279 : vector<1x16xf32> to vector<16xf32>
      %swap3A_281 = vector.shape_cast %add3A_276 : vector<16xf32> to vector<1x16xf32>
      tpu.vector_store %arg7[%swap3A_277, %swap3A_278], %swap3A_281 {strides = array<i32>} : memref<64x128xf32, #tpu.memory_space<vmem>>, vector<1x16xf32>,
      %get3A_282 = arith.index_cast %div3A_204 : i32 to index
      %get3A_283 = arith.constant 112 : index
      %get3A_284 = tpu.vector_load %arg7[%get3A_282, %get3A_283] {strides = array<i32>} : memref<64x128xf32, #tpu.memory_space<vmem>>, vector<1x16xf32>,
      %get3A_285 = vector.shape_cast %get3A_284 : vector<1x16xf32> to vector<16xf32>
      %add3A_286 = arith.addf %get3A_285, %scan3A_210#7 : vector<16xf32>
      %swap3A_287 = arith.index_cast %div3A_204 : i32 to index
      %swap3A_288 = arith.constant 112 : index
      %swap3A_289 = tpu.vector_load %arg7[%swap3A_287, %swap3A_288] {strides = array<i32>} : memref<64x128xf32, #tpu.memory_space<vmem>>, vector<1x16xf32>,
      %swap3A_290 = vector.shape_cast %swap3A_289 : vector<1x16xf32> to vector<16xf32>
      %swap3A_291 = vector.shape_cast %add3A_286 : vector<16xf32> to vector<1x16xf32>
      tpu.vector_store %arg7[%swap3A_287, %swap3A_288], %swap3A_291 {strides = array<i32>} : memref<64x128xf32, #tpu.memory_space<vmem>>, vector<1x16xf32>,
      %add3A_292 = arith.constant 4 : i32
      %add3A_293 = arith.addi %add3A_189, %add3A_292 : i32
      %lt3A_294 = arith.constant 128 : i32
      %lt3A_295 = arith.cmpi slt, %add3A_293, %lt3A_294 : i32
      %convert_element_type3A_296 = arith.extui %lt3A_295 : i1 to i32
      %cond3A_297 = arith.constant 0 : i32
      %cond3A_298 = arith.cmpi ne, %convert_element_type3A_296, %cond3A_297 : i32
      scf.if %cond3A_298 {
        %add3A_525 = arith.constant 4 : i32
        %add3A_526 = arith.addi %add3A_189, %add3A_525 : i32
        %div3A_527 = arith.constant 2 : i32
        %div3A_528 = arith.divsi %add3A_526, %div3A_527 : i32
        %rem3A_529 = arith.constant 2 : i32
        %rem3A_530 = arith.remsi %add3A_526, %rem3A_529 : i32
        %dma_start3A_531 = arith.constant 1 : i32
        %dma_start3A_532 = arith.constant 0 : i32
        %dma_start3A_533 = arith.constant 0 : i32
        %dma_start3A_534 = tpu.memref_slice %arg6[%dma_start3A_531, %dma_start3A_532, %dma_start3A_533] : memref<4x104x128xf32, #tpu.memory_space<vmem>> -> memref<1x104x128xf32, #tpu.memory_space<vmem>>
        %dma_start3A_535 = tpu.memref_squeeze %dma_start3A_534 : memref<1x104x128xf32, #tpu.memory_space<vmem>> -> memref<104x128xf32, #tpu.memory_space<vmem>>
        %dma_start3A_536 = arith.constant 0 : i32
        %dma_start3A_537 = tpu.memref_slice %arg5[%div3A_528, %rem3A_530, %dma_start3A_536] : memref<64x2x104xi32, #tpu.memory_space<vmem>> -> memref<1x1x104xi32, #tpu.memory_space<vmem>>
        %dma_start3A_538 = tpu.memref_squeeze %dma_start3A_537 : memref<1x1x104xi32, #tpu.memory_space<vmem>> -> memref<104xi32, #tpu.memory_space<vmem>>
        %dma_start3A_539 = arith.constant 0 : i32
        %dma_start3A_540 = arith.constant 0 : i32
        %dma_start3A_541 = tpu.memref_slice %arg3[%dma_start3A_539, %dma_start3A_540] : memref<100000x128xf32, #tpu.memory_space<hbm>> -> memref<100000x128xf32, #tpu.memory_space<hbm>>
        tpu.enqueue_indirect_dma source(%dma_start3A_541 : memref<100000x128xf32, #tpu.memory_space<hbm>>) target(%dma_start3A_535 : memref<104x128xf32, #tpu.memory_space<vmem>>) offsets(%dma_start3A_538 : memref<104xi32, #tpu.memory_space<vmem>>) semaphore(%arg9 : memref<!tpu.dma_semaphore, #tpu.memory_space<semaphore_mem>>)
      } else {
      }
      %mul3A_299 = arith.constant 4 : i32
      %mul3A_300 = arith.muli %scan3A_78, %mul3A_299 : i32
      %add3A_301 = arith.constant 2 : i32
      %add3A_302 = arith.addi %mul3A_300, %add3A_301 : i32
      %dma_wait3A_303 = arith.constant 0 : i32
      %dma_wait3A_304 = arith.constant 0 : i32
      %dma_wait3A_305 = arith.constant 2 : i32
      %dma_wait3A_306 = arith.constant 0 : i32
      %dma_wait3A_307 = arith.constant 0 : i32
      %dma_wait3A_308 = tpu.memref_slice %arg6[%dma_wait3A_305, %dma_wait3A_306, %dma_wait3A_307] : memref<4x104x128xf32, #tpu.memory_space<vmem>> -> memref<1x104x128xf32, #tpu.memory_space<vmem>>
      %dma_wait3A_309 = tpu.memref_squeeze %dma_wait3A_308 : memref<1x104x128xf32, #tpu.memory_space<vmem>> -> memref<104x128xf32, #tpu.memory_space<vmem>>
      %dma_wait3A_310 = arith.constant 0 : i32
      %dma_wait3A_311 = tpu.memref_slice %arg5[%dma_wait3A_303, %dma_wait3A_304, %dma_wait3A_310] : memref<64x2x104xi32, #tpu.memory_space<vmem>> -> memref<1x1x104xi32, #tpu.memory_space<vmem>>
      %dma_wait3A_312 = tpu.memref_squeeze %dma_wait3A_311 : memref<1x1x104xi32, #tpu.memory_space<vmem>> -> memref<104xi32, #tpu.memory_space<vmem>>
      %dma_wait3A_313 = arith.constant 0 : i32
      %dma_wait3A_314 = arith.constant 0 : i32
      %dma_wait3A_315 = tpu.memref_slice %arg3[%dma_wait3A_313, %dma_wait3A_314] : memref<100000x128xf32, #tpu.memory_space<hbm>> -> memref<100000x128xf32, #tpu.memory_space<hbm>>
      tpu.wait_indirect_dma semaphore(%arg10 : memref<!tpu.dma_semaphore, #tpu.memory_space<semaphore_mem>>) src(%dma_wait3A_315 : memref<100000x128xf32, #tpu.memory_space<hbm>>) dst(%dma_wait3A_309 : memref<104x128xf32, #tpu.memory_space<vmem>>)
      %div3A_316 = arith.constant 2 : i32
      %div3A_317 = arith.divsi %add3A_302, %div3A_316 : i32
      %scan3A_318 = arith.constant 2 : i32
      %scan3A_319 = arith.constant 0 : i32
      %scan3A_320 = arith.constant 104 : i32
      %scan3A_321 = arith.addi %scan3A_319, %scan3A_320 : i32
      %scan3A_322 = arith.constant 1 : i32
      %scan3A_323:8 = scf.for %scan3A_525 = %scan3A_319 to %scan3A_321 step %scan3A_322 iter_args(%scan3A_526 = %broadcast_in_dim3A_3, %scan3A_527 = %broadcast_in_dim3A_3, %scan3A_528 = %broadcast_in_dim3A_3, %scan3A_529 = %broadcast_in_dim3A_3, %scan3A_530 = %broadcast_in_dim3A_3, %scan3A_531 = %broadcast_in_dim3A_3, %scan3A_532 = %broadcast_in_dim3A_3, %scan3A_533 = %broadcast_in_dim3A_3) -> (vector<16xf32>, vector<16xf32>, vector<16xf32>, vector<16xf32>, vector<16xf32>, vector<16xf32>, vector<16xf32>, vector<16xf32>)  : i32 {
        %get3A_534 = arith.constant 0 : i32
        %get3A_535 = arith.constant 0 : i32
        %get3A_536 = tpu.memref_slice %arg6[%scan3A_318, %get3A_534, %get3A_535] : memref<4x104x128xf32, #tpu.memory_space<vmem>> -> memref<1x104x128xf32, #tpu.memory_space<vmem>>
        %get3A_537 = tpu.memref_squeeze %get3A_536 : memref<1x104x128xf32, #tpu.memory_space<vmem>> -> memref<104x128xf32, #tpu.memory_space<vmem>>
        %get3A_538 = arith.index_cast %scan3A_525 : i32 to index
        %get3A_539 = arith.constant 0 : index
        %get3A_540 = tpu.vector_load %get3A_537[%get3A_538, %get3A_539] {strides = array<i32>} : memref<104x128xf32, #tpu.memory_space<vmem>>, vector<1x16xf32>,
        %get3A_541 = vector.shape_cast %get3A_540 : vector<1x16xf32> to vector<16xf32>
        %add3A_542 = arith.addf %scan3A_526, %get3A_541 : vector<16xf32>
        %get3A_543 = arith.constant 0 : i32
        %get3A_544 = arith.constant 0 : i32
        %get3A_545 = tpu.memref_slice %arg6[%scan3A_318, %get3A_543, %get3A_544] : memref<4x104x128xf32, #tpu.memory_space<vmem>> -> memref<1x104x128xf32, #tpu.memory_space<vmem>>
        %get3A_546 = tpu.memref_squeeze %get3A_545 : memref<1x104x128xf32, #tpu.memory_space<vmem>> -> memref<104x128xf32, #tpu.memory_space<vmem>>
        %get3A_547 = arith.index_cast %scan3A_525 : i32 to index
        %get3A_548 = arith.constant 16 : index
        %get3A_549 = tpu.vector_load %get3A_546[%get3A_547, %get3A_548] {strides = array<i32>} : memref<104x128xf32, #tpu.memory_space<vmem>>, vector<1x16xf32>,
        %get3A_550 = vector.shape_cast %get3A_549 : vector<1x16xf32> to vector<16xf32>
        %add3A_551 = arith.addf %scan3A_527, %get3A_550 : vector<16xf32>
        %get3A_552 = arith.constant 0 : i32
        %get3A_553 = arith.constant 0 : i32
        %get3A_554 = tpu.memref_slice %arg6[%scan3A_318, %get3A_552, %get3A_553] : memref<4x104x128xf32, #tpu.memory_space<vmem>> -> memref<1x104x128xf32, #tpu.memory_space<vmem>>
        %get3A_555 = tpu.memref_squeeze %get3A_554 : memref<1x104x128xf32, #tpu.memory_space<vmem>> -> memref<104x128xf32, #tpu.memory_space<vmem>>
        %get3A_556 = arith.index_cast %scan3A_525 : i32 to index
        %get3A_557 = arith.constant 32 : index
        %get3A_558 = tpu.vector_load %get3A_555[%get3A_556, %get3A_557] {strides = array<i32>} : memref<104x128xf32, #tpu.memory_space<vmem>>, vector<1x16xf32>,
        %get3A_559 = vector.shape_cast %get3A_558 : vector<1x16xf32> to vector<16xf32>
        %add3A_560 = arith.addf %scan3A_528, %get3A_559 : vector<16xf32>
        %get3A_561 = arith.constant 0 : i32
        %get3A_562 = arith.constant 0 : i32
        %get3A_563 = tpu.memref_slice %arg6[%scan3A_318, %get3A_561, %get3A_562] : memref<4x104x128xf32, #tpu.memory_space<vmem>> -> memref<1x104x128xf32, #tpu.memory_space<vmem>>
        %get3A_564 = tpu.memref_squeeze %get3A_563 : memref<1x104x128xf32, #tpu.memory_space<vmem>> -> memref<104x128xf32, #tpu.memory_space<vmem>>
        %get3A_565 = arith.index_cast %scan3A_525 : i32 to index
        %get3A_566 = arith.constant 48 : index
        %get3A_567 = tpu.vector_load %get3A_564[%get3A_565, %get3A_566] {strides = array<i32>} : memref<104x128xf32, #tpu.memory_space<vmem>>, vector<1x16xf32>,
        %get3A_568 = vector.shape_cast %get3A_567 : vector<1x16xf32> to vector<16xf32>
        %add3A_569 = arith.addf %scan3A_529, %get3A_568 : vector<16xf32>
        %get3A_570 = arith.constant 0 : i32
        %get3A_571 = arith.constant 0 : i32
        %get3A_572 = tpu.memref_slice %arg6[%scan3A_318, %get3A_570, %get3A_571] : memref<4x104x128xf32, #tpu.memory_space<vmem>> -> memref<1x104x128xf32, #tpu.memory_space<vmem>>
        %get3A_573 = tpu.memref_squeeze %get3A_572 : memref<1x104x128xf32, #tpu.memory_space<vmem>> -> memref<104x128xf32, #tpu.memory_space<vmem>>
        %get3A_574 = arith.index_cast %scan3A_525 : i32 to index
        %get3A_575 = arith.constant 64 : index
        %get3A_576 = tpu.vector_load %get3A_573[%get3A_574, %get3A_575] {strides = array<i32>} : memref<104x128xf32, #tpu.memory_space<vmem>>, vector<1x16xf32>,
        %get3A_577 = vector.shape_cast %get3A_576 : vector<1x16xf32> to vector<16xf32>
        %add3A_578 = arith.addf %scan3A_530, %get3A_577 : vector<16xf32>
        %get3A_579 = arith.constant 0 : i32
        %get3A_580 = arith.constant 0 : i32
        %get3A_581 = tpu.memref_slice %arg6[%scan3A_318, %get3A_579, %get3A_580] : memref<4x104x128xf32, #tpu.memory_space<vmem>> -> memref<1x104x128xf32, #tpu.memory_space<vmem>>
        %get3A_582 = tpu.memref_squeeze %get3A_581 : memref<1x104x128xf32, #tpu.memory_space<vmem>> -> memref<104x128xf32, #tpu.memory_space<vmem>>
        %get3A_583 = arith.index_cast %scan3A_525 : i32 to index
        %get3A_584 = arith.constant 80 : index
        %get3A_585 = tpu.vector_load %get3A_582[%get3A_583, %get3A_584] {strides = array<i32>} : memref<104x128xf32, #tpu.memory_space<vmem>>, vector<1x16xf32>,
        %get3A_586 = vector.shape_cast %get3A_585 : vector<1x16xf32> to vector<16xf32>
        %add3A_587 = arith.addf %scan3A_531, %get3A_586 : vector<16xf32>
        %get3A_588 = arith.constant 0 : i32
        %get3A_589 = arith.constant 0 : i32
        %get3A_590 = tpu.memref_slice %arg6[%scan3A_318, %get3A_588, %get3A_589] : memref<4x104x128xf32, #tpu.memory_space<vmem>> -> memref<1x104x128xf32, #tpu.memory_space<vmem>>
        %get3A_591 = tpu.memref_squeeze %get3A_590 : memref<1x104x128xf32, #tpu.memory_space<vmem>> -> memref<104x128xf32, #tpu.memory_space<vmem>>
        %get3A_592 = arith.index_cast %scan3A_525 : i32 to index
        %get3A_593 = arith.constant 96 : index
        %get3A_594 = tpu.vector_load %get3A_591[%get3A_592, %get3A_593] {strides = array<i32>} : memref<104x128xf32, #tpu.memory_space<vmem>>, vector<1x16xf32>,
        %get3A_595 = vector.shape_cast %get3A_594 : vector<1x16xf32> to vector<16xf32>
        %add3A_596 = arith.addf %scan3A_532, %get3A_595 : vector<16xf32>
        %get3A_597 = arith.constant 0 : i32
        %get3A_598 = arith.constant 0 : i32
        %get3A_599 = tpu.memref_slice %arg6[%scan3A_318, %get3A_597, %get3A_598] : memref<4x104x128xf32, #tpu.memory_space<vmem>> -> memref<1x104x128xf32, #tpu.memory_space<vmem>>
        %get3A_600 = tpu.memref_squeeze %get3A_599 : memref<1x104x128xf32, #tpu.memory_space<vmem>> -> memref<104x128xf32, #tpu.memory_space<vmem>>
        %get3A_601 = arith.index_cast %scan3A_525 : i32 to index
        %get3A_602 = arith.constant 112 : index
        %get3A_603 = tpu.vector_load %get3A_600[%get3A_601, %get3A_602] {strides = array<i32>} : memref<104x128xf32, #tpu.memory_space<vmem>>, vector<1x16xf32>,
        %get3A_604 = vector.shape_cast %get3A_603 : vector<1x16xf32> to vector<16xf32>
        %add3A_605 = arith.addf %scan3A_533, %get3A_604 : vector<16xf32>
        scf.yield %add3A_542, %add3A_551, %add3A_560, %add3A_569, %add3A_578, %add3A_587, %add3A_596, %add3A_605 : vector<16xf32>, vector<16xf32>, vector<16xf32>, vector<16xf32>, vector<16xf32>, vector<16xf32>, vector<16xf32>, vector<16xf32>
      }
      %scan3A_324 = arith.constant 104 : i32
      %get3A_325 = arith.index_cast %div3A_317 : i32 to index
      %get3A_326 = arith.constant 0 : index
      %get3A_327 = tpu.vector_load %arg7[%get3A_325, %get3A_326] {strides = array<i32>} : memref<64x128xf32, #tpu.memory_space<vmem>>, vector<1x16xf32>,
      %get3A_328 = vector.shape_cast %get3A_327 : vector<1x16xf32> to vector<16xf32>
      %add3A_329 = arith.addf %get3A_328, %scan3A_323#0 : vector<16xf32>
      %swap3A_330 = arith.index_cast %div3A_317 : i32 to index
      %swap3A_331 = arith.constant 0 : index
      %swap3A_332 = tpu.vector_load %arg7[%swap3A_330, %swap3A_331] {strides = array<i32>} : memref<64x128xf32, #tpu.memory_space<vmem>>, vector<1x16xf32>,
      %swap3A_333 = vector.shape_cast %swap3A_332 : vector<1x16xf32> to vector<16xf32>
      %swap3A_334 = vector.shape_cast %add3A_329 : vector<16xf32> to vector<1x16xf32>
      tpu.vector_store %arg7[%swap3A_330, %swap3A_331], %swap3A_334 {strides = array<i32>} : memref<64x128xf32, #tpu.memory_space<vmem>>, vector<1x16xf32>,
      %get3A_335 = arith.index_cast %div3A_317 : i32 to index
      %get3A_336 = arith.constant 16 : index
      %get3A_337 = tpu.vector_load %arg7[%get3A_335, %get3A_336] {strides = array<i32>} : memref<64x128xf32, #tpu.memory_space<vmem>>, vector<1x16xf32>,
      %get3A_338 = vector.shape_cast %get3A_337 : vector<1x16xf32> to vector<16xf32>
      %add3A_339 = arith.addf %get3A_338, %scan3A_323#1 : vector<16xf32>
      %swap3A_340 = arith.index_cast %div3A_317 : i32 to index
      %swap3A_341 = arith.constant 16 : index
      %swap3A_342 = tpu.vector_load %arg7[%swap3A_340, %swap3A_341] {strides = array<i32>} : memref<64x128xf32, #tpu.memory_space<vmem>>, vector<1x16xf32>,
      %swap3A_343 = vector.shape_cast %swap3A_342 : vector<1x16xf32> to vector<16xf32>
      %swap3A_344 = vector.shape_cast %add3A_339 : vector<16xf32> to vector<1x16xf32>
      tpu.vector_store %arg7[%swap3A_340, %swap3A_341], %swap3A_344 {strides = array<i32>} : memref<64x128xf32, #tpu.memory_space<vmem>>, vector<1x16xf32>,
      %get3A_345 = arith.index_cast %div3A_317 : i32 to index
      %get3A_346 = arith.constant 32 : index
      %get3A_347 = tpu.vector_load %arg7[%get3A_345, %get3A_346] {strides = array<i32>} : memref<64x128xf32, #tpu.memory_space<vmem>>, vector<1x16xf32>,
      %get3A_348 = vector.shape_cast %get3A_347 : vector<1x16xf32> to vector<16xf32>
      %add3A_349 = arith.addf %get3A_348, %scan3A_323#2 : vector<16xf32>
      %swap3A_350 = arith.index_cast %div3A_317 : i32 to index
      %swap3A_351 = arith.constant 32 : index
      %swap3A_352 = tpu.vector_load %arg7[%swap3A_350, %swap3A_351] {strides = array<i32>} : memref<64x128xf32, #tpu.memory_space<vmem>>, vector<1x16xf32>,
      %swap3A_353 = vector.shape_cast %swap3A_352 : vector<1x16xf32> to vector<16xf32>
      %swap3A_354 = vector.shape_cast %add3A_349 : vector<16xf32> to vector<1x16xf32>
      tpu.vector_store %arg7[%swap3A_350, %swap3A_351], %swap3A_354 {strides = array<i32>} : memref<64x128xf32, #tpu.memory_space<vmem>>, vector<1x16xf32>,
      %get3A_355 = arith.index_cast %div3A_317 : i32 to index
      %get3A_356 = arith.constant 48 : index
      %get3A_357 = tpu.vector_load %arg7[%get3A_355, %get3A_356] {strides = array<i32>} : memref<64x128xf32, #tpu.memory_space<vmem>>, vector<1x16xf32>,
      %get3A_358 = vector.shape_cast %get3A_357 : vector<1x16xf32> to vector<16xf32>
      %add3A_359 = arith.addf %get3A_358, %scan3A_323#3 : vector<16xf32>
      %swap3A_360 = arith.index_cast %div3A_317 : i32 to index
      %swap3A_361 = arith.constant 48 : index
      %swap3A_362 = tpu.vector_load %arg7[%swap3A_360, %swap3A_361] {strides = array<i32>} : memref<64x128xf32, #tpu.memory_space<vmem>>, vector<1x16xf32>,
      %swap3A_363 = vector.shape_cast %swap3A_362 : vector<1x16xf32> to vector<16xf32>
      %swap3A_364 = vector.shape_cast %add3A_359 : vector<16xf32> to vector<1x16xf32>
      tpu.vector_store %arg7[%swap3A_360, %swap3A_361], %swap3A_364 {strides = array<i32>} : memref<64x128xf32, #tpu.memory_space<vmem>>, vector<1x16xf32>,
      %get3A_365 = arith.index_cast %div3A_317 : i32 to index
      %get3A_366 = arith.constant 64 : index
      %get3A_367 = tpu.vector_load %arg7[%get3A_365, %get3A_366] {strides = array<i32>} : memref<64x128xf32, #tpu.memory_space<vmem>>, vector<1x16xf32>,
      %get3A_368 = vector.shape_cast %get3A_367 : vector<1x16xf32> to vector<16xf32>
      %add3A_369 = arith.addf %get3A_368, %scan3A_323#4 : vector<16xf32>
      %swap3A_370 = arith.index_cast %div3A_317 : i32 to index
      %swap3A_371 = arith.constant 64 : index
      %swap3A_372 = tpu.vector_load %arg7[%swap3A_370, %swap3A_371] {strides = array<i32>} : memref<64x128xf32, #tpu.memory_space<vmem>>, vector<1x16xf32>,
      %swap3A_373 = vector.shape_cast %swap3A_372 : vector<1x16xf32> to vector<16xf32>
      %swap3A_374 = vector.shape_cast %add3A_369 : vector<16xf32> to vector<1x16xf32>
      tpu.vector_store %arg7[%swap3A_370, %swap3A_371], %swap3A_374 {strides = array<i32>} : memref<64x128xf32, #tpu.memory_space<vmem>>, vector<1x16xf32>,
      %get3A_375 = arith.index_cast %div3A_317 : i32 to index
      %get3A_376 = arith.constant 80 : index
      %get3A_377 = tpu.vector_load %arg7[%get3A_375, %get3A_376] {strides = array<i32>} : memref<64x128xf32, #tpu.memory_space<vmem>>, vector<1x16xf32>,
      %get3A_378 = vector.shape_cast %get3A_377 : vector<1x16xf32> to vector<16xf32>
      %add3A_379 = arith.addf %get3A_378, %scan3A_323#5 : vector<16xf32>
      %swap3A_380 = arith.index_cast %div3A_317 : i32 to index
      %swap3A_381 = arith.constant 80 : index
      %swap3A_382 = tpu.vector_load %arg7[%swap3A_380, %swap3A_381] {strides = array<i32>} : memref<64x128xf32, #tpu.memory_space<vmem>>, vector<1x16xf32>,
      %swap3A_383 = vector.shape_cast %swap3A_382 : vector<1x16xf32> to vector<16xf32>
      %swap3A_384 = vector.shape_cast %add3A_379 : vector<16xf32> to vector<1x16xf32>
      tpu.vector_store %arg7[%swap3A_380, %swap3A_381], %swap3A_384 {strides = array<i32>} : memref<64x128xf32, #tpu.memory_space<vmem>>, vector<1x16xf32>,
      %get3A_385 = arith.index_cast %div3A_317 : i32 to index
      %get3A_386 = arith.constant 96 : index
      %get3A_387 = tpu.vector_load %arg7[%get3A_385, %get3A_386] {strides = array<i32>} : memref<64x128xf32, #tpu.memory_space<vmem>>, vector<1x16xf32>,
      %get3A_388 = vector.shape_cast %get3A_387 : vector<1x16xf32> to vector<16xf32>
      %add3A_389 = arith.addf %get3A_388, %scan3A_323#6 : vector<16xf32>
      %swap3A_390 = arith.index_cast %div3A_317 : i32 to index
      %swap3A_391 = arith.constant 96 : index
      %swap3A_392 = tpu.vector_load %arg7[%swap3A_390, %swap3A_391] {strides = array<i32>} : memref<64x128xf32, #tpu.memory_space<vmem>>, vector<1x16xf32>,
      %swap3A_393 = vector.shape_cast %swap3A_392 : vector<1x16xf32> to vector<16xf32>
      %swap3A_394 = vector.shape_cast %add3A_389 : vector<16xf32> to vector<1x16xf32>
      tpu.vector_store %arg7[%swap3A_390, %swap3A_391], %swap3A_394 {strides = array<i32>} : memref<64x128xf32, #tpu.memory_space<vmem>>, vector<1x16xf32>,
      %get3A_395 = arith.index_cast %div3A_317 : i32 to index
      %get3A_396 = arith.constant 112 : index
      %get3A_397 = tpu.vector_load %arg7[%get3A_395, %get3A_396] {strides = array<i32>} : memref<64x128xf32, #tpu.memory_space<vmem>>, vector<1x16xf32>,
      %get3A_398 = vector.shape_cast %get3A_397 : vector<1x16xf32> to vector<16xf32>
      %add3A_399 = arith.addf %get3A_398, %scan3A_323#7 : vector<16xf32>
      %swap3A_400 = arith.index_cast %div3A_317 : i32 to index
      %swap3A_401 = arith.constant 112 : index
      %swap3A_402 = tpu.vector_load %arg7[%swap3A_400, %swap3A_401] {strides = array<i32>} : memref<64x128xf32, #tpu.memory_space<vmem>>, vector<1x16xf32>,
      %swap3A_403 = vector.shape_cast %swap3A_402 : vector<1x16xf32> to vector<16xf32>
      %swap3A_404 = vector.shape_cast %add3A_399 : vector<16xf32> to vector<1x16xf32>
      tpu.vector_store %arg7[%swap3A_400, %swap3A_401], %swap3A_404 {strides = array<i32>} : memref<64x128xf32, #tpu.memory_space<vmem>>, vector<1x16xf32>,
      %add3A_405 = arith.constant 4 : i32
      %add3A_406 = arith.addi %add3A_302, %add3A_405 : i32
      %lt3A_407 = arith.constant 128 : i32
      %lt3A_408 = arith.cmpi slt, %add3A_406, %lt3A_407 : i32
      %convert_element_type3A_409 = arith.extui %lt3A_408 : i1 to i32
      %cond3A_410 = arith.constant 0 : i32
      %cond3A_411 = arith.cmpi ne, %convert_element_type3A_409, %cond3A_410 : i32
      scf.if %cond3A_411 {
        %add3A_525 = arith.constant 4 : i32
        %add3A_526 = arith.addi %add3A_302, %add3A_525 : i32
        %div3A_527 = arith.constant 2 : i32
        %div3A_528 = arith.divsi %add3A_526, %div3A_527 : i32
        %rem3A_529 = arith.constant 2 : i32
        %rem3A_530 = arith.remsi %add3A_526, %rem3A_529 : i32
        %dma_start3A_531 = arith.constant 2 : i32
        %dma_start3A_532 = arith.constant 0 : i32
        %dma_start3A_533 = arith.constant 0 : i32
        %dma_start3A_534 = tpu.memref_slice %arg6[%dma_start3A_531, %dma_start3A_532, %dma_start3A_533] : memref<4x104x128xf32, #tpu.memory_space<vmem>> -> memref<1x104x128xf32, #tpu.memory_space<vmem>>
        %dma_start3A_535 = tpu.memref_squeeze %dma_start3A_534 : memref<1x104x128xf32, #tpu.memory_space<vmem>> -> memref<104x128xf32, #tpu.memory_space<vmem>>
        %dma_start3A_536 = arith.constant 0 : i32
        %dma_start3A_537 = tpu.memref_slice %arg5[%div3A_528, %rem3A_530, %dma_start3A_536] : memref<64x2x104xi32, #tpu.memory_space<vmem>> -> memref<1x1x104xi32, #tpu.memory_space<vmem>>
        %dma_start3A_538 = tpu.memref_squeeze %dma_start3A_537 : memref<1x1x104xi32, #tpu.memory_space<vmem>> -> memref<104xi32, #tpu.memory_space<vmem>>
        %dma_start3A_539 = arith.constant 0 : i32
        %dma_start3A_540 = arith.constant 0 : i32
        %dma_start3A_541 = tpu.memref_slice %arg3[%dma_start3A_539, %dma_start3A_540] : memref<100000x128xf32, #tpu.memory_space<hbm>> -> memref<100000x128xf32, #tpu.memory_space<hbm>>
        tpu.enqueue_indirect_dma source(%dma_start3A_541 : memref<100000x128xf32, #tpu.memory_space<hbm>>) target(%dma_start3A_535 : memref<104x128xf32, #tpu.memory_space<vmem>>) offsets(%dma_start3A_538 : memref<104xi32, #tpu.memory_space<vmem>>) semaphore(%arg10 : memref<!tpu.dma_semaphore, #tpu.memory_space<semaphore_mem>>)
      } else {
      }
      %mul3A_412 = arith.constant 4 : i32
      %mul3A_413 = arith.muli %scan3A_78, %mul3A_412 : i32
      %add3A_414 = arith.constant 3 : i32
      %add3A_415 = arith.addi %mul3A_413, %add3A_414 : i32
      %dma_wait3A_416 = arith.constant 0 : i32
      %dma_wait3A_417 = arith.constant 0 : i32
      %dma_wait3A_418 = arith.constant 3 : i32
      %dma_wait3A_419 = arith.constant 0 : i32
      %dma_wait3A_420 = arith.constant 0 : i32
      %dma_wait3A_421 = tpu.memref_slice %arg6[%dma_wait3A_418, %dma_wait3A_419, %dma_wait3A_420] : memref<4x104x128xf32, #tpu.memory_space<vmem>> -> memref<1x104x128xf32, #tpu.memory_space<vmem>>
      %dma_wait3A_422 = tpu.memref_squeeze %dma_wait3A_421 : memref<1x104x128xf32, #tpu.memory_space<vmem>> -> memref<104x128xf32, #tpu.memory_space<vmem>>
      %dma_wait3A_423 = arith.constant 0 : i32
      %dma_wait3A_424 = tpu.memref_slice %arg5[%dma_wait3A_416, %dma_wait3A_417, %dma_wait3A_423] : memref<64x2x104xi32, #tpu.memory_space<vmem>> -> memref<1x1x104xi32, #tpu.memory_space<vmem>>
      %dma_wait3A_425 = tpu.memref_squeeze %dma_wait3A_424 : memref<1x1x104xi32, #tpu.memory_space<vmem>> -> memref<104xi32, #tpu.memory_space<vmem>>
      %dma_wait3A_426 = arith.constant 0 : i32
      %dma_wait3A_427 = arith.constant 0 : i32
      %dma_wait3A_428 = tpu.memref_slice %arg3[%dma_wait3A_426, %dma_wait3A_427] : memref<100000x128xf32, #tpu.memory_space<hbm>> -> memref<100000x128xf32, #tpu.memory_space<hbm>>
      tpu.wait_indirect_dma semaphore(%arg11 : memref<!tpu.dma_semaphore, #tpu.memory_space<semaphore_mem>>) src(%dma_wait3A_428 : memref<100000x128xf32, #tpu.memory_space<hbm>>) dst(%dma_wait3A_422 : memref<104x128xf32, #tpu.memory_space<vmem>>)
      %div3A_429 = arith.constant 2 : i32
      %div3A_430 = arith.divsi %add3A_415, %div3A_429 : i32
      %scan3A_431 = arith.constant 3 : i32
      %scan3A_432 = arith.constant 0 : i32
      %scan3A_433 = arith.constant 104 : i32
      %scan3A_434 = arith.addi %scan3A_432, %scan3A_433 : i32
      %scan3A_435 = arith.constant 1 : i32
      %scan3A_436:8 = scf.for %scan3A_525 = %scan3A_432 to %scan3A_434 step %scan3A_435 iter_args(%scan3A_526 = %broadcast_in_dim3A_3, %scan3A_527 = %broadcast_in_dim3A_3, %scan3A_528 = %broadcast_in_dim3A_3, %scan3A_529 = %broadcast_in_dim3A_3, %scan3A_530 = %broadcast_in_dim3A_3, %scan3A_531 = %broadcast_in_dim3A_3, %scan3A_532 = %broadcast_in_dim3A_3, %scan3A_533 = %broadcast_in_dim3A_3) -> (vector<16xf32>, vector<16xf32>, vector<16xf32>, vector<16xf32>, vector<16xf32>, vector<16xf32>, vector<16xf32>, vector<16xf32>)  : i32 {
        %get3A_534 = arith.constant 0 : i32
        %get3A_535 = arith.constant 0 : i32
        %get3A_536 = tpu.memref_slice %arg6[%scan3A_431, %get3A_534, %get3A_535] : memref<4x104x128xf32, #tpu.memory_space<vmem>> -> memref<1x104x128xf32, #tpu.memory_space<vmem>>
        %get3A_537 = tpu.memref_squeeze %get3A_536 : memref<1x104x128xf32, #tpu.memory_space<vmem>> -> memref<104x128xf32, #tpu.memory_space<vmem>>
        %get3A_538 = arith.index_cast %scan3A_525 : i32 to index
        %get3A_539 = arith.constant 0 : index
        %get3A_540 = tpu.vector_load %get3A_537[%get3A_538, %get3A_539] {strides = array<i32>} : memref<104x128xf32, #tpu.memory_space<vmem>>, vector<1x16xf32>,
        %get3A_541 = vector.shape_cast %get3A_540 : vector<1x16xf32> to vector<16xf32>
        %add3A_542 = arith.addf %scan3A_526, %get3A_541 : vector<16xf32>
        %get3A_543 = arith.constant 0 : i32
        %get3A_544 = arith.constant 0 : i32
        %get3A_545 = tpu.memref_slice %arg6[%scan3A_431, %get3A_543, %get3A_544] : memref<4x104x128xf32, #tpu.memory_space<vmem>> -> memref<1x104x128xf32, #tpu.memory_space<vmem>>
        %get3A_546 = tpu.memref_squeeze %get3A_545 : memref<1x104x128xf32, #tpu.memory_space<vmem>> -> memref<104x128xf32, #tpu.memory_space<vmem>>
        %get3A_547 = arith.index_cast %scan3A_525 : i32 to index
        %get3A_548 = arith.constant 16 : index
        %get3A_549 = tpu.vector_load %get3A_546[%get3A_547, %get3A_548] {strides = array<i32>} : memref<104x128xf32, #tpu.memory_space<vmem>>, vector<1x16xf32>,
        %get3A_550 = vector.shape_cast %get3A_549 : vector<1x16xf32> to vector<16xf32>
        %add3A_551 = arith.addf %scan3A_527, %get3A_550 : vector<16xf32>
        %get3A_552 = arith.constant 0 : i32
        %get3A_553 = arith.constant 0 : i32
        %get3A_554 = tpu.memref_slice %arg6[%scan3A_431, %get3A_552, %get3A_553] : memref<4x104x128xf32, #tpu.memory_space<vmem>> -> memref<1x104x128xf32, #tpu.memory_space<vmem>>
        %get3A_555 = tpu.memref_squeeze %get3A_554 : memref<1x104x128xf32, #tpu.memory_space<vmem>> -> memref<104x128xf32, #tpu.memory_space<vmem>>
        %get3A_556 = arith.index_cast %scan3A_525 : i32 to index
        %get3A_557 = arith.constant 32 : index
        %get3A_558 = tpu.vector_load %get3A_555[%get3A_556, %get3A_557] {strides = array<i32>} : memref<104x128xf32, #tpu.memory_space<vmem>>, vector<1x16xf32>,
        %get3A_559 = vector.shape_cast %get3A_558 : vector<1x16xf32> to vector<16xf32>
        %add3A_560 = arith.addf %scan3A_528, %get3A_559 : vector<16xf32>
        %get3A_561 = arith.constant 0 : i32
        %get3A_562 = arith.constant 0 : i32
        %get3A_563 = tpu.memref_slice %arg6[%scan3A_431, %get3A_561, %get3A_562] : memref<4x104x128xf32, #tpu.memory_space<vmem>> -> memref<1x104x128xf32, #tpu.memory_space<vmem>>
        %get3A_564 = tpu.memref_squeeze %get3A_563 : memref<1x104x128xf32, #tpu.memory_space<vmem>> -> memref<104x128xf32, #tpu.memory_space<vmem>>
        %get3A_565 = arith.index_cast %scan3A_525 : i32 to index
        %get3A_566 = arith.constant 48 : index
        %get3A_567 = tpu.vector_load %get3A_564[%get3A_565, %get3A_566] {strides = array<i32>} : memref<104x128xf32, #tpu.memory_space<vmem>>, vector<1x16xf32>,
        %get3A_568 = vector.shape_cast %get3A_567 : vector<1x16xf32> to vector<16xf32>
        %add3A_569 = arith.addf %scan3A_529, %get3A_568 : vector<16xf32>
        %get3A_570 = arith.constant 0 : i32
        %get3A_571 = arith.constant 0 : i32
        %get3A_572 = tpu.memref_slice %arg6[%scan3A_431, %get3A_570, %get3A_571] : memref<4x104x128xf32, #tpu.memory_space<vmem>> -> memref<1x104x128xf32, #tpu.memory_space<vmem>>
        %get3A_573 = tpu.memref_squeeze %get3A_572 : memref<1x104x128xf32, #tpu.memory_space<vmem>> -> memref<104x128xf32, #tpu.memory_space<vmem>>
        %get3A_574 = arith.index_cast %scan3A_525 : i32 to index
        %get3A_575 = arith.constant 64 : index
        %get3A_576 = tpu.vector_load %get3A_573[%get3A_574, %get3A_575] {strides = array<i32>} : memref<104x128xf32, #tpu.memory_space<vmem>>, vector<1x16xf32>,
        %get3A_577 = vector.shape_cast %get3A_576 : vector<1x16xf32> to vector<16xf32>
        %add3A_578 = arith.addf %scan3A_530, %get3A_577 : vector<16xf32>
        %get3A_579 = arith.constant 0 : i32
        %get3A_580 = arith.constant 0 : i32
        %get3A_581 = tpu.memref_slice %arg6[%scan3A_431, %get3A_579, %get3A_580] : memref<4x104x128xf32, #tpu.memory_space<vmem>> -> memref<1x104x128xf32, #tpu.memory_space<vmem>>
        %get3A_582 = tpu.memref_squeeze %get3A_581 : memref<1x104x128xf32, #tpu.memory_space<vmem>> -> memref<104x128xf32, #tpu.memory_space<vmem>>
        %get3A_583 = arith.index_cast %scan3A_525 : i32 to index
        %get3A_584 = arith.constant 80 : index
        %get3A_585 = tpu.vector_load %get3A_582[%get3A_583, %get3A_584] {strides = array<i32>} : memref<104x128xf32, #tpu.memory_space<vmem>>, vector<1x16xf32>,
        %get3A_586 = vector.shape_cast %get3A_585 : vector<1x16xf32> to vector<16xf32>
        %add3A_587 = arith.addf %scan3A_531, %get3A_586 : vector<16xf32>
        %get3A_588 = arith.constant 0 : i32
        %get3A_589 = arith.constant 0 : i32
        %get3A_590 = tpu.memref_slice %arg6[%scan3A_431, %get3A_588, %get3A_589] : memref<4x104x128xf32, #tpu.memory_space<vmem>> -> memref<1x104x128xf32, #tpu.memory_space<vmem>>
        %get3A_591 = tpu.memref_squeeze %get3A_590 : memref<1x104x128xf32, #tpu.memory_space<vmem>> -> memref<104x128xf32, #tpu.memory_space<vmem>>
        %get3A_592 = arith.index_cast %scan3A_525 : i32 to index
        %get3A_593 = arith.constant 96 : index
        %get3A_594 = tpu.vector_load %get3A_591[%get3A_592, %get3A_593] {strides = array<i32>} : memref<104x128xf32, #tpu.memory_space<vmem>>, vector<1x16xf32>,
        %get3A_595 = vector.shape_cast %get3A_594 : vector<1x16xf32> to vector<16xf32>
        %add3A_596 = arith.addf %scan3A_532, %get3A_595 : vector<16xf32>
        %get3A_597 = arith.constant 0 : i32
        %get3A_598 = arith.constant 0 : i32
        %get3A_599 = tpu.memref_slice %arg6[%scan3A_431, %get3A_597, %get3A_598] : memref<4x104x128xf32, #tpu.memory_space<vmem>> -> memref<1x104x128xf32, #tpu.memory_space<vmem>>
        %get3A_600 = tpu.memref_squeeze %get3A_599 : memref<1x104x128xf32, #tpu.memory_space<vmem>> -> memref<104x128xf32, #tpu.memory_space<vmem>>
        %get3A_601 = arith.index_cast %scan3A_525 : i32 to index
        %get3A_602 = arith.constant 112 : index
        %get3A_603 = tpu.vector_load %get3A_600[%get3A_601, %get3A_602] {strides = array<i32>} : memref<104x128xf32, #tpu.memory_space<vmem>>, vector<1x16xf32>,
        %get3A_604 = vector.shape_cast %get3A_603 : vector<1x16xf32> to vector<16xf32>
        %add3A_605 = arith.addf %scan3A_533, %get3A_604 : vector<16xf32>
        scf.yield %add3A_542, %add3A_551, %add3A_560, %add3A_569, %add3A_578, %add3A_587, %add3A_596, %add3A_605 : vector<16xf32>, vector<16xf32>, vector<16xf32>, vector<16xf32>, vector<16xf32>, vector<16xf32>, vector<16xf32>, vector<16xf32>
      }
      %scan3A_437 = arith.constant 104 : i32
      %get3A_438 = arith.index_cast %div3A_430 : i32 to index
      %get3A_439 = arith.constant 0 : index
      %get3A_440 = tpu.vector_load %arg7[%get3A_438, %get3A_439] {strides = array<i32>} : memref<64x128xf32, #tpu.memory_space<vmem>>, vector<1x16xf32>,
      %get3A_441 = vector.shape_cast %get3A_440 : vector<1x16xf32> to vector<16xf32>
      %add3A_442 = arith.addf %get3A_441, %scan3A_436#0 : vector<16xf32>
      %swap3A_443 = arith.index_cast %div3A_430 : i32 to index
      %swap3A_444 = arith.constant 0 : index
      %swap3A_445 = tpu.vector_load %arg7[%swap3A_443, %swap3A_444] {strides = array<i32>} : memref<64x128xf32, #tpu.memory_space<vmem>>, vector<1x16xf32>,
      %swap3A_446 = vector.shape_cast %swap3A_445 : vector<1x16xf32> to vector<16xf32>
      %swap3A_447 = vector.shape_cast %add3A_442 : vector<16xf32> to vector<1x16xf32>
      tpu.vector_store %arg7[%swap3A_443, %swap3A_444], %swap3A_447 {strides = array<i32>} : memref<64x128xf32, #tpu.memory_space<vmem>>, vector<1x16xf32>,
      %get3A_448 = arith.index_cast %div3A_430 : i32 to index
      %get3A_449 = arith.constant 16 : index
      %get3A_450 = tpu.vector_load %arg7[%get3A_448, %get3A_449] {strides = array<i32>} : memref<64x128xf32, #tpu.memory_space<vmem>>, vector<1x16xf32>,
      %get3A_451 = vector.shape_cast %get3A_450 : vector<1x16xf32> to vector<16xf32>
      %add3A_452 = arith.addf %get3A_451, %scan3A_436#1 : vector<16xf32>
      %swap3A_453 = arith.index_cast %div3A_430 : i32 to index
      %swap3A_454 = arith.constant 16 : index
      %swap3A_455 = tpu.vector_load %arg7[%swap3A_453, %swap3A_454] {strides = array<i32>} : memref<64x128xf32, #tpu.memory_space<vmem>>, vector<1x16xf32>,
      %swap3A_456 = vector.shape_cast %swap3A_455 : vector<1x16xf32> to vector<16xf32>
      %swap3A_457 = vector.shape_cast %add3A_452 : vector<16xf32> to vector<1x16xf32>
      tpu.vector_store %arg7[%swap3A_453, %swap3A_454], %swap3A_457 {strides = array<i32>} : memref<64x128xf32, #tpu.memory_space<vmem>>, vector<1x16xf32>,
      %get3A_458 = arith.index_cast %div3A_430 : i32 to index
      %get3A_459 = arith.constant 32 : index
      %get3A_460 = tpu.vector_load %arg7[%get3A_458, %get3A_459] {strides = array<i32>} : memref<64x128xf32, #tpu.memory_space<vmem>>, vector<1x16xf32>,
      %get3A_461 = vector.shape_cast %get3A_460 : vector<1x16xf32> to vector<16xf32>
      %add3A_462 = arith.addf %get3A_461, %scan3A_436#2 : vector<16xf32>
      %swap3A_463 = arith.index_cast %div3A_430 : i32 to index
      %swap3A_464 = arith.constant 32 : index
      %swap3A_465 = tpu.vector_load %arg7[%swap3A_463, %swap3A_464] {strides = array<i32>} : memref<64x128xf32, #tpu.memory_space<vmem>>, vector<1x16xf32>,
      %swap3A_466 = vector.shape_cast %swap3A_465 : vector<1x16xf32> to vector<16xf32>
      %swap3A_467 = vector.shape_cast %add3A_462 : vector<16xf32> to vector<1x16xf32>
      tpu.vector_store %arg7[%swap3A_463, %swap3A_464], %swap3A_467 {strides = array<i32>} : memref<64x128xf32, #tpu.memory_space<vmem>>, vector<1x16xf32>,
      %get3A_468 = arith.index_cast %div3A_430 : i32 to index
      %get3A_469 = arith.constant 48 : index
      %get3A_470 = tpu.vector_load %arg7[%get3A_468, %get3A_469] {strides = array<i32>} : memref<64x128xf32, #tpu.memory_space<vmem>>, vector<1x16xf32>,
      %get3A_471 = vector.shape_cast %get3A_470 : vector<1x16xf32> to vector<16xf32>
      %add3A_472 = arith.addf %get3A_471, %scan3A_436#3 : vector<16xf32>
      %swap3A_473 = arith.index_cast %div3A_430 : i32 to index
      %swap3A_474 = arith.constant 48 : index
      %swap3A_475 = tpu.vector_load %arg7[%swap3A_473, %swap3A_474] {strides = array<i32>} : memref<64x128xf32, #tpu.memory_space<vmem>>, vector<1x16xf32>,
      %swap3A_476 = vector.shape_cast %swap3A_475 : vector<1x16xf32> to vector<16xf32>
      %swap3A_477 = vector.shape_cast %add3A_472 : vector<16xf32> to vector<1x16xf32>
      tpu.vector_store %arg7[%swap3A_473, %swap3A_474], %swap3A_477 {strides = array<i32>} : memref<64x128xf32, #tpu.memory_space<vmem>>, vector<1x16xf32>,
      %get3A_478 = arith.index_cast %div3A_430 : i32 to index
      %get3A_479 = arith.constant 64 : index
      %get3A_480 = tpu.vector_load %arg7[%get3A_478, %get3A_479] {strides = array<i32>} : memref<64x128xf32, #tpu.memory_space<vmem>>, vector<1x16xf32>,
      %get3A_481 = vector.shape_cast %get3A_480 : vector<1x16xf32> to vector<16xf32>
      %add3A_482 = arith.addf %get3A_481, %scan3A_436#4 : vector<16xf32>
      %swap3A_483 = arith.index_cast %div3A_430 : i32 to index
      %swap3A_484 = arith.constant 64 : index
      %swap3A_485 = tpu.vector_load %arg7[%swap3A_483, %swap3A_484] {strides = array<i32>} : memref<64x128xf32, #tpu.memory_space<vmem>>, vector<1x16xf32>,
      %swap3A_486 = vector.shape_cast %swap3A_485 : vector<1x16xf32> to vector<16xf32>
      %swap3A_487 = vector.shape_cast %add3A_482 : vector<16xf32> to vector<1x16xf32>
      tpu.vector_store %arg7[%swap3A_483, %swap3A_484], %swap3A_487 {strides = array<i32>} : memref<64x128xf32, #tpu.memory_space<vmem>>, vector<1x16xf32>,
      %get3A_488 = arith.index_cast %div3A_430 : i32 to index
      %get3A_489 = arith.constant 80 : index
      %get3A_490 = tpu.vector_load %arg7[%get3A_488, %get3A_489] {strides = array<i32>} : memref<64x128xf32, #tpu.memory_space<vmem>>, vector<1x16xf32>,
      %get3A_491 = vector.shape_cast %get3A_490 : vector<1x16xf32> to vector<16xf32>
      %add3A_492 = arith.addf %get3A_491, %scan3A_436#5 : vector<16xf32>
      %swap3A_493 = arith.index_cast %div3A_430 : i32 to index
      %swap3A_494 = arith.constant 80 : index
      %swap3A_495 = tpu.vector_load %arg7[%swap3A_493, %swap3A_494] {strides = array<i32>} : memref<64x128xf32, #tpu.memory_space<vmem>>, vector<1x16xf32>,
      %swap3A_496 = vector.shape_cast %swap3A_495 : vector<1x16xf32> to vector<16xf32>
      %swap3A_497 = vector.shape_cast %add3A_492 : vector<16xf32> to vector<1x16xf32>
      tpu.vector_store %arg7[%swap3A_493, %swap3A_494], %swap3A_497 {strides = array<i32>} : memref<64x128xf32, #tpu.memory_space<vmem>>, vector<1x16xf32>,
      %get3A_498 = arith.index_cast %div3A_430 : i32 to index
      %get3A_499 = arith.constant 96 : index
      %get3A_500 = tpu.vector_load %arg7[%get3A_498, %get3A_499] {strides = array<i32>} : memref<64x128xf32, #tpu.memory_space<vmem>>, vector<1x16xf32>,
      %get3A_501 = vector.shape_cast %get3A_500 : vector<1x16xf32> to vector<16xf32>
      %add3A_502 = arith.addf %get3A_501, %scan3A_436#6 : vector<16xf32>
      %swap3A_503 = arith.index_cast %div3A_430 : i32 to index
      %swap3A_504 = arith.constant 96 : index
      %swap3A_505 = tpu.vector_load %arg7[%swap3A_503, %swap3A_504] {strides = array<i32>} : memref<64x128xf32, #tpu.memory_space<vmem>>, vector<1x16xf32>,
      %swap3A_506 = vector.shape_cast %swap3A_505 : vector<1x16xf32> to vector<16xf32>
      %swap3A_507 = vector.shape_cast %add3A_502 : vector<16xf32> to vector<1x16xf32>
      tpu.vector_store %arg7[%swap3A_503, %swap3A_504], %swap3A_507 {strides = array<i32>} : memref<64x128xf32, #tpu.memory_space<vmem>>, vector<1x16xf32>,
      %get3A_508 = arith.index_cast %div3A_430 : i32 to index
      %get3A_509 = arith.constant 112 : index
      %get3A_510 = tpu.vector_load %arg7[%get3A_508, %get3A_509] {strides = array<i32>} : memref<64x128xf32, #tpu.memory_space<vmem>>, vector<1x16xf32>,
      %get3A_511 = vector.shape_cast %get3A_510 : vector<1x16xf32> to vector<16xf32>
      %add3A_512 = arith.addf %get3A_511, %scan3A_436#7 : vector<16xf32>
      %swap3A_513 = arith.index_cast %div3A_430 : i32 to index
      %swap3A_514 = arith.constant 112 : index
      %swap3A_515 = tpu.vector_load %arg7[%swap3A_513, %swap3A_514] {strides = array<i32>} : memref<64x128xf32, #tpu.memory_space<vmem>>, vector<1x16xf32>,
      %swap3A_516 = vector.shape_cast %swap3A_515 : vector<1x16xf32> to vector<16xf32>
      %swap3A_517 = vector.shape_cast %add3A_512 : vector<16xf32> to vector<1x16xf32>
      tpu.vector_store %arg7[%swap3A_513, %swap3A_514], %swap3A_517 {strides = array<i32>} : memref<64x128xf32, #tpu.memory_space<vmem>>, vector<1x16xf32>,
      %add3A_518 = arith.constant 4 : i32
      %add3A_519 = arith.addi %add3A_415, %add3A_518 : i32
      %lt3A_520 = arith.constant 128 : i32
      %lt3A_521 = arith.cmpi slt, %add3A_519, %lt3A_520 : i32
      %convert_element_type3A_522 = arith.extui %lt3A_521 : i1 to i32
      %cond3A_523 = arith.constant 0 : i32
      %cond3A_524 = arith.cmpi ne, %convert_element_type3A_522, %cond3A_523 : i32
      scf.if %cond3A_524 {
        %add3A_525 = arith.constant 4 : i32
        %add3A_526 = arith.addi %add3A_415, %add3A_525 : i32
        %div3A_527 = arith.constant 2 : i32
        %div3A_528 = arith.divsi %add3A_526, %div3A_527 : i32
        %rem3A_529 = arith.constant 2 : i32
        %rem3A_530 = arith.remsi %add3A_526, %rem3A_529 : i32
        %dma_start3A_531 = arith.constant 3 : i32
        %dma_start3A_532 = arith.constant 0 : i32
        %dma_start3A_533 = arith.constant 0 : i32
        %dma_start3A_534 = tpu.memref_slice %arg6[%dma_start3A_531, %dma_start3A_532, %dma_start3A_533] : memref<4x104x128xf32, #tpu.memory_space<vmem>> -> memref<1x104x128xf32, #tpu.memory_space<vmem>>
        %dma_start3A_535 = tpu.memref_squeeze %dma_start3A_534 : memref<1x104x128xf32, #tpu.memory_space<vmem>> -> memref<104x128xf32, #tpu.memory_space<vmem>>
        %dma_start3A_536 = arith.constant 0 : i32
        %dma_start3A_537 = tpu.memref_slice %arg5[%div3A_528, %rem3A_530, %dma_start3A_536] : memref<64x2x104xi32, #tpu.memory_space<vmem>> -> memref<1x1x104xi32, #tpu.memory_space<vmem>>
        %dma_start3A_538 = tpu.memref_squeeze %dma_start3A_537 : memref<1x1x104xi32, #tpu.memory_space<vmem>> -> memref<104xi32, #tpu.memory_space<vmem>>
        %dma_start3A_539 = arith.constant 0 : i32
        %dma_start3A_540 = arith.constant 0 : i32
        %dma_start3A_541 = tpu.memref_slice %arg3[%dma_start3A_539, %dma_start3A_540] : memref<100000x128xf32, #tpu.memory_space<hbm>> -> memref<100000x128xf32, #tpu.memory_space<hbm>>
        tpu.enqueue_indirect_dma source(%dma_start3A_541 : memref<100000x128xf32, #tpu.memory_space<hbm>>) target(%dma_start3A_535 : memref<104x128xf32, #tpu.memory_space<vmem>>) offsets(%dma_start3A_538 : memref<104xi32, #tpu.memory_space<vmem>>) semaphore(%arg11 : memref<!tpu.dma_semaphore, #tpu.memory_space<semaphore_mem>>)
      } else {
      }
    }
    %scan3A_77 = arith.constant 32 : i32
    "tpu.region"() ({
      %run_scoped3A = tpu.sem_alloc : memref<!tpu.dma_semaphore, #tpu.memory_space<semaphore_mem>>
      %dma_start3A_78 = arith.constant 0 : i32
      %dma_start3A_79 = tpu.memref_slice %arg4[%mul3A_2, %dma_start3A_78] : memref<2048x128xf32, #tpu.memory_space<hbm>> -> memref<64x128xf32, #tpu.memory_space<hbm>>
      %dma_start3A_80 = arith.constant 0 : i32
      %dma_start3A_81 = tpu.memref_slice %arg4[%mul3A_2, %dma_start3A_80] : memref<2048x128xf32, #tpu.memory_space<hbm>> -> memref<64x128xf32, #tpu.memory_space<hbm>>
      tpu.enqueue_dma source(%arg7 : memref<64x128xf32, #tpu.memory_space<vmem>>) target(%dma_start3A_81 : memref<64x128xf32, #tpu.memory_space<hbm>>) target_semaphore(%run_scoped3A : memref<!tpu.dma_semaphore, #tpu.memory_space<semaphore_mem>>)
      %dma_wait3A = arith.constant 0 : i32
      %dma_wait3A_82 = tpu.memref_slice %arg4[%mul3A_2, %dma_wait3A] : memref<2048x128xf32, #tpu.memory_space<hbm>> -> memref<64x128xf32, #tpu.memory_space<hbm>>
      %dma_wait3A_83 = arith.constant 0 : i32
      %dma_wait3A_84 = tpu.memref_slice %arg4[%mul3A_2, %dma_wait3A_83] : memref<2048x128xf32, #tpu.memory_space<hbm>> -> memref<64x128xf32, #tpu.memory_space<hbm>>
      tpu.wait_dma2 semaphore(%run_scoped3A : memref<!tpu.dma_semaphore, #tpu.memory_space<semaphore_mem>>) src(%arg7 : memref<64x128xf32, #tpu.memory_space<vmem>>) dst(%dma_wait3A_84 : memref<64x128xf32, #tpu.memory_space<hbm>>)
      tpu.yield
    }) : () -> ()
    return
  }
}

#map = affine_map<(d0, d1) -> (0, 0, 0)>
#map1 = affine_map<(d0, d1) -> (0, 0)>
module attributes {stable_mosaic.version = 14 : i64} {
  func.func @_sc_pool(%arg0: i32, %arg1: i32, %arg2: memref<2048x2x104xi32, #tpu.memory_space<hbm>>, %arg3: memref<100000x128xf32, #tpu.memory_space<hbm>>, %arg4: memref<2048x128xf32, #tpu.memory_space<hbm>>, %arg5: memref<64x2x104xi32, #tpu.memory_space<vmem>>, %arg6: memref<4x104x128xf32, #tpu.memory_space<vmem>>, %arg7: memref<64x128xf32, #tpu.memory_space<vmem>>, %arg8: memref<!tpu.dma_semaphore, #tpu.memory_space<semaphore_mem>>, %arg9: memref<!tpu.dma_semaphore, #tpu.memory_space<semaphore_mem>>, %arg10: memref<!tpu.dma_semaphore, #tpu.memory_space<semaphore_mem>>, %arg11: memref<!tpu.dma_semaphore, #tpu.memory_space<semaphore_mem>>) attributes {dimension_semantics = [#tpu.dimension_semantics<core_parallel>, #tpu.dimension_semantics<subcore_parallel>], iteration_bounds = array<i64: 2, 16>, scalar_prefetch = 0 : i64, scratch_operands = 7 : i64, tpu.core_type = #tpu.core_type<sc_vector_subcore>, window_params = [{transform_indices = #map}, {transform_indices = #map1}, {transform_indices = #map1}]} {
    %mul3A = arith.constant 2 : i32
    %mul3A_0 = arith.muli %arg1, %mul3A : i32
    %add3A = arith.addi %mul3A_0, %arg0 : i32
    %mul3A_1 = arith.constant 64 : i32
    %mul3A_2 = arith.muli %add3A, %mul3A_1 : i32
    "tpu.region"() ({
      %run_scoped3A = tpu.sem_alloc : memref<!tpu.dma_semaphore, #tpu.memory_space<semaphore_mem>>
      %dma_start3A_78 = arith.constant 0 : i32
      %dma_start3A_79 = arith.constant 0 : i32
      %dma_start3A_80 = tpu.memref_slice %arg2[%mul3A_2, %dma_start3A_78, %dma_start3A_79] : memref<2048x2x104xi32, #tpu.memory_space<hbm>> -> memref<64x2x104xi32, #tpu.memory_space<hbm>>
      %dma_start3A_81 = arith.constant 0 : i32
      %dma_start3A_82 = arith.constant 0 : i32
      %dma_start3A_83 = tpu.memref_slice %arg2[%mul3A_2, %dma_start3A_81, %dma_start3A_82] : memref<2048x2x104xi32, #tpu.memory_space<hbm>> -> memref<64x2x104xi32, #tpu.memory_space<hbm>>
      tpu.enqueue_dma source(%dma_start3A_83 : memref<64x2x104xi32, #tpu.memory_space<hbm>>) target(%arg5 : memref<64x2x104xi32, #tpu.memory_space<vmem>>) target_semaphore(%run_scoped3A : memref<!tpu.dma_semaphore, #tpu.memory_space<semaphore_mem>>)
      %dma_wait3A = arith.constant 0 : i32
      %dma_wait3A_84 = arith.constant 0 : i32
      %dma_wait3A_85 = tpu.memref_slice %arg2[%mul3A_2, %dma_wait3A, %dma_wait3A_84] : memref<2048x2x104xi32, #tpu.memory_space<hbm>> -> memref<64x2x104xi32, #tpu.memory_space<hbm>>
      %dma_wait3A_86 = arith.constant 0 : i32
      %dma_wait3A_87 = arith.constant 0 : i32
      %dma_wait3A_88 = tpu.memref_slice %arg2[%mul3A_2, %dma_wait3A_86, %dma_wait3A_87] : memref<2048x2x104xi32, #tpu.memory_space<hbm>> -> memref<64x2x104xi32, #tpu.memory_space<hbm>>
      tpu.wait_dma2 semaphore(%run_scoped3A : memref<!tpu.dma_semaphore, #tpu.memory_space<semaphore_mem>>) src(%dma_wait3A_88 : memref<64x2x104xi32, #tpu.memory_space<hbm>>) dst(%arg5 : memref<64x2x104xi32, #tpu.memory_space<vmem>>)
      tpu.yield
    }) : () -> ()
    %broadcast_in_dim3A = arith.constant 0.000000e+00 : f32
    %broadcast_in_dim3A_3 = vector.broadcast %broadcast_in_dim3A : f32 to vector<16xf32>
    %scan3A = arith.constant 0 : i32
    %scan3A_4 = arith.constant 64 : i32
    %scan3A_5 = arith.addi %scan3A, %scan3A_4 : i32
    %scan3A_6 = arith.constant 1 : i32
    scf.for %scan3A_78 = %scan3A to %scan3A_5 step %scan3A_6  : i32 {
      %swap3A = arith.index_cast %scan3A_78 : i32 to index
      %swap3A_79 = arith.constant 0 : index
      %swap3A_80 = tpu.vector_load %arg7[%swap3A, %swap3A_79] {strides = array<i32>} : memref<64x128xf32, #tpu.memory_space<vmem>>, vector<1x16xf32>,
      %swap3A_81 = vector.shape_cast %swap3A_80 : vector<1x16xf32> to vector<16xf32>
      %swap3A_82 = vector.shape_cast %broadcast_in_dim3A_3 : vector<16xf32> to vector<1x16xf32>
      tpu.vector_store %arg7[%swap3A, %swap3A_79], %swap3A_82 {strides = array<i32>} : memref<64x128xf32, #tpu.memory_space<vmem>>, vector<1x16xf32>,
      %swap3A_83 = arith.index_cast %scan3A_78 : i32 to index
      %swap3A_84 = arith.constant 16 : index
      %swap3A_85 = tpu.vector_load %arg7[%swap3A_83, %swap3A_84] {strides = array<i32>} : memref<64x128xf32, #tpu.memory_space<vmem>>, vector<1x16xf32>,
      %swap3A_86 = vector.shape_cast %swap3A_85 : vector<1x16xf32> to vector<16xf32>
      %swap3A_87 = vector.shape_cast %broadcast_in_dim3A_3 : vector<16xf32> to vector<1x16xf32>
      tpu.vector_store %arg7[%swap3A_83, %swap3A_84], %swap3A_87 {strides = array<i32>} : memref<64x128xf32, #tpu.memory_space<vmem>>, vector<1x16xf32>,
      %swap3A_88 = arith.index_cast %scan3A_78 : i32 to index
      %swap3A_89 = arith.constant 32 : index
      %swap3A_90 = tpu.vector_load %arg7[%swap3A_88, %swap3A_89] {strides = array<i32>} : memref<64x128xf32, #tpu.memory_space<vmem>>, vector<1x16xf32>,
      %swap3A_91 = vector.shape_cast %swap3A_90 : vector<1x16xf32> to vector<16xf32>
      %swap3A_92 = vector.shape_cast %broadcast_in_dim3A_3 : vector<16xf32> to vector<1x16xf32>
      tpu.vector_store %arg7[%swap3A_88, %swap3A_89], %swap3A_92 {strides = array<i32>} : memref<64x128xf32, #tpu.memory_space<vmem>>, vector<1x16xf32>,
      %swap3A_93 = arith.index_cast %scan3A_78 : i32 to index
      %swap3A_94 = arith.constant 48 : index
      %swap3A_95 = tpu.vector_load %arg7[%swap3A_93, %swap3A_94] {strides = array<i32>} : memref<64x128xf32, #tpu.memory_space<vmem>>, vector<1x16xf32>,
      %swap3A_96 = vector.shape_cast %swap3A_95 : vector<1x16xf32> to vector<16xf32>
      %swap3A_97 = vector.shape_cast %broadcast_in_dim3A_3 : vector<16xf32> to vector<1x16xf32>
      tpu.vector_store %arg7[%swap3A_93, %swap3A_94], %swap3A_97 {strides = array<i32>} : memref<64x128xf32, #tpu.memory_space<vmem>>, vector<1x16xf32>,
      %swap3A_98 = arith.index_cast %scan3A_78 : i32 to index
      %swap3A_99 = arith.constant 64 : index
      %swap3A_100 = tpu.vector_load %arg7[%swap3A_98, %swap3A_99] {strides = array<i32>} : memref<64x128xf32, #tpu.memory_space<vmem>>, vector<1x16xf32>,
      %swap3A_101 = vector.shape_cast %swap3A_100 : vector<1x16xf32> to vector<16xf32>
      %swap3A_102 = vector.shape_cast %broadcast_in_dim3A_3 : vector<16xf32> to vector<1x16xf32>
      tpu.vector_store %arg7[%swap3A_98, %swap3A_99], %swap3A_102 {strides = array<i32>} : memref<64x128xf32, #tpu.memory_space<vmem>>, vector<1x16xf32>,
      %swap3A_103 = arith.index_cast %scan3A_78 : i32 to index
      %swap3A_104 = arith.constant 80 : index
      %swap3A_105 = tpu.vector_load %arg7[%swap3A_103, %swap3A_104] {strides = array<i32>} : memref<64x128xf32, #tpu.memory_space<vmem>>, vector<1x16xf32>,
      %swap3A_106 = vector.shape_cast %swap3A_105 : vector<1x16xf32> to vector<16xf32>
      %swap3A_107 = vector.shape_cast %broadcast_in_dim3A_3 : vector<16xf32> to vector<1x16xf32>
      tpu.vector_store %arg7[%swap3A_103, %swap3A_104], %swap3A_107 {strides = array<i32>} : memref<64x128xf32, #tpu.memory_space<vmem>>, vector<1x16xf32>,
      %swap3A_108 = arith.index_cast %scan3A_78 : i32 to index
      %swap3A_109 = arith.constant 96 : index
      %swap3A_110 = tpu.vector_load %arg7[%swap3A_108, %swap3A_109] {strides = array<i32>} : memref<64x128xf32, #tpu.memory_space<vmem>>, vector<1x16xf32>,
      %swap3A_111 = vector.shape_cast %swap3A_110 : vector<1x16xf32> to vector<16xf32>
      %swap3A_112 = vector.shape_cast %broadcast_in_dim3A_3 : vector<16xf32> to vector<1x16xf32>
      tpu.vector_store %arg7[%swap3A_108, %swap3A_109], %swap3A_112 {strides = array<i32>} : memref<64x128xf32, #tpu.memory_space<vmem>>, vector<1x16xf32>,
      %swap3A_113 = arith.index_cast %scan3A_78 : i32 to index
      %swap3A_114 = arith.constant 112 : index
      %swap3A_115 = tpu.vector_load %arg7[%swap3A_113, %swap3A_114] {strides = array<i32>} : memref<64x128xf32, #tpu.memory_space<vmem>>, vector<1x16xf32>,
      %swap3A_116 = vector.shape_cast %swap3A_115 : vector<1x16xf32> to vector<16xf32>
      %swap3A_117 = vector.shape_cast %broadcast_in_dim3A_3 : vector<16xf32> to vector<1x16xf32>
      tpu.vector_store %arg7[%swap3A_113, %swap3A_114], %swap3A_117 {strides = array<i32>} : memref<64x128xf32, #tpu.memory_space<vmem>>, vector<1x16xf32>,
    }
    %scan3A_7 = arith.constant 64 : i32
    %div3A = arith.constant 0 : i32
    %div3A_8 = arith.constant 2 : i32
    %div3A_9 = arith.divsi %div3A, %div3A_8 : i32
    %rem3A = arith.constant 0 : i32
    %rem3A_10 = arith.constant 2 : i32
    %rem3A_11 = arith.remsi %rem3A, %rem3A_10 : i32
    %dma_start3A = arith.constant 0 : i32
    %dma_start3A_12 = arith.constant 0 : i32
    %dma_start3A_13 = arith.constant 0 : i32
    %dma_start3A_14 = tpu.memref_slice %arg6[%dma_start3A, %dma_start3A_12, %dma_start3A_13] : memref<4x104x128xf32, #tpu.memory_space<vmem>> -> memref<1x104x128xf32, #tpu.memory_space<vmem>>
    %dma_start3A_15 = tpu.memref_squeeze %dma_start3A_14 : memref<1x104x128xf32, #tpu.memory_space<vmem>> -> memref<104x128xf32, #tpu.memory_space<vmem>>
    %dma_start3A_16 = arith.constant 0 : i32
    %dma_start3A_17 = tpu.memref_slice %arg5[%div3A_9, %rem3A_11, %dma_start3A_16] : memref<64x2x104xi32, #tpu.memory_space<vmem>> -> memref<1x1x104xi32, #tpu.memory_space<vmem>>
    %dma_start3A_18 = tpu.memref_squeeze %dma_start3A_17 : memref<1x1x104xi32, #tpu.memory_space<vmem>> -> memref<104xi32, #tpu.memory_space<vmem>>
    %dma_start3A_19 = arith.constant 0 : i32
    %dma_start3A_20 = arith.constant 0 : i32
    %dma_start3A_21 = tpu.memref_slice %arg3[%dma_start3A_19, %dma_start3A_20] : memref<100000x128xf32, #tpu.memory_space<hbm>> -> memref<100000x128xf32, #tpu.memory_space<hbm>>
    tpu.enqueue_indirect_dma source(%dma_start3A_21 : memref<100000x128xf32, #tpu.memory_space<hbm>>) target(%dma_start3A_15 : memref<104x128xf32, #tpu.memory_space<vmem>>) offsets(%dma_start3A_18 : memref<104xi32, #tpu.memory_space<vmem>>) semaphore(%arg8 : memref<!tpu.dma_semaphore, #tpu.memory_space<semaphore_mem>>)
    %div3A_22 = arith.constant 1 : i32
    %div3A_23 = arith.constant 2 : i32
    %div3A_24 = arith.divsi %div3A_22, %div3A_23 : i32
    %rem3A_25 = arith.constant 1 : i32
    %rem3A_26 = arith.constant 2 : i32
    %rem3A_27 = arith.remsi %rem3A_25, %rem3A_26 : i32
    %dma_start3A_28 = arith.constant 1 : i32
    %dma_start3A_29 = arith.constant 0 : i32
    %dma_start3A_30 = arith.constant 0 : i32
    %dma_start3A_31 = tpu.memref_slice %arg6[%dma_start3A_28, %dma_start3A_29, %dma_start3A_30] : memref<4x104x128xf32, #tpu.memory_space<vmem>> -> memref<1x104x128xf32, #tpu.memory_space<vmem>>
    %dma_start3A_32 = tpu.memref_squeeze %dma_start3A_31 : memref<1x104x128xf32, #tpu.memory_space<vmem>> -> memref<104x128xf32, #tpu.memory_space<vmem>>
    %dma_start3A_33 = arith.constant 0 : i32
    %dma_start3A_34 = tpu.memref_slice %arg5[%div3A_24, %rem3A_27, %dma_start3A_33] : memref<64x2x104xi32, #tpu.memory_space<vmem>> -> memref<1x1x104xi32, #tpu.memory_space<vmem>>
    %dma_start3A_35 = tpu.memref_squeeze %dma_start3A_34 : memref<1x1x104xi32, #tpu.memory_space<vmem>> -> memref<104xi32, #tpu.memory_space<vmem>>
    %dma_start3A_36 = arith.constant 0 : i32
    %dma_start3A_37 = arith.constant 0 : i32
    %dma_start3A_38 = tpu.memref_slice %arg3[%dma_start3A_36, %dma_start3A_37] : memref<100000x128xf32, #tpu.memory_space<hbm>> -> memref<100000x128xf32, #tpu.memory_space<hbm>>
    tpu.enqueue_indirect_dma source(%dma_start3A_38 : memref<100000x128xf32, #tpu.memory_space<hbm>>) target(%dma_start3A_32 : memref<104x128xf32, #tpu.memory_space<vmem>>) offsets(%dma_start3A_35 : memref<104xi32, #tpu.memory_space<vmem>>) semaphore(%arg9 : memref<!tpu.dma_semaphore, #tpu.memory_space<semaphore_mem>>)
    %div3A_39 = arith.constant 2 : i32
    %div3A_40 = arith.constant 2 : i32
    %div3A_41 = arith.divsi %div3A_39, %div3A_40 : i32
    %rem3A_42 = arith.constant 2 : i32
    %rem3A_43 = arith.constant 2 : i32
    %rem3A_44 = arith.remsi %rem3A_42, %rem3A_43 : i32
    %dma_start3A_45 = arith.constant 2 : i32
    %dma_start3A_46 = arith.constant 0 : i32
    %dma_start3A_47 = arith.constant 0 : i32
    %dma_start3A_48 = tpu.memref_slice %arg6[%dma_start3A_45, %dma_start3A_46, %dma_start3A_47] : memref<4x104x128xf32, #tpu.memory_space<vmem>> -> memref<1x104x128xf32, #tpu.memory_space<vmem>>
    %dma_start3A_49 = tpu.memref_squeeze %dma_start3A_48 : memref<1x104x128xf32, #tpu.memory_space<vmem>> -> memref<104x128xf32, #tpu.memory_space<vmem>>
    %dma_start3A_50 = arith.constant 0 : i32
    %dma_start3A_51 = tpu.memref_slice %arg5[%div3A_41, %rem3A_44, %dma_start3A_50] : memref<64x2x104xi32, #tpu.memory_space<vmem>> -> memref<1x1x104xi32, #tpu.memory_space<vmem>>
    %dma_start3A_52 = tpu.memref_squeeze %dma_start3A_51 : memref<1x1x104xi32, #tpu.memory_space<vmem>> -> memref<104xi32, #tpu.memory_space<vmem>>
    %dma_start3A_53 = arith.constant 0 : i32
    %dma_start3A_54 = arith.constant 0 : i32
    %dma_start3A_55 = tpu.memref_slice %arg3[%dma_start3A_53, %dma_start3A_54] : memref<100000x128xf32, #tpu.memory_space<hbm>> -> memref<100000x128xf32, #tpu.memory_space<hbm>>
    tpu.enqueue_indirect_dma source(%dma_start3A_55 : memref<100000x128xf32, #tpu.memory_space<hbm>>) target(%dma_start3A_49 : memref<104x128xf32, #tpu.memory_space<vmem>>) offsets(%dma_start3A_52 : memref<104xi32, #tpu.memory_space<vmem>>) semaphore(%arg10 : memref<!tpu.dma_semaphore, #tpu.memory_space<semaphore_mem>>)
    %div3A_56 = arith.constant 3 : i32
    %div3A_57 = arith.constant 2 : i32
    %div3A_58 = arith.divsi %div3A_56, %div3A_57 : i32
    %rem3A_59 = arith.constant 3 : i32
    %rem3A_60 = arith.constant 2 : i32
    %rem3A_61 = arith.remsi %rem3A_59, %rem3A_60 : i32
    %dma_start3A_62 = arith.constant 3 : i32
    %dma_start3A_63 = arith.constant 0 : i32
    %dma_start3A_64 = arith.constant 0 : i32
    %dma_start3A_65 = tpu.memref_slice %arg6[%dma_start3A_62, %dma_start3A_63, %dma_start3A_64] : memref<4x104x128xf32, #tpu.memory_space<vmem>> -> memref<1x104x128xf32, #tpu.memory_space<vmem>>
    %dma_start3A_66 = tpu.memref_squeeze %dma_start3A_65 : memref<1x104x128xf32, #tpu.memory_space<vmem>> -> memref<104x128xf32, #tpu.memory_space<vmem>>
    %dma_start3A_67 = arith.constant 0 : i32
    %dma_start3A_68 = tpu.memref_slice %arg5[%div3A_58, %rem3A_61, %dma_start3A_67] : memref<64x2x104xi32, #tpu.memory_space<vmem>> -> memref<1x1x104xi32, #tpu.memory_space<vmem>>
    %dma_start3A_69 = tpu.memref_squeeze %dma_start3A_68 : memref<1x1x104xi32, #tpu.memory_space<vmem>> -> memref<104xi32, #tpu.memory_space<vmem>>
    %dma_start3A_70 = arith.constant 0 : i32
    %dma_start3A_71 = arith.constant 0 : i32
    %dma_start3A_72 = tpu.memref_slice %arg3[%dma_start3A_70, %dma_start3A_71] : memref<100000x128xf32, #tpu.memory_space<hbm>> -> memref<100000x128xf32, #tpu.memory_space<hbm>>
    tpu.enqueue_indirect_dma source(%dma_start3A_72 : memref<100000x128xf32, #tpu.memory_space<hbm>>) target(%dma_start3A_66 : memref<104x128xf32, #tpu.memory_space<vmem>>) offsets(%dma_start3A_69 : memref<104xi32, #tpu.memory_space<vmem>>) semaphore(%arg11 : memref<!tpu.dma_semaphore, #tpu.memory_space<semaphore_mem>>)
    %scan3A_73 = arith.constant 0 : i32
    %scan3A_74 = arith.constant 32 : i32
    %scan3A_75 = arith.addi %scan3A_73, %scan3A_74 : i32
    %scan3A_76 = arith.constant 1 : i32
    scf.for %scan3A_78 = %scan3A_73 to %scan3A_75 step %scan3A_76  : i32 {
      %mul3A_79 = arith.constant 4 : i32
      %mul3A_80 = arith.muli %scan3A_78, %mul3A_79 : i32
      %add3A_81 = arith.constant 0 : i32
      %add3A_82 = arith.addi %mul3A_80, %add3A_81 : i32
      %dma_wait3A = arith.constant 0 : i32
      %dma_wait3A_83 = arith.constant 0 : i32
      %dma_wait3A_84 = arith.constant 0 : i32
      %dma_wait3A_85 = arith.constant 0 : i32
      %dma_wait3A_86 = arith.constant 0 : i32
      %dma_wait3A_87 = tpu.memref_slice %arg6[%dma_wait3A_84, %dma_wait3A_85, %dma_wait3A_86] : memref<4x104x128xf32, #tpu.memory_space<vmem>> -> memref<1x104x128xf32, #tpu.memory_space<vmem>>
      %dma_wait3A_88 = tpu.memref_squeeze %dma_wait3A_87 : memref<1x104x128xf32, #tpu.memory_space<vmem>> -> memref<104x128xf32, #tpu.memory_space<vmem>>
      %dma_wait3A_89 = arith.constant 0 : i32
      %dma_wait3A_90 = tpu.memref_slice %arg5[%dma_wait3A, %dma_wait3A_83, %dma_wait3A_89] : memref<64x2x104xi32, #tpu.memory_space<vmem>> -> memref<1x1x104xi32, #tpu.memory_space<vmem>>
      %dma_wait3A_91 = tpu.memref_squeeze %dma_wait3A_90 : memref<1x1x104xi32, #tpu.memory_space<vmem>> -> memref<104xi32, #tpu.memory_space<vmem>>
      %dma_wait3A_92 = arith.constant 0 : i32
      %dma_wait3A_93 = arith.constant 0 : i32
      %dma_wait3A_94 = tpu.memref_slice %arg3[%dma_wait3A_92, %dma_wait3A_93] : memref<100000x128xf32, #tpu.memory_space<hbm>> -> memref<100000x128xf32, #tpu.memory_space<hbm>>
      tpu.wait_indirect_dma semaphore(%arg8 : memref<!tpu.dma_semaphore, #tpu.memory_space<semaphore_mem>>) src(%dma_wait3A_94 : memref<100000x128xf32, #tpu.memory_space<hbm>>) dst(%dma_wait3A_88 : memref<104x128xf32, #tpu.memory_space<vmem>>)
      %div3A_95 = arith.constant 2 : i32
      %div3A_96 = arith.divsi %add3A_82, %div3A_95 : i32
      %scan3A_97 = arith.constant 0 : i32
      %scan3A_98 = arith.constant 0 : i32
      %scan3A_99 = arith.constant 104 : i32
      %scan3A_100 = arith.addi %scan3A_98, %scan3A_99 : i32
      %scan3A_101 = arith.constant 1 : i32
      %scan3A_102:8 = scf.for %scan3A_525 = %scan3A_98 to %scan3A_100 step %scan3A_101 iter_args(%scan3A_526 = %broadcast_in_dim3A_3, %scan3A_527 = %broadcast_in_dim3A_3, %scan3A_528 = %broadcast_in_dim3A_3, %scan3A_529 = %broadcast_in_dim3A_3, %scan3A_530 = %broadcast_in_dim3A_3, %scan3A_531 = %broadcast_in_dim3A_3, %scan3A_532 = %broadcast_in_dim3A_3, %scan3A_533 = %broadcast_in_dim3A_3) -> (vector<16xf32>, vector<16xf32>, vector<16xf32>, vector<16xf32>, vector<16xf32>, vector<16xf32>, vector<16xf32>, vector<16xf32>)  : i32 {
        %get3A_534 = arith.constant 0 : i32
        %get3A_535 = arith.constant 0 : i32
        %get3A_536 = tpu.memref_slice %arg6[%scan3A_97, %get3A_534, %get3A_535] : memref<4x104x128xf32, #tpu.memory_space<vmem>> -> memref<1x104x128xf32, #tpu.memory_space<vmem>>
        %get3A_537 = tpu.memref_squeeze %get3A_536 : memref<1x104x128xf32, #tpu.memory_space<vmem>> -> memref<104x128xf32, #tpu.memory_space<vmem>>
        %get3A_538 = arith.index_cast %scan3A_525 : i32 to index
        %get3A_539 = arith.constant 0 : index
        %get3A_540 = tpu.vector_load %get3A_537[%get3A_538, %get3A_539] {strides = array<i32>} : memref<104x128xf32, #tpu.memory_space<vmem>>, vector<1x16xf32>,
        %get3A_541 = vector.shape_cast %get3A_540 : vector<1x16xf32> to vector<16xf32>
        %add3A_542 = arith.addf %scan3A_526, %get3A_541 : vector<16xf32>
        %get3A_543 = arith.constant 0 : i32
        %get3A_544 = arith.constant 0 : i32
        %get3A_545 = tpu.memref_slice %arg6[%scan3A_97, %get3A_543, %get3A_544] : memref<4x104x128xf32, #tpu.memory_space<vmem>> -> memref<1x104x128xf32, #tpu.memory_space<vmem>>
        %get3A_546 = tpu.memref_squeeze %get3A_545 : memref<1x104x128xf32, #tpu.memory_space<vmem>> -> memref<104x128xf32, #tpu.memory_space<vmem>>
        %get3A_547 = arith.index_cast %scan3A_525 : i32 to index
        %get3A_548 = arith.constant 16 : index
        %get3A_549 = tpu.vector_load %get3A_546[%get3A_547, %get3A_548] {strides = array<i32>} : memref<104x128xf32, #tpu.memory_space<vmem>>, vector<1x16xf32>,
        %get3A_550 = vector.shape_cast %get3A_549 : vector<1x16xf32> to vector<16xf32>
        %add3A_551 = arith.addf %scan3A_527, %get3A_550 : vector<16xf32>
        %get3A_552 = arith.constant 0 : i32
        %get3A_553 = arith.constant 0 : i32
        %get3A_554 = tpu.memref_slice %arg6[%scan3A_97, %get3A_552, %get3A_553] : memref<4x104x128xf32, #tpu.memory_space<vmem>> -> memref<1x104x128xf32, #tpu.memory_space<vmem>>
        %get3A_555 = tpu.memref_squeeze %get3A_554 : memref<1x104x128xf32, #tpu.memory_space<vmem>> -> memref<104x128xf32, #tpu.memory_space<vmem>>
        %get3A_556 = arith.index_cast %scan3A_525 : i32 to index
        %get3A_557 = arith.constant 32 : index
        %get3A_558 = tpu.vector_load %get3A_555[%get3A_556, %get3A_557] {strides = array<i32>} : memref<104x128xf32, #tpu.memory_space<vmem>>, vector<1x16xf32>,
        %get3A_559 = vector.shape_cast %get3A_558 : vector<1x16xf32> to vector<16xf32>
        %add3A_560 = arith.addf %scan3A_528, %get3A_559 : vector<16xf32>
        %get3A_561 = arith.constant 0 : i32
        %get3A_562 = arith.constant 0 : i32
        %get3A_563 = tpu.memref_slice %arg6[%scan3A_97, %get3A_561, %get3A_562] : memref<4x104x128xf32, #tpu.memory_space<vmem>> -> memref<1x104x128xf32, #tpu.memory_space<vmem>>
        %get3A_564 = tpu.memref_squeeze %get3A_563 : memref<1x104x128xf32, #tpu.memory_space<vmem>> -> memref<104x128xf32, #tpu.memory_space<vmem>>
        %get3A_565 = arith.index_cast %scan3A_525 : i32 to index
        %get3A_566 = arith.constant 48 : index
        %get3A_567 = tpu.vector_load %get3A_564[%get3A_565, %get3A_566] {strides = array<i32>} : memref<104x128xf32, #tpu.memory_space<vmem>>, vector<1x16xf32>,
        %get3A_568 = vector.shape_cast %get3A_567 : vector<1x16xf32> to vector<16xf32>
        %add3A_569 = arith.addf %scan3A_529, %get3A_568 : vector<16xf32>
        %get3A_570 = arith.constant 0 : i32
        %get3A_571 = arith.constant 0 : i32
        %get3A_572 = tpu.memref_slice %arg6[%scan3A_97, %get3A_570, %get3A_571] : memref<4x104x128xf32, #tpu.memory_space<vmem>> -> memref<1x104x128xf32, #tpu.memory_space<vmem>>
        %get3A_573 = tpu.memref_squeeze %get3A_572 : memref<1x104x128xf32, #tpu.memory_space<vmem>> -> memref<104x128xf32, #tpu.memory_space<vmem>>
        %get3A_574 = arith.index_cast %scan3A_525 : i32 to index
        %get3A_575 = arith.constant 64 : index
        %get3A_576 = tpu.vector_load %get3A_573[%get3A_574, %get3A_575] {strides = array<i32>} : memref<104x128xf32, #tpu.memory_space<vmem>>, vector<1x16xf32>,
        %get3A_577 = vector.shape_cast %get3A_576 : vector<1x16xf32> to vector<16xf32>
        %add3A_578 = arith.addf %scan3A_530, %get3A_577 : vector<16xf32>
        %get3A_579 = arith.constant 0 : i32
        %get3A_580 = arith.constant 0 : i32
        %get3A_581 = tpu.memref_slice %arg6[%scan3A_97, %get3A_579, %get3A_580] : memref<4x104x128xf32, #tpu.memory_space<vmem>> -> memref<1x104x128xf32, #tpu.memory_space<vmem>>
        %get3A_582 = tpu.memref_squeeze %get3A_581 : memref<1x104x128xf32, #tpu.memory_space<vmem>> -> memref<104x128xf32, #tpu.memory_space<vmem>>
        %get3A_583 = arith.index_cast %scan3A_525 : i32 to index
        %get3A_584 = arith.constant 80 : index
        %get3A_585 = tpu.vector_load %get3A_582[%get3A_583, %get3A_584] {strides = array<i32>} : memref<104x128xf32, #tpu.memory_space<vmem>>, vector<1x16xf32>,
        %get3A_586 = vector.shape_cast %get3A_585 : vector<1x16xf32> to vector<16xf32>
        %add3A_587 = arith.addf %scan3A_531, %get3A_586 : vector<16xf32>
        %get3A_588 = arith.constant 0 : i32
        %get3A_589 = arith.constant 0 : i32
        %get3A_590 = tpu.memref_slice %arg6[%scan3A_97, %get3A_588, %get3A_589] : memref<4x104x128xf32, #tpu.memory_space<vmem>> -> memref<1x104x128xf32, #tpu.memory_space<vmem>>
        %get3A_591 = tpu.memref_squeeze %get3A_590 : memref<1x104x128xf32, #tpu.memory_space<vmem>> -> memref<104x128xf32, #tpu.memory_space<vmem>>
        %get3A_592 = arith.index_cast %scan3A_525 : i32 to index
        %get3A_593 = arith.constant 96 : index
        %get3A_594 = tpu.vector_load %get3A_591[%get3A_592, %get3A_593] {strides = array<i32>} : memref<104x128xf32, #tpu.memory_space<vmem>>, vector<1x16xf32>,
        %get3A_595 = vector.shape_cast %get3A_594 : vector<1x16xf32> to vector<16xf32>
        %add3A_596 = arith.addf %scan3A_532, %get3A_595 : vector<16xf32>
        %get3A_597 = arith.constant 0 : i32
        %get3A_598 = arith.constant 0 : i32
        %get3A_599 = tpu.memref_slice %arg6[%scan3A_97, %get3A_597, %get3A_598] : memref<4x104x128xf32, #tpu.memory_space<vmem>> -> memref<1x104x128xf32, #tpu.memory_space<vmem>>
        %get3A_600 = tpu.memref_squeeze %get3A_599 : memref<1x104x128xf32, #tpu.memory_space<vmem>> -> memref<104x128xf32, #tpu.memory_space<vmem>>
        %get3A_601 = arith.index_cast %scan3A_525 : i32 to index
        %get3A_602 = arith.constant 112 : index
        %get3A_603 = tpu.vector_load %get3A_600[%get3A_601, %get3A_602] {strides = array<i32>} : memref<104x128xf32, #tpu.memory_space<vmem>>, vector<1x16xf32>,
        %get3A_604 = vector.shape_cast %get3A_603 : vector<1x16xf32> to vector<16xf32>
        %add3A_605 = arith.addf %scan3A_533, %get3A_604 : vector<16xf32>
        scf.yield %add3A_542, %add3A_551, %add3A_560, %add3A_569, %add3A_578, %add3A_587, %add3A_596, %add3A_605 : vector<16xf32>, vector<16xf32>, vector<16xf32>, vector<16xf32>, vector<16xf32>, vector<16xf32>, vector<16xf32>, vector<16xf32>
      }
      %scan3A_103 = arith.constant 104 : i32
      %get3A = arith.index_cast %div3A_96 : i32 to index
      %get3A_104 = arith.constant 0 : index
      %get3A_105 = tpu.vector_load %arg7[%get3A, %get3A_104] {strides = array<i32>} : memref<64x128xf32, #tpu.memory_space<vmem>>, vector<1x16xf32>,
      %get3A_106 = vector.shape_cast %get3A_105 : vector<1x16xf32> to vector<16xf32>
      %add3A_107 = arith.addf %get3A_106, %scan3A_102#0 : vector<16xf32>
      %swap3A = arith.index_cast %div3A_96 : i32 to index
      %swap3A_108 = arith.constant 0 : index
      %swap3A_109 = tpu.vector_load %arg7[%swap3A, %swap3A_108] {strides = array<i32>} : memref<64x128xf32, #tpu.memory_space<vmem>>, vector<1x16xf32>,
      %swap3A_110 = vector.shape_cast %swap3A_109 : vector<1x16xf32> to vector<16xf32>
      %swap3A_111 = vector.shape_cast %add3A_107 : vector<16xf32> to vector<1x16xf32>
      tpu.vector_store %arg7[%swap3A, %swap3A_108], %swap3A_111 {strides = array<i32>} : memref<64x128xf32, #tpu.memory_space<vmem>>, vector<1x16xf32>,
      %get3A_112 = arith.index_cast %div3A_96 : i32 to index
      %get3A_113 = arith.constant 16 : index
      %get3A_114 = tpu.vector_load %arg7[%get3A_112, %get3A_113] {strides = array<i32>} : memref<64x128xf32, #tpu.memory_space<vmem>>, vector<1x16xf32>,
      %get3A_115 = vector.shape_cast %get3A_114 : vector<1x16xf32> to vector<16xf32>
      %add3A_116 = arith.addf %get3A_115, %scan3A_102#1 : vector<16xf32>
      %swap3A_117 = arith.index_cast %div3A_96 : i32 to index
      %swap3A_118 = arith.constant 16 : index
      %swap3A_119 = tpu.vector_load %arg7[%swap3A_117, %swap3A_118] {strides = array<i32>} : memref<64x128xf32, #tpu.memory_space<vmem>>, vector<1x16xf32>,
      %swap3A_120 = vector.shape_cast %swap3A_119 : vector<1x16xf32> to vector<16xf32>
      %swap3A_121 = vector.shape_cast %add3A_116 : vector<16xf32> to vector<1x16xf32>
      tpu.vector_store %arg7[%swap3A_117, %swap3A_118], %swap3A_121 {strides = array<i32>} : memref<64x128xf32, #tpu.memory_space<vmem>>, vector<1x16xf32>,
      %get3A_122 = arith.index_cast %div3A_96 : i32 to index
      %get3A_123 = arith.constant 32 : index
      %get3A_124 = tpu.vector_load %arg7[%get3A_122, %get3A_123] {strides = array<i32>} : memref<64x128xf32, #tpu.memory_space<vmem>>, vector<1x16xf32>,
      %get3A_125 = vector.shape_cast %get3A_124 : vector<1x16xf32> to vector<16xf32>
      %add3A_126 = arith.addf %get3A_125, %scan3A_102#2 : vector<16xf32>
      %swap3A_127 = arith.index_cast %div3A_96 : i32 to index
      %swap3A_128 = arith.constant 32 : index
      %swap3A_129 = tpu.vector_load %arg7[%swap3A_127, %swap3A_128] {strides = array<i32>} : memref<64x128xf32, #tpu.memory_space<vmem>>, vector<1x16xf32>,
      %swap3A_130 = vector.shape_cast %swap3A_129 : vector<1x16xf32> to vector<16xf32>
      %swap3A_131 = vector.shape_cast %add3A_126 : vector<16xf32> to vector<1x16xf32>
      tpu.vector_store %arg7[%swap3A_127, %swap3A_128], %swap3A_131 {strides = array<i32>} : memref<64x128xf32, #tpu.memory_space<vmem>>, vector<1x16xf32>,
      %get3A_132 = arith.index_cast %div3A_96 : i32 to index
      %get3A_133 = arith.constant 48 : index
      %get3A_134 = tpu.vector_load %arg7[%get3A_132, %get3A_133] {strides = array<i32>} : memref<64x128xf32, #tpu.memory_space<vmem>>, vector<1x16xf32>,
      %get3A_135 = vector.shape_cast %get3A_134 : vector<1x16xf32> to vector<16xf32>
      %add3A_136 = arith.addf %get3A_135, %scan3A_102#3 : vector<16xf32>
      %swap3A_137 = arith.index_cast %div3A_96 : i32 to index
      %swap3A_138 = arith.constant 48 : index
      %swap3A_139 = tpu.vector_load %arg7[%swap3A_137, %swap3A_138] {strides = array<i32>} : memref<64x128xf32, #tpu.memory_space<vmem>>, vector<1x16xf32>,
      %swap3A_140 = vector.shape_cast %swap3A_139 : vector<1x16xf32> to vector<16xf32>
      %swap3A_141 = vector.shape_cast %add3A_136 : vector<16xf32> to vector<1x16xf32>
      tpu.vector_store %arg7[%swap3A_137, %swap3A_138], %swap3A_141 {strides = array<i32>} : memref<64x128xf32, #tpu.memory_space<vmem>>, vector<1x16xf32>,
      %get3A_142 = arith.index_cast %div3A_96 : i32 to index
      %get3A_143 = arith.constant 64 : index
      %get3A_144 = tpu.vector_load %arg7[%get3A_142, %get3A_143] {strides = array<i32>} : memref<64x128xf32, #tpu.memory_space<vmem>>, vector<1x16xf32>,
      %get3A_145 = vector.shape_cast %get3A_144 : vector<1x16xf32> to vector<16xf32>
      %add3A_146 = arith.addf %get3A_145, %scan3A_102#4 : vector<16xf32>
      %swap3A_147 = arith.index_cast %div3A_96 : i32 to index
      %swap3A_148 = arith.constant 64 : index
      %swap3A_149 = tpu.vector_load %arg7[%swap3A_147, %swap3A_148] {strides = array<i32>} : memref<64x128xf32, #tpu.memory_space<vmem>>, vector<1x16xf32>,
      %swap3A_150 = vector.shape_cast %swap3A_149 : vector<1x16xf32> to vector<16xf32>
      %swap3A_151 = vector.shape_cast %add3A_146 : vector<16xf32> to vector<1x16xf32>
      tpu.vector_store %arg7[%swap3A_147, %swap3A_148], %swap3A_151 {strides = array<i32>} : memref<64x128xf32, #tpu.memory_space<vmem>>, vector<1x16xf32>,
      %get3A_152 = arith.index_cast %div3A_96 : i32 to index
      %get3A_153 = arith.constant 80 : index
      %get3A_154 = tpu.vector_load %arg7[%get3A_152, %get3A_153] {strides = array<i32>} : memref<64x128xf32, #tpu.memory_space<vmem>>, vector<1x16xf32>,
      %get3A_155 = vector.shape_cast %get3A_154 : vector<1x16xf32> to vector<16xf32>
      %add3A_156 = arith.addf %get3A_155, %scan3A_102#5 : vector<16xf32>
      %swap3A_157 = arith.index_cast %div3A_96 : i32 to index
      %swap3A_158 = arith.constant 80 : index
      %swap3A_159 = tpu.vector_load %arg7[%swap3A_157, %swap3A_158] {strides = array<i32>} : memref<64x128xf32, #tpu.memory_space<vmem>>, vector<1x16xf32>,
      %swap3A_160 = vector.shape_cast %swap3A_159 : vector<1x16xf32> to vector<16xf32>
      %swap3A_161 = vector.shape_cast %add3A_156 : vector<16xf32> to vector<1x16xf32>
      tpu.vector_store %arg7[%swap3A_157, %swap3A_158], %swap3A_161 {strides = array<i32>} : memref<64x128xf32, #tpu.memory_space<vmem>>, vector<1x16xf32>,
      %get3A_162 = arith.index_cast %div3A_96 : i32 to index
      %get3A_163 = arith.constant 96 : index
      %get3A_164 = tpu.vector_load %arg7[%get3A_162, %get3A_163] {strides = array<i32>} : memref<64x128xf32, #tpu.memory_space<vmem>>, vector<1x16xf32>,
      %get3A_165 = vector.shape_cast %get3A_164 : vector<1x16xf32> to vector<16xf32>
      %add3A_166 = arith.addf %get3A_165, %scan3A_102#6 : vector<16xf32>
      %swap3A_167 = arith.index_cast %div3A_96 : i32 to index
      %swap3A_168 = arith.constant 96 : index
      %swap3A_169 = tpu.vector_load %arg7[%swap3A_167, %swap3A_168] {strides = array<i32>} : memref<64x128xf32, #tpu.memory_space<vmem>>, vector<1x16xf32>,
      %swap3A_170 = vector.shape_cast %swap3A_169 : vector<1x16xf32> to vector<16xf32>
      %swap3A_171 = vector.shape_cast %add3A_166 : vector<16xf32> to vector<1x16xf32>
      tpu.vector_store %arg7[%swap3A_167, %swap3A_168], %swap3A_171 {strides = array<i32>} : memref<64x128xf32, #tpu.memory_space<vmem>>, vector<1x16xf32>,
      %get3A_172 = arith.index_cast %div3A_96 : i32 to index
      %get3A_173 = arith.constant 112 : index
      %get3A_174 = tpu.vector_load %arg7[%get3A_172, %get3A_173] {strides = array<i32>} : memref<64x128xf32, #tpu.memory_space<vmem>>, vector<1x16xf32>,
      %get3A_175 = vector.shape_cast %get3A_174 : vector<1x16xf32> to vector<16xf32>
      %add3A_176 = arith.addf %get3A_175, %scan3A_102#7 : vector<16xf32>
      %swap3A_177 = arith.index_cast %div3A_96 : i32 to index
      %swap3A_178 = arith.constant 112 : index
      %swap3A_179 = tpu.vector_load %arg7[%swap3A_177, %swap3A_178] {strides = array<i32>} : memref<64x128xf32, #tpu.memory_space<vmem>>, vector<1x16xf32>,
      %swap3A_180 = vector.shape_cast %swap3A_179 : vector<1x16xf32> to vector<16xf32>
      %swap3A_181 = vector.shape_cast %add3A_176 : vector<16xf32> to vector<1x16xf32>
      tpu.vector_store %arg7[%swap3A_177, %swap3A_178], %swap3A_181 {strides = array<i32>} : memref<64x128xf32, #tpu.memory_space<vmem>>, vector<1x16xf32>,
      %add3A_182 = arith.constant 4 : i32
      %add3A_183 = arith.addi %add3A_82, %add3A_182 : i32
      %lt3A = arith.constant 128 : i32
      %lt3A_184 = arith.cmpi slt, %add3A_183, %lt3A : i32
      %convert_element_type3A = arith.extui %lt3A_184 : i1 to i32
      %cond3A = arith.constant 0 : i32
      %cond3A_185 = arith.cmpi ne, %convert_element_type3A, %cond3A : i32
      scf.if %cond3A_185 {
        %add3A_525 = arith.constant 4 : i32
        %add3A_526 = arith.addi %add3A_82, %add3A_525 : i32
        %div3A_527 = arith.constant 2 : i32
        %div3A_528 = arith.divsi %add3A_526, %div3A_527 : i32
        %rem3A_529 = arith.constant 2 : i32
        %rem3A_530 = arith.remsi %add3A_526, %rem3A_529 : i32
        %dma_start3A_531 = arith.constant 0 : i32
        %dma_start3A_532 = arith.constant 0 : i32
        %dma_start3A_533 = arith.constant 0 : i32
        %dma_start3A_534 = tpu.memref_slice %arg6[%dma_start3A_531, %dma_start3A_532, %dma_start3A_533] : memref<4x104x128xf32, #tpu.memory_space<vmem>> -> memref<1x104x128xf32, #tpu.memory_space<vmem>>
        %dma_start3A_535 = tpu.memref_squeeze %dma_start3A_534 : memref<1x104x128xf32, #tpu.memory_space<vmem>> -> memref<104x128xf32, #tpu.memory_space<vmem>>
        %dma_start3A_536 = arith.constant 0 : i32
        %dma_start3A_537 = tpu.memref_slice %arg5[%div3A_528, %rem3A_530, %dma_start3A_536] : memref<64x2x104xi32, #tpu.memory_space<vmem>> -> memref<1x1x104xi32, #tpu.memory_space<vmem>>
        %dma_start3A_538 = tpu.memref_squeeze %dma_start3A_537 : memref<1x1x104xi32, #tpu.memory_space<vmem>> -> memref<104xi32, #tpu.memory_space<vmem>>
        %dma_start3A_539 = arith.constant 0 : i32
        %dma_start3A_540 = arith.constant 0 : i32
        %dma_start3A_541 = tpu.memref_slice %arg3[%dma_start3A_539, %dma_start3A_540] : memref<100000x128xf32, #tpu.memory_space<hbm>> -> memref<100000x128xf32, #tpu.memory_space<hbm>>
        tpu.enqueue_indirect_dma source(%dma_start3A_541 : memref<100000x128xf32, #tpu.memory_space<hbm>>) target(%dma_start3A_535 : memref<104x128xf32, #tpu.memory_space<vmem>>) offsets(%dma_start3A_538 : memref<104xi32, #tpu.memory_space<vmem>>) semaphore(%arg8 : memref<!tpu.dma_semaphore, #tpu.memory_space<semaphore_mem>>)
      } else {
      }
      %mul3A_186 = arith.constant 4 : i32
      %mul3A_187 = arith.muli %scan3A_78, %mul3A_186 : i32
      %add3A_188 = arith.constant 1 : i32
      %add3A_189 = arith.addi %mul3A_187, %add3A_188 : i32
      %dma_wait3A_190 = arith.constant 0 : i32
      %dma_wait3A_191 = arith.constant 0 : i32
      %dma_wait3A_192 = arith.constant 1 : i32
      %dma_wait3A_193 = arith.constant 0 : i32
      %dma_wait3A_194 = arith.constant 0 : i32
      %dma_wait3A_195 = tpu.memref_slice %arg6[%dma_wait3A_192, %dma_wait3A_193, %dma_wait3A_194] : memref<4x104x128xf32, #tpu.memory_space<vmem>> -> memref<1x104x128xf32, #tpu.memory_space<vmem>>
      %dma_wait3A_196 = tpu.memref_squeeze %dma_wait3A_195 : memref<1x104x128xf32, #tpu.memory_space<vmem>> -> memref<104x128xf32, #tpu.memory_space<vmem>>
      %dma_wait3A_197 = arith.constant 0 : i32
      %dma_wait3A_198 = tpu.memref_slice %arg5[%dma_wait3A_190, %dma_wait3A_191, %dma_wait3A_197] : memref<64x2x104xi32, #tpu.memory_space<vmem>> -> memref<1x1x104xi32, #tpu.memory_space<vmem>>
      %dma_wait3A_199 = tpu.memref_squeeze %dma_wait3A_198 : memref<1x1x104xi32, #tpu.memory_space<vmem>> -> memref<104xi32, #tpu.memory_space<vmem>>
      %dma_wait3A_200 = arith.constant 0 : i32
      %dma_wait3A_201 = arith.constant 0 : i32
      %dma_wait3A_202 = tpu.memref_slice %arg3[%dma_wait3A_200, %dma_wait3A_201] : memref<100000x128xf32, #tpu.memory_space<hbm>> -> memref<100000x128xf32, #tpu.memory_space<hbm>>
      tpu.wait_indirect_dma semaphore(%arg9 : memref<!tpu.dma_semaphore, #tpu.memory_space<semaphore_mem>>) src(%dma_wait3A_202 : memref<100000x128xf32, #tpu.memory_space<hbm>>) dst(%dma_wait3A_196 : memref<104x128xf32, #tpu.memory_space<vmem>>)
      %div3A_203 = arith.constant 2 : i32
      %div3A_204 = arith.divsi %add3A_189, %div3A_203 : i32
      %scan3A_205 = arith.constant 1 : i32
      %scan3A_206 = arith.constant 0 : i32
      %scan3A_207 = arith.constant 104 : i32
      %scan3A_208 = arith.addi %scan3A_206, %scan3A_207 : i32
      %scan3A_209 = arith.constant 1 : i32
      %scan3A_210:8 = scf.for %scan3A_525 = %scan3A_206 to %scan3A_208 step %scan3A_209 iter_args(%scan3A_526 = %broadcast_in_dim3A_3, %scan3A_527 = %broadcast_in_dim3A_3, %scan3A_528 = %broadcast_in_dim3A_3, %scan3A_529 = %broadcast_in_dim3A_3, %scan3A_530 = %broadcast_in_dim3A_3, %scan3A_531 = %broadcast_in_dim3A_3, %scan3A_532 = %broadcast_in_dim3A_3, %scan3A_533 = %broadcast_in_dim3A_3) -> (vector<16xf32>, vector<16xf32>, vector<16xf32>, vector<16xf32>, vector<16xf32>, vector<16xf32>, vector<16xf32>, vector<16xf32>)  : i32 {
        %get3A_534 = arith.constant 0 : i32
        %get3A_535 = arith.constant 0 : i32
        %get3A_536 = tpu.memref_slice %arg6[%scan3A_205, %get3A_534, %get3A_535] : memref<4x104x128xf32, #tpu.memory_space<vmem>> -> memref<1x104x128xf32, #tpu.memory_space<vmem>>
        %get3A_537 = tpu.memref_squeeze %get3A_536 : memref<1x104x128xf32, #tpu.memory_space<vmem>> -> memref<104x128xf32, #tpu.memory_space<vmem>>
        %get3A_538 = arith.index_cast %scan3A_525 : i32 to index
        %get3A_539 = arith.constant 0 : index
        %get3A_540 = tpu.vector_load %get3A_537[%get3A_538, %get3A_539] {strides = array<i32>} : memref<104x128xf32, #tpu.memory_space<vmem>>, vector<1x16xf32>,
        %get3A_541 = vector.shape_cast %get3A_540 : vector<1x16xf32> to vector<16xf32>
        %add3A_542 = arith.addf %scan3A_526, %get3A_541 : vector<16xf32>
        %get3A_543 = arith.constant 0 : i32
        %get3A_544 = arith.constant 0 : i32
        %get3A_545 = tpu.memref_slice %arg6[%scan3A_205, %get3A_543, %get3A_544] : memref<4x104x128xf32, #tpu.memory_space<vmem>> -> memref<1x104x128xf32, #tpu.memory_space<vmem>>
        %get3A_546 = tpu.memref_squeeze %get3A_545 : memref<1x104x128xf32, #tpu.memory_space<vmem>> -> memref<104x128xf32, #tpu.memory_space<vmem>>
        %get3A_547 = arith.index_cast %scan3A_525 : i32 to index
        %get3A_548 = arith.constant 16 : index
        %get3A_549 = tpu.vector_load %get3A_546[%get3A_547, %get3A_548] {strides = array<i32>} : memref<104x128xf32, #tpu.memory_space<vmem>>, vector<1x16xf32>,
        %get3A_550 = vector.shape_cast %get3A_549 : vector<1x16xf32> to vector<16xf32>
        %add3A_551 = arith.addf %scan3A_527, %get3A_550 : vector<16xf32>
        %get3A_552 = arith.constant 0 : i32
        %get3A_553 = arith.constant 0 : i32
        %get3A_554 = tpu.memref_slice %arg6[%scan3A_205, %get3A_552, %get3A_553] : memref<4x104x128xf32, #tpu.memory_space<vmem>> -> memref<1x104x128xf32, #tpu.memory_space<vmem>>
        %get3A_555 = tpu.memref_squeeze %get3A_554 : memref<1x104x128xf32, #tpu.memory_space<vmem>> -> memref<104x128xf32, #tpu.memory_space<vmem>>
        %get3A_556 = arith.index_cast %scan3A_525 : i32 to index
        %get3A_557 = arith.constant 32 : index
        %get3A_558 = tpu.vector_load %get3A_555[%get3A_556, %get3A_557] {strides = array<i32>} : memref<104x128xf32, #tpu.memory_space<vmem>>, vector<1x16xf32>,
        %get3A_559 = vector.shape_cast %get3A_558 : vector<1x16xf32> to vector<16xf32>
        %add3A_560 = arith.addf %scan3A_528, %get3A_559 : vector<16xf32>
        %get3A_561 = arith.constant 0 : i32
        %get3A_562 = arith.constant 0 : i32
        %get3A_563 = tpu.memref_slice %arg6[%scan3A_205, %get3A_561, %get3A_562] : memref<4x104x128xf32, #tpu.memory_space<vmem>> -> memref<1x104x128xf32, #tpu.memory_space<vmem>>
        %get3A_564 = tpu.memref_squeeze %get3A_563 : memref<1x104x128xf32, #tpu.memory_space<vmem>> -> memref<104x128xf32, #tpu.memory_space<vmem>>
        %get3A_565 = arith.index_cast %scan3A_525 : i32 to index
        %get3A_566 = arith.constant 48 : index
        %get3A_567 = tpu.vector_load %get3A_564[%get3A_565, %get3A_566] {strides = array<i32>} : memref<104x128xf32, #tpu.memory_space<vmem>>, vector<1x16xf32>,
        %get3A_568 = vector.shape_cast %get3A_567 : vector<1x16xf32> to vector<16xf32>
        %add3A_569 = arith.addf %scan3A_529, %get3A_568 : vector<16xf32>
        %get3A_570 = arith.constant 0 : i32
        %get3A_571 = arith.constant 0 : i32
        %get3A_572 = tpu.memref_slice %arg6[%scan3A_205, %get3A_570, %get3A_571] : memref<4x104x128xf32, #tpu.memory_space<vmem>> -> memref<1x104x128xf32, #tpu.memory_space<vmem>>
        %get3A_573 = tpu.memref_squeeze %get3A_572 : memref<1x104x128xf32, #tpu.memory_space<vmem>> -> memref<104x128xf32, #tpu.memory_space<vmem>>
        %get3A_574 = arith.index_cast %scan3A_525 : i32 to index
        %get3A_575 = arith.constant 64 : index
        %get3A_576 = tpu.vector_load %get3A_573[%get3A_574, %get3A_575] {strides = array<i32>} : memref<104x128xf32, #tpu.memory_space<vmem>>, vector<1x16xf32>,
        %get3A_577 = vector.shape_cast %get3A_576 : vector<1x16xf32> to vector<16xf32>
        %add3A_578 = arith.addf %scan3A_530, %get3A_577 : vector<16xf32>
        %get3A_579 = arith.constant 0 : i32
        %get3A_580 = arith.constant 0 : i32
        %get3A_581 = tpu.memref_slice %arg6[%scan3A_205, %get3A_579, %get3A_580] : memref<4x104x128xf32, #tpu.memory_space<vmem>> -> memref<1x104x128xf32, #tpu.memory_space<vmem>>
        %get3A_582 = tpu.memref_squeeze %get3A_581 : memref<1x104x128xf32, #tpu.memory_space<vmem>> -> memref<104x128xf32, #tpu.memory_space<vmem>>
        %get3A_583 = arith.index_cast %scan3A_525 : i32 to index
        %get3A_584 = arith.constant 80 : index
        %get3A_585 = tpu.vector_load %get3A_582[%get3A_583, %get3A_584] {strides = array<i32>} : memref<104x128xf32, #tpu.memory_space<vmem>>, vector<1x16xf32>,
        %get3A_586 = vector.shape_cast %get3A_585 : vector<1x16xf32> to vector<16xf32>
        %add3A_587 = arith.addf %scan3A_531, %get3A_586 : vector<16xf32>
        %get3A_588 = arith.constant 0 : i32
        %get3A_589 = arith.constant 0 : i32
        %get3A_590 = tpu.memref_slice %arg6[%scan3A_205, %get3A_588, %get3A_589] : memref<4x104x128xf32, #tpu.memory_space<vmem>> -> memref<1x104x128xf32, #tpu.memory_space<vmem>>
        %get3A_591 = tpu.memref_squeeze %get3A_590 : memref<1x104x128xf32, #tpu.memory_space<vmem>> -> memref<104x128xf32, #tpu.memory_space<vmem>>
        %get3A_592 = arith.index_cast %scan3A_525 : i32 to index
        %get3A_593 = arith.constant 96 : index
        %get3A_594 = tpu.vector_load %get3A_591[%get3A_592, %get3A_593] {strides = array<i32>} : memref<104x128xf32, #tpu.memory_space<vmem>>, vector<1x16xf32>,
        %get3A_595 = vector.shape_cast %get3A_594 : vector<1x16xf32> to vector<16xf32>
        %add3A_596 = arith.addf %scan3A_532, %get3A_595 : vector<16xf32>
        %get3A_597 = arith.constant 0 : i32
        %get3A_598 = arith.constant 0 : i32
        %get3A_599 = tpu.memref_slice %arg6[%scan3A_205, %get3A_597, %get3A_598] : memref<4x104x128xf32, #tpu.memory_space<vmem>> -> memref<1x104x128xf32, #tpu.memory_space<vmem>>
        %get3A_600 = tpu.memref_squeeze %get3A_599 : memref<1x104x128xf32, #tpu.memory_space<vmem>> -> memref<104x128xf32, #tpu.memory_space<vmem>>
        %get3A_601 = arith.index_cast %scan3A_525 : i32 to index
        %get3A_602 = arith.constant 112 : index
        %get3A_603 = tpu.vector_load %get3A_600[%get3A_601, %get3A_602] {strides = array<i32>} : memref<104x128xf32, #tpu.memory_space<vmem>>, vector<1x16xf32>,
        %get3A_604 = vector.shape_cast %get3A_603 : vector<1x16xf32> to vector<16xf32>
        %add3A_605 = arith.addf %scan3A_533, %get3A_604 : vector<16xf32>
        scf.yield %add3A_542, %add3A_551, %add3A_560, %add3A_569, %add3A_578, %add3A_587, %add3A_596, %add3A_605 : vector<16xf32>, vector<16xf32>, vector<16xf32>, vector<16xf32>, vector<16xf32>, vector<16xf32>, vector<16xf32>, vector<16xf32>
      }
      %scan3A_211 = arith.constant 104 : i32
      %get3A_212 = arith.index_cast %div3A_204 : i32 to index
      %get3A_213 = arith.constant 0 : index
      %get3A_214 = tpu.vector_load %arg7[%get3A_212, %get3A_213] {strides = array<i32>} : memref<64x128xf32, #tpu.memory_space<vmem>>, vector<1x16xf32>,
      %get3A_215 = vector.shape_cast %get3A_214 : vector<1x16xf32> to vector<16xf32>
      %add3A_216 = arith.addf %get3A_215, %scan3A_210#0 : vector<16xf32>
      %swap3A_217 = arith.index_cast %div3A_204 : i32 to index
      %swap3A_218 = arith.constant 0 : index
      %swap3A_219 = tpu.vector_load %arg7[%swap3A_217, %swap3A_218] {strides = array<i32>} : memref<64x128xf32, #tpu.memory_space<vmem>>, vector<1x16xf32>,
      %swap3A_220 = vector.shape_cast %swap3A_219 : vector<1x16xf32> to vector<16xf32>
      %swap3A_221 = vector.shape_cast %add3A_216 : vector<16xf32> to vector<1x16xf32>
      tpu.vector_store %arg7[%swap3A_217, %swap3A_218], %swap3A_221 {strides = array<i32>} : memref<64x128xf32, #tpu.memory_space<vmem>>, vector<1x16xf32>,
      %get3A_222 = arith.index_cast %div3A_204 : i32 to index
      %get3A_223 = arith.constant 16 : index
      %get3A_224 = tpu.vector_load %arg7[%get3A_222, %get3A_223] {strides = array<i32>} : memref<64x128xf32, #tpu.memory_space<vmem>>, vector<1x16xf32>,
      %get3A_225 = vector.shape_cast %get3A_224 : vector<1x16xf32> to vector<16xf32>
      %add3A_226 = arith.addf %get3A_225, %scan3A_210#1 : vector<16xf32>
      %swap3A_227 = arith.index_cast %div3A_204 : i32 to index
      %swap3A_228 = arith.constant 16 : index
      %swap3A_229 = tpu.vector_load %arg7[%swap3A_227, %swap3A_228] {strides = array<i32>} : memref<64x128xf32, #tpu.memory_space<vmem>>, vector<1x16xf32>,
      %swap3A_230 = vector.shape_cast %swap3A_229 : vector<1x16xf32> to vector<16xf32>
      %swap3A_231 = vector.shape_cast %add3A_226 : vector<16xf32> to vector<1x16xf32>
      tpu.vector_store %arg7[%swap3A_227, %swap3A_228], %swap3A_231 {strides = array<i32>} : memref<64x128xf32, #tpu.memory_space<vmem>>, vector<1x16xf32>,
      %get3A_232 = arith.index_cast %div3A_204 : i32 to index
      %get3A_233 = arith.constant 32 : index
      %get3A_234 = tpu.vector_load %arg7[%get3A_232, %get3A_233] {strides = array<i32>} : memref<64x128xf32, #tpu.memory_space<vmem>>, vector<1x16xf32>,
      %get3A_235 = vector.shape_cast %get3A_234 : vector<1x16xf32> to vector<16xf32>
      %add3A_236 = arith.addf %get3A_235, %scan3A_210#2 : vector<16xf32>
      %swap3A_237 = arith.index_cast %div3A_204 : i32 to index
      %swap3A_238 = arith.constant 32 : index
      %swap3A_239 = tpu.vector_load %arg7[%swap3A_237, %swap3A_238] {strides = array<i32>} : memref<64x128xf32, #tpu.memory_space<vmem>>, vector<1x16xf32>,
      %swap3A_240 = vector.shape_cast %swap3A_239 : vector<1x16xf32> to vector<16xf32>
      %swap3A_241 = vector.shape_cast %add3A_236 : vector<16xf32> to vector<1x16xf32>
      tpu.vector_store %arg7[%swap3A_237, %swap3A_238], %swap3A_241 {strides = array<i32>} : memref<64x128xf32, #tpu.memory_space<vmem>>, vector<1x16xf32>,
      %get3A_242 = arith.index_cast %div3A_204 : i32 to index
      %get3A_243 = arith.constant 48 : index
      %get3A_244 = tpu.vector_load %arg7[%get3A_242, %get3A_243] {strides = array<i32>} : memref<64x128xf32, #tpu.memory_space<vmem>>, vector<1x16xf32>,
      %get3A_245 = vector.shape_cast %get3A_244 : vector<1x16xf32> to vector<16xf32>
      %add3A_246 = arith.addf %get3A_245, %scan3A_210#3 : vector<16xf32>
      %swap3A_247 = arith.index_cast %div3A_204 : i32 to index
      %swap3A_248 = arith.constant 48 : index
      %swap3A_249 = tpu.vector_load %arg7[%swap3A_247, %swap3A_248] {strides = array<i32>} : memref<64x128xf32, #tpu.memory_space<vmem>>, vector<1x16xf32>,
      %swap3A_250 = vector.shape_cast %swap3A_249 : vector<1x16xf32> to vector<16xf32>
      %swap3A_251 = vector.shape_cast %add3A_246 : vector<16xf32> to vector<1x16xf32>
      tpu.vector_store %arg7[%swap3A_247, %swap3A_248], %swap3A_251 {strides = array<i32>} : memref<64x128xf32, #tpu.memory_space<vmem>>, vector<1x16xf32>,
      %get3A_252 = arith.index_cast %div3A_204 : i32 to index
      %get3A_253 = arith.constant 64 : index
      %get3A_254 = tpu.vector_load %arg7[%get3A_252, %get3A_253] {strides = array<i32>} : memref<64x128xf32, #tpu.memory_space<vmem>>, vector<1x16xf32>,
      %get3A_255 = vector.shape_cast %get3A_254 : vector<1x16xf32> to vector<16xf32>
      %add3A_256 = arith.addf %get3A_255, %scan3A_210#4 : vector<16xf32>
      %swap3A_257 = arith.index_cast %div3A_204 : i32 to index
      %swap3A_258 = arith.constant 64 : index
      %swap3A_259 = tpu.vector_load %arg7[%swap3A_257, %swap3A_258] {strides = array<i32>} : memref<64x128xf32, #tpu.memory_space<vmem>>, vector<1x16xf32>,
      %swap3A_260 = vector.shape_cast %swap3A_259 : vector<1x16xf32> to vector<16xf32>
      %swap3A_261 = vector.shape_cast %add3A_256 : vector<16xf32> to vector<1x16xf32>
      tpu.vector_store %arg7[%swap3A_257, %swap3A_258], %swap3A_261 {strides = array<i32>} : memref<64x128xf32, #tpu.memory_space<vmem>>, vector<1x16xf32>,
      %get3A_262 = arith.index_cast %div3A_204 : i32 to index
      %get3A_263 = arith.constant 80 : index
      %get3A_264 = tpu.vector_load %arg7[%get3A_262, %get3A_263] {strides = array<i32>} : memref<64x128xf32, #tpu.memory_space<vmem>>, vector<1x16xf32>,
      %get3A_265 = vector.shape_cast %get3A_264 : vector<1x16xf32> to vector<16xf32>
      %add3A_266 = arith.addf %get3A_265, %scan3A_210#5 : vector<16xf32>
      %swap3A_267 = arith.index_cast %div3A_204 : i32 to index
      %swap3A_268 = arith.constant 80 : index
      %swap3A_269 = tpu.vector_load %arg7[%swap3A_267, %swap3A_268] {strides = array<i32>} : memref<64x128xf32, #tpu.memory_space<vmem>>, vector<1x16xf32>,
      %swap3A_270 = vector.shape_cast %swap3A_269 : vector<1x16xf32> to vector<16xf32>
      %swap3A_271 = vector.shape_cast %add3A_266 : vector<16xf32> to vector<1x16xf32>
      tpu.vector_store %arg7[%swap3A_267, %swap3A_268], %swap3A_271 {strides = array<i32>} : memref<64x128xf32, #tpu.memory_space<vmem>>, vector<1x16xf32>,
      %get3A_272 = arith.index_cast %div3A_204 : i32 to index
      %get3A_273 = arith.constant 96 : index
      %get3A_274 = tpu.vector_load %arg7[%get3A_272, %get3A_273] {strides = array<i32>} : memref<64x128xf32, #tpu.memory_space<vmem>>, vector<1x16xf32>,
      %get3A_275 = vector.shape_cast %get3A_274 : vector<1x16xf32> to vector<16xf32>
      %add3A_276 = arith.addf %get3A_275, %scan3A_210#6 : vector<16xf32>
      %swap3A_277 = arith.index_cast %div3A_204 : i32 to index
      %swap3A_278 = arith.constant 96 : index
      %swap3A_279 = tpu.vector_load %arg7[%swap3A_277, %swap3A_278] {strides = array<i32>} : memref<64x128xf32, #tpu.memory_space<vmem>>, vector<1x16xf32>,
      %swap3A_280 = vector.shape_cast %swap3A_279 : vector<1x16xf32> to vector<16xf32>
      %swap3A_281 = vector.shape_cast %add3A_276 : vector<16xf32> to vector<1x16xf32>
      tpu.vector_store %arg7[%swap3A_277, %swap3A_278], %swap3A_281 {strides = array<i32>} : memref<64x128xf32, #tpu.memory_space<vmem>>, vector<1x16xf32>,
      %get3A_282 = arith.index_cast %div3A_204 : i32 to index
      %get3A_283 = arith.constant 112 : index
      %get3A_284 = tpu.vector_load %arg7[%get3A_282, %get3A_283] {strides = array<i32>} : memref<64x128xf32, #tpu.memory_space<vmem>>, vector<1x16xf32>,
      %get3A_285 = vector.shape_cast %get3A_284 : vector<1x16xf32> to vector<16xf32>
      %add3A_286 = arith.addf %get3A_285, %scan3A_210#7 : vector<16xf32>
      %swap3A_287 = arith.index_cast %div3A_204 : i32 to index
      %swap3A_288 = arith.constant 112 : index
      %swap3A_289 = tpu.vector_load %arg7[%swap3A_287, %swap3A_288] {strides = array<i32>} : memref<64x128xf32, #tpu.memory_space<vmem>>, vector<1x16xf32>,
      %swap3A_290 = vector.shape_cast %swap3A_289 : vector<1x16xf32> to vector<16xf32>
      %swap3A_291 = vector.shape_cast %add3A_286 : vector<16xf32> to vector<1x16xf32>
      tpu.vector_store %arg7[%swap3A_287, %swap3A_288], %swap3A_291 {strides = array<i32>} : memref<64x128xf32, #tpu.memory_space<vmem>>, vector<1x16xf32>,
      %add3A_292 = arith.constant 4 : i32
      %add3A_293 = arith.addi %add3A_189, %add3A_292 : i32
      %lt3A_294 = arith.constant 128 : i32
      %lt3A_295 = arith.cmpi slt, %add3A_293, %lt3A_294 : i32
      %convert_element_type3A_296 = arith.extui %lt3A_295 : i1 to i32
      %cond3A_297 = arith.constant 0 : i32
      %cond3A_298 = arith.cmpi ne, %convert_element_type3A_296, %cond3A_297 : i32
      scf.if %cond3A_298 {
        %add3A_525 = arith.constant 4 : i32
        %add3A_526 = arith.addi %add3A_189, %add3A_525 : i32
        %div3A_527 = arith.constant 2 : i32
        %div3A_528 = arith.divsi %add3A_526, %div3A_527 : i32
        %rem3A_529 = arith.constant 2 : i32
        %rem3A_530 = arith.remsi %add3A_526, %rem3A_529 : i32
        %dma_start3A_531 = arith.constant 1 : i32
        %dma_start3A_532 = arith.constant 0 : i32
        %dma_start3A_533 = arith.constant 0 : i32
        %dma_start3A_534 = tpu.memref_slice %arg6[%dma_start3A_531, %dma_start3A_532, %dma_start3A_533] : memref<4x104x128xf32, #tpu.memory_space<vmem>> -> memref<1x104x128xf32, #tpu.memory_space<vmem>>
        %dma_start3A_535 = tpu.memref_squeeze %dma_start3A_534 : memref<1x104x128xf32, #tpu.memory_space<vmem>> -> memref<104x128xf32, #tpu.memory_space<vmem>>
        %dma_start3A_536 = arith.constant 0 : i32
        %dma_start3A_537 = tpu.memref_slice %arg5[%div3A_528, %rem3A_530, %dma_start3A_536] : memref<64x2x104xi32, #tpu.memory_space<vmem>> -> memref<1x1x104xi32, #tpu.memory_space<vmem>>
        %dma_start3A_538 = tpu.memref_squeeze %dma_start3A_537 : memref<1x1x104xi32, #tpu.memory_space<vmem>> -> memref<104xi32, #tpu.memory_space<vmem>>
        %dma_start3A_539 = arith.constant 0 : i32
        %dma_start3A_540 = arith.constant 0 : i32
        %dma_start3A_541 = tpu.memref_slice %arg3[%dma_start3A_539, %dma_start3A_540] : memref<100000x128xf32, #tpu.memory_space<hbm>> -> memref<100000x128xf32, #tpu.memory_space<hbm>>
        tpu.enqueue_indirect_dma source(%dma_start3A_541 : memref<100000x128xf32, #tpu.memory_space<hbm>>) target(%dma_start3A_535 : memref<104x128xf32, #tpu.memory_space<vmem>>) offsets(%dma_start3A_538 : memref<104xi32, #tpu.memory_space<vmem>>) semaphore(%arg9 : memref<!tpu.dma_semaphore, #tpu.memory_space<semaphore_mem>>)
      } else {
      }
      %mul3A_299 = arith.constant 4 : i32
      %mul3A_300 = arith.muli %scan3A_78, %mul3A_299 : i32
      %add3A_301 = arith.constant 2 : i32
      %add3A_302 = arith.addi %mul3A_300, %add3A_301 : i32
      %dma_wait3A_303 = arith.constant 0 : i32
      %dma_wait3A_304 = arith.constant 0 : i32
      %dma_wait3A_305 = arith.constant 2 : i32
      %dma_wait3A_306 = arith.constant 0 : i32
      %dma_wait3A_307 = arith.constant 0 : i32
      %dma_wait3A_308 = tpu.memref_slice %arg6[%dma_wait3A_305, %dma_wait3A_306, %dma_wait3A_307] : memref<4x104x128xf32, #tpu.memory_space<vmem>> -> memref<1x104x128xf32, #tpu.memory_space<vmem>>
      %dma_wait3A_309 = tpu.memref_squeeze %dma_wait3A_308 : memref<1x104x128xf32, #tpu.memory_space<vmem>> -> memref<104x128xf32, #tpu.memory_space<vmem>>
      %dma_wait3A_310 = arith.constant 0 : i32
      %dma_wait3A_311 = tpu.memref_slice %arg5[%dma_wait3A_303, %dma_wait3A_304, %dma_wait3A_310] : memref<64x2x104xi32, #tpu.memory_space<vmem>> -> memref<1x1x104xi32, #tpu.memory_space<vmem>>
      %dma_wait3A_312 = tpu.memref_squeeze %dma_wait3A_311 : memref<1x1x104xi32, #tpu.memory_space<vmem>> -> memref<104xi32, #tpu.memory_space<vmem>>
      %dma_wait3A_313 = arith.constant 0 : i32
      %dma_wait3A_314 = arith.constant 0 : i32
      %dma_wait3A_315 = tpu.memref_slice %arg3[%dma_wait3A_313, %dma_wait3A_314] : memref<100000x128xf32, #tpu.memory_space<hbm>> -> memref<100000x128xf32, #tpu.memory_space<hbm>>
      tpu.wait_indirect_dma semaphore(%arg10 : memref<!tpu.dma_semaphore, #tpu.memory_space<semaphore_mem>>) src(%dma_wait3A_315 : memref<100000x128xf32, #tpu.memory_space<hbm>>) dst(%dma_wait3A_309 : memref<104x128xf32, #tpu.memory_space<vmem>>)
      %div3A_316 = arith.constant 2 : i32
      %div3A_317 = arith.divsi %add3A_302, %div3A_316 : i32
      %scan3A_318 = arith.constant 2 : i32
      %scan3A_319 = arith.constant 0 : i32
      %scan3A_320 = arith.constant 104 : i32
      %scan3A_321 = arith.addi %scan3A_319, %scan3A_320 : i32
      %scan3A_322 = arith.constant 1 : i32
      %scan3A_323:8 = scf.for %scan3A_525 = %scan3A_319 to %scan3A_321 step %scan3A_322 iter_args(%scan3A_526 = %broadcast_in_dim3A_3, %scan3A_527 = %broadcast_in_dim3A_3, %scan3A_528 = %broadcast_in_dim3A_3, %scan3A_529 = %broadcast_in_dim3A_3, %scan3A_530 = %broadcast_in_dim3A_3, %scan3A_531 = %broadcast_in_dim3A_3, %scan3A_532 = %broadcast_in_dim3A_3, %scan3A_533 = %broadcast_in_dim3A_3) -> (vector<16xf32>, vector<16xf32>, vector<16xf32>, vector<16xf32>, vector<16xf32>, vector<16xf32>, vector<16xf32>, vector<16xf32>)  : i32 {
        %get3A_534 = arith.constant 0 : i32
        %get3A_535 = arith.constant 0 : i32
        %get3A_536 = tpu.memref_slice %arg6[%scan3A_318, %get3A_534, %get3A_535] : memref<4x104x128xf32, #tpu.memory_space<vmem>> -> memref<1x104x128xf32, #tpu.memory_space<vmem>>
        %get3A_537 = tpu.memref_squeeze %get3A_536 : memref<1x104x128xf32, #tpu.memory_space<vmem>> -> memref<104x128xf32, #tpu.memory_space<vmem>>
        %get3A_538 = arith.index_cast %scan3A_525 : i32 to index
        %get3A_539 = arith.constant 0 : index
        %get3A_540 = tpu.vector_load %get3A_537[%get3A_538, %get3A_539] {strides = array<i32>} : memref<104x128xf32, #tpu.memory_space<vmem>>, vector<1x16xf32>,
        %get3A_541 = vector.shape_cast %get3A_540 : vector<1x16xf32> to vector<16xf32>
        %add3A_542 = arith.addf %scan3A_526, %get3A_541 : vector<16xf32>
        %get3A_543 = arith.constant 0 : i32
        %get3A_544 = arith.constant 0 : i32
        %get3A_545 = tpu.memref_slice %arg6[%scan3A_318, %get3A_543, %get3A_544] : memref<4x104x128xf32, #tpu.memory_space<vmem>> -> memref<1x104x128xf32, #tpu.memory_space<vmem>>
        %get3A_546 = tpu.memref_squeeze %get3A_545 : memref<1x104x128xf32, #tpu.memory_space<vmem>> -> memref<104x128xf32, #tpu.memory_space<vmem>>
        %get3A_547 = arith.index_cast %scan3A_525 : i32 to index
        %get3A_548 = arith.constant 16 : index
        %get3A_549 = tpu.vector_load %get3A_546[%get3A_547, %get3A_548] {strides = array<i32>} : memref<104x128xf32, #tpu.memory_space<vmem>>, vector<1x16xf32>,
        %get3A_550 = vector.shape_cast %get3A_549 : vector<1x16xf32> to vector<16xf32>
        %add3A_551 = arith.addf %scan3A_527, %get3A_550 : vector<16xf32>
        %get3A_552 = arith.constant 0 : i32
        %get3A_553 = arith.constant 0 : i32
        %get3A_554 = tpu.memref_slice %arg6[%scan3A_318, %get3A_552, %get3A_553] : memref<4x104x128xf32, #tpu.memory_space<vmem>> -> memref<1x104x128xf32, #tpu.memory_space<vmem>>
        %get3A_555 = tpu.memref_squeeze %get3A_554 : memref<1x104x128xf32, #tpu.memory_space<vmem>> -> memref<104x128xf32, #tpu.memory_space<vmem>>
        %get3A_556 = arith.index_cast %scan3A_525 : i32 to index
        %get3A_557 = arith.constant 32 : index
        %get3A_558 = tpu.vector_load %get3A_555[%get3A_556, %get3A_557] {strides = array<i32>} : memref<104x128xf32, #tpu.memory_space<vmem>>, vector<1x16xf32>,
        %get3A_559 = vector.shape_cast %get3A_558 : vector<1x16xf32> to vector<16xf32>
        %add3A_560 = arith.addf %scan3A_528, %get3A_559 : vector<16xf32>
        %get3A_561 = arith.constant 0 : i32
        %get3A_562 = arith.constant 0 : i32
        %get3A_563 = tpu.memref_slice %arg6[%scan3A_318, %get3A_561, %get3A_562] : memref<4x104x128xf32, #tpu.memory_space<vmem>> -> memref<1x104x128xf32, #tpu.memory_space<vmem>>
        %get3A_564 = tpu.memref_squeeze %get3A_563 : memref<1x104x128xf32, #tpu.memory_space<vmem>> -> memref<104x128xf32, #tpu.memory_space<vmem>>
        %get3A_565 = arith.index_cast %scan3A_525 : i32 to index
        %get3A_566 = arith.constant 48 : index
        %get3A_567 = tpu.vector_load %get3A_564[%get3A_565, %get3A_566] {strides = array<i32>} : memref<104x128xf32, #tpu.memory_space<vmem>>, vector<1x16xf32>,
        %get3A_568 = vector.shape_cast %get3A_567 : vector<1x16xf32> to vector<16xf32>
        %add3A_569 = arith.addf %scan3A_529, %get3A_568 : vector<16xf32>
        %get3A_570 = arith.constant 0 : i32
        %get3A_571 = arith.constant 0 : i32
        %get3A_572 = tpu.memref_slice %arg6[%scan3A_318, %get3A_570, %get3A_571] : memref<4x104x128xf32, #tpu.memory_space<vmem>> -> memref<1x104x128xf32, #tpu.memory_space<vmem>>
        %get3A_573 = tpu.memref_squeeze %get3A_572 : memref<1x104x128xf32, #tpu.memory_space<vmem>> -> memref<104x128xf32, #tpu.memory_space<vmem>>
        %get3A_574 = arith.index_cast %scan3A_525 : i32 to index
        %get3A_575 = arith.constant 64 : index
        %get3A_576 = tpu.vector_load %get3A_573[%get3A_574, %get3A_575] {strides = array<i32>} : memref<104x128xf32, #tpu.memory_space<vmem>>, vector<1x16xf32>,
        %get3A_577 = vector.shape_cast %get3A_576 : vector<1x16xf32> to vector<16xf32>
        %add3A_578 = arith.addf %scan3A_530, %get3A_577 : vector<16xf32>
        %get3A_579 = arith.constant 0 : i32
        %get3A_580 = arith.constant 0 : i32
        %get3A_581 = tpu.memref_slice %arg6[%scan3A_318, %get3A_579, %get3A_580] : memref<4x104x128xf32, #tpu.memory_space<vmem>> -> memref<1x104x128xf32, #tpu.memory_space<vmem>>
        %get3A_582 = tpu.memref_squeeze %get3A_581 : memref<1x104x128xf32, #tpu.memory_space<vmem>> -> memref<104x128xf32, #tpu.memory_space<vmem>>
        %get3A_583 = arith.index_cast %scan3A_525 : i32 to index
        %get3A_584 = arith.constant 80 : index
        %get3A_585 = tpu.vector_load %get3A_582[%get3A_583, %get3A_584] {strides = array<i32>} : memref<104x128xf32, #tpu.memory_space<vmem>>, vector<1x16xf32>,
        %get3A_586 = vector.shape_cast %get3A_585 : vector<1x16xf32> to vector<16xf32>
        %add3A_587 = arith.addf %scan3A_531, %get3A_586 : vector<16xf32>
        %get3A_588 = arith.constant 0 : i32
        %get3A_589 = arith.constant 0 : i32
        %get3A_590 = tpu.memref_slice %arg6[%scan3A_318, %get3A_588, %get3A_589] : memref<4x104x128xf32, #tpu.memory_space<vmem>> -> memref<1x104x128xf32, #tpu.memory_space<vmem>>
        %get3A_591 = tpu.memref_squeeze %get3A_590 : memref<1x104x128xf32, #tpu.memory_space<vmem>> -> memref<104x128xf32, #tpu.memory_space<vmem>>
        %get3A_592 = arith.index_cast %scan3A_525 : i32 to index
        %get3A_593 = arith.constant 96 : index
        %get3A_594 = tpu.vector_load %get3A_591[%get3A_592, %get3A_593] {strides = array<i32>} : memref<104x128xf32, #tpu.memory_space<vmem>>, vector<1x16xf32>,
        %get3A_595 = vector.shape_cast %get3A_594 : vector<1x16xf32> to vector<16xf32>
        %add3A_596 = arith.addf %scan3A_532, %get3A_595 : vector<16xf32>
        %get3A_597 = arith.constant 0 : i32
        %get3A_598 = arith.constant 0 : i32
        %get3A_599 = tpu.memref_slice %arg6[%scan3A_318, %get3A_597, %get3A_598] : memref<4x104x128xf32, #tpu.memory_space<vmem>> -> memref<1x104x128xf32, #tpu.memory_space<vmem>>
        %get3A_600 = tpu.memref_squeeze %get3A_599 : memref<1x104x128xf32, #tpu.memory_space<vmem>> -> memref<104x128xf32, #tpu.memory_space<vmem>>
        %get3A_601 = arith.index_cast %scan3A_525 : i32 to index
        %get3A_602 = arith.constant 112 : index
        %get3A_603 = tpu.vector_load %get3A_600[%get3A_601, %get3A_602] {strides = array<i32>} : memref<104x128xf32, #tpu.memory_space<vmem>>, vector<1x16xf32>,
        %get3A_604 = vector.shape_cast %get3A_603 : vector<1x16xf32> to vector<16xf32>
        %add3A_605 = arith.addf %scan3A_533, %get3A_604 : vector<16xf32>
        scf.yield %add3A_542, %add3A_551, %add3A_560, %add3A_569, %add3A_578, %add3A_587, %add3A_596, %add3A_605 : vector<16xf32>, vector<16xf32>, vector<16xf32>, vector<16xf32>, vector<16xf32>, vector<16xf32>, vector<16xf32>, vector<16xf32>
      }
      %scan3A_324 = arith.constant 104 : i32
      %get3A_325 = arith.index_cast %div3A_317 : i32 to index
      %get3A_326 = arith.constant 0 : index
      %get3A_327 = tpu.vector_load %arg7[%get3A_325, %get3A_326] {strides = array<i32>} : memref<64x128xf32, #tpu.memory_space<vmem>>, vector<1x16xf32>,
      %get3A_328 = vector.shape_cast %get3A_327 : vector<1x16xf32> to vector<16xf32>
      %add3A_329 = arith.addf %get3A_328, %scan3A_323#0 : vector<16xf32>
      %swap3A_330 = arith.index_cast %div3A_317 : i32 to index
      %swap3A_331 = arith.constant 0 : index
      %swap3A_332 = tpu.vector_load %arg7[%swap3A_330, %swap3A_331] {strides = array<i32>} : memref<64x128xf32, #tpu.memory_space<vmem>>, vector<1x16xf32>,
      %swap3A_333 = vector.shape_cast %swap3A_332 : vector<1x16xf32> to vector<16xf32>
      %swap3A_334 = vector.shape_cast %add3A_329 : vector<16xf32> to vector<1x16xf32>
      tpu.vector_store %arg7[%swap3A_330, %swap3A_331], %swap3A_334 {strides = array<i32>} : memref<64x128xf32, #tpu.memory_space<vmem>>, vector<1x16xf32>,
      %get3A_335 = arith.index_cast %div3A_317 : i32 to index
      %get3A_336 = arith.constant 16 : index
      %get3A_337 = tpu.vector_load %arg7[%get3A_335, %get3A_336] {strides = array<i32>} : memref<64x128xf32, #tpu.memory_space<vmem>>, vector<1x16xf32>,
      %get3A_338 = vector.shape_cast %get3A_337 : vector<1x16xf32> to vector<16xf32>
      %add3A_339 = arith.addf %get3A_338, %scan3A_323#1 : vector<16xf32>
      %swap3A_340 = arith.index_cast %div3A_317 : i32 to index
      %swap3A_341 = arith.constant 16 : index
      %swap3A_342 = tpu.vector_load %arg7[%swap3A_340, %swap3A_341] {strides = array<i32>} : memref<64x128xf32, #tpu.memory_space<vmem>>, vector<1x16xf32>,
      %swap3A_343 = vector.shape_cast %swap3A_342 : vector<1x16xf32> to vector<16xf32>
      %swap3A_344 = vector.shape_cast %add3A_339 : vector<16xf32> to vector<1x16xf32>
      tpu.vector_store %arg7[%swap3A_340, %swap3A_341], %swap3A_344 {strides = array<i32>} : memref<64x128xf32, #tpu.memory_space<vmem>>, vector<1x16xf32>,
      %get3A_345 = arith.index_cast %div3A_317 : i32 to index
      %get3A_346 = arith.constant 32 : index
      %get3A_347 = tpu.vector_load %arg7[%get3A_345, %get3A_346] {strides = array<i32>} : memref<64x128xf32, #tpu.memory_space<vmem>>, vector<1x16xf32>,
      %get3A_348 = vector.shape_cast %get3A_347 : vector<1x16xf32> to vector<16xf32>
      %add3A_349 = arith.addf %get3A_348, %scan3A_323#2 : vector<16xf32>
      %swap3A_350 = arith.index_cast %div3A_317 : i32 to index
      %swap3A_351 = arith.constant 32 : index
      %swap3A_352 = tpu.vector_load %arg7[%swap3A_350, %swap3A_351] {strides = array<i32>} : memref<64x128xf32, #tpu.memory_space<vmem>>, vector<1x16xf32>,
      %swap3A_353 = vector.shape_cast %swap3A_352 : vector<1x16xf32> to vector<16xf32>
      %swap3A_354 = vector.shape_cast %add3A_349 : vector<16xf32> to vector<1x16xf32>
      tpu.vector_store %arg7[%swap3A_350, %swap3A_351], %swap3A_354 {strides = array<i32>} : memref<64x128xf32, #tpu.memory_space<vmem>>, vector<1x16xf32>,
      %get3A_355 = arith.index_cast %div3A_317 : i32 to index
      %get3A_356 = arith.constant 48 : index
      %get3A_357 = tpu.vector_load %arg7[%get3A_355, %get3A_356] {strides = array<i32>} : memref<64x128xf32, #tpu.memory_space<vmem>>, vector<1x16xf32>,
      %get3A_358 = vector.shape_cast %get3A_357 : vector<1x16xf32> to vector<16xf32>
      %add3A_359 = arith.addf %get3A_358, %scan3A_323#3 : vector<16xf32>
      %swap3A_360 = arith.index_cast %div3A_317 : i32 to index
      %swap3A_361 = arith.constant 48 : index
      %swap3A_362 = tpu.vector_load %arg7[%swap3A_360, %swap3A_361] {strides = array<i32>} : memref<64x128xf32, #tpu.memory_space<vmem>>, vector<1x16xf32>,
      %swap3A_363 = vector.shape_cast %swap3A_362 : vector<1x16xf32> to vector<16xf32>
      %swap3A_364 = vector.shape_cast %add3A_359 : vector<16xf32> to vector<1x16xf32>
      tpu.vector_store %arg7[%swap3A_360, %swap3A_361], %swap3A_364 {strides = array<i32>} : memref<64x128xf32, #tpu.memory_space<vmem>>, vector<1x16xf32>,
      %get3A_365 = arith.index_cast %div3A_317 : i32 to index
      %get3A_366 = arith.constant 64 : index
      %get3A_367 = tpu.vector_load %arg7[%get3A_365, %get3A_366] {strides = array<i32>} : memref<64x128xf32, #tpu.memory_space<vmem>>, vector<1x16xf32>,
      %get3A_368 = vector.shape_cast %get3A_367 : vector<1x16xf32> to vector<16xf32>
      %add3A_369 = arith.addf %get3A_368, %scan3A_323#4 : vector<16xf32>
      %swap3A_370 = arith.index_cast %div3A_317 : i32 to index
      %swap3A_371 = arith.constant 64 : index
      %swap3A_372 = tpu.vector_load %arg7[%swap3A_370, %swap3A_371] {strides = array<i32>} : memref<64x128xf32, #tpu.memory_space<vmem>>, vector<1x16xf32>,
      %swap3A_373 = vector.shape_cast %swap3A_372 : vector<1x16xf32> to vector<16xf32>
      %swap3A_374 = vector.shape_cast %add3A_369 : vector<16xf32> to vector<1x16xf32>
      tpu.vector_store %arg7[%swap3A_370, %swap3A_371], %swap3A_374 {strides = array<i32>} : memref<64x128xf32, #tpu.memory_space<vmem>>, vector<1x16xf32>,
      %get3A_375 = arith.index_cast %div3A_317 : i32 to index
      %get3A_376 = arith.constant 80 : index
      %get3A_377 = tpu.vector_load %arg7[%get3A_375, %get3A_376] {strides = array<i32>} : memref<64x128xf32, #tpu.memory_space<vmem>>, vector<1x16xf32>,
      %get3A_378 = vector.shape_cast %get3A_377 : vector<1x16xf32> to vector<16xf32>
      %add3A_379 = arith.addf %get3A_378, %scan3A_323#5 : vector<16xf32>
      %swap3A_380 = arith.index_cast %div3A_317 : i32 to index
      %swap3A_381 = arith.constant 80 : index
      %swap3A_382 = tpu.vector_load %arg7[%swap3A_380, %swap3A_381] {strides = array<i32>} : memref<64x128xf32, #tpu.memory_space<vmem>>, vector<1x16xf32>,
      %swap3A_383 = vector.shape_cast %swap3A_382 : vector<1x16xf32> to vector<16xf32>
      %swap3A_384 = vector.shape_cast %add3A_379 : vector<16xf32> to vector<1x16xf32>
      tpu.vector_store %arg7[%swap3A_380, %swap3A_381], %swap3A_384 {strides = array<i32>} : memref<64x128xf32, #tpu.memory_space<vmem>>, vector<1x16xf32>,
      %get3A_385 = arith.index_cast %div3A_317 : i32 to index
      %get3A_386 = arith.constant 96 : index
      %get3A_387 = tpu.vector_load %arg7[%get3A_385, %get3A_386] {strides = array<i32>} : memref<64x128xf32, #tpu.memory_space<vmem>>, vector<1x16xf32>,
      %get3A_388 = vector.shape_cast %get3A_387 : vector<1x16xf32> to vector<16xf32>
      %add3A_389 = arith.addf %get3A_388, %scan3A_323#6 : vector<16xf32>
      %swap3A_390 = arith.index_cast %div3A_317 : i32 to index
      %swap3A_391 = arith.constant 96 : index
      %swap3A_392 = tpu.vector_load %arg7[%swap3A_390, %swap3A_391] {strides = array<i32>} : memref<64x128xf32, #tpu.memory_space<vmem>>, vector<1x16xf32>,
      %swap3A_393 = vector.shape_cast %swap3A_392 : vector<1x16xf32> to vector<16xf32>
      %swap3A_394 = vector.shape_cast %add3A_389 : vector<16xf32> to vector<1x16xf32>
      tpu.vector_store %arg7[%swap3A_390, %swap3A_391], %swap3A_394 {strides = array<i32>} : memref<64x128xf32, #tpu.memory_space<vmem>>, vector<1x16xf32>,
      %get3A_395 = arith.index_cast %div3A_317 : i32 to index
      %get3A_396 = arith.constant 112 : index
      %get3A_397 = tpu.vector_load %arg7[%get3A_395, %get3A_396] {strides = array<i32>} : memref<64x128xf32, #tpu.memory_space<vmem>>, vector<1x16xf32>,
      %get3A_398 = vector.shape_cast %get3A_397 : vector<1x16xf32> to vector<16xf32>
      %add3A_399 = arith.addf %get3A_398, %scan3A_323#7 : vector<16xf32>
      %swap3A_400 = arith.index_cast %div3A_317 : i32 to index
      %swap3A_401 = arith.constant 112 : index
      %swap3A_402 = tpu.vector_load %arg7[%swap3A_400, %swap3A_401] {strides = array<i32>} : memref<64x128xf32, #tpu.memory_space<vmem>>, vector<1x16xf32>,
      %swap3A_403 = vector.shape_cast %swap3A_402 : vector<1x16xf32> to vector<16xf32>
      %swap3A_404 = vector.shape_cast %add3A_399 : vector<16xf32> to vector<1x16xf32>
      tpu.vector_store %arg7[%swap3A_400, %swap3A_401], %swap3A_404 {strides = array<i32>} : memref<64x128xf32, #tpu.memory_space<vmem>>, vector<1x16xf32>,
      %add3A_405 = arith.constant 4 : i32
      %add3A_406 = arith.addi %add3A_302, %add3A_405 : i32
      %lt3A_407 = arith.constant 128 : i32
      %lt3A_408 = arith.cmpi slt, %add3A_406, %lt3A_407 : i32
      %convert_element_type3A_409 = arith.extui %lt3A_408 : i1 to i32
      %cond3A_410 = arith.constant 0 : i32
      %cond3A_411 = arith.cmpi ne, %convert_element_type3A_409, %cond3A_410 : i32
      scf.if %cond3A_411 {
        %add3A_525 = arith.constant 4 : i32
        %add3A_526 = arith.addi %add3A_302, %add3A_525 : i32
        %div3A_527 = arith.constant 2 : i32
        %div3A_528 = arith.divsi %add3A_526, %div3A_527 : i32
        %rem3A_529 = arith.constant 2 : i32
        %rem3A_530 = arith.remsi %add3A_526, %rem3A_529 : i32
        %dma_start3A_531 = arith.constant 2 : i32
        %dma_start3A_532 = arith.constant 0 : i32
        %dma_start3A_533 = arith.constant 0 : i32
        %dma_start3A_534 = tpu.memref_slice %arg6[%dma_start3A_531, %dma_start3A_532, %dma_start3A_533] : memref<4x104x128xf32, #tpu.memory_space<vmem>> -> memref<1x104x128xf32, #tpu.memory_space<vmem>>
        %dma_start3A_535 = tpu.memref_squeeze %dma_start3A_534 : memref<1x104x128xf32, #tpu.memory_space<vmem>> -> memref<104x128xf32, #tpu.memory_space<vmem>>
        %dma_start3A_536 = arith.constant 0 : i32
        %dma_start3A_537 = tpu.memref_slice %arg5[%div3A_528, %rem3A_530, %dma_start3A_536] : memref<64x2x104xi32, #tpu.memory_space<vmem>> -> memref<1x1x104xi32, #tpu.memory_space<vmem>>
        %dma_start3A_538 = tpu.memref_squeeze %dma_start3A_537 : memref<1x1x104xi32, #tpu.memory_space<vmem>> -> memref<104xi32, #tpu.memory_space<vmem>>
        %dma_start3A_539 = arith.constant 0 : i32
        %dma_start3A_540 = arith.constant 0 : i32
        %dma_start3A_541 = tpu.memref_slice %arg3[%dma_start3A_539, %dma_start3A_540] : memref<100000x128xf32, #tpu.memory_space<hbm>> -> memref<100000x128xf32, #tpu.memory_space<hbm>>
        tpu.enqueue_indirect_dma source(%dma_start3A_541 : memref<100000x128xf32, #tpu.memory_space<hbm>>) target(%dma_start3A_535 : memref<104x128xf32, #tpu.memory_space<vmem>>) offsets(%dma_start3A_538 : memref<104xi32, #tpu.memory_space<vmem>>) semaphore(%arg10 : memref<!tpu.dma_semaphore, #tpu.memory_space<semaphore_mem>>)
      } else {
      }
      %mul3A_412 = arith.constant 4 : i32
      %mul3A_413 = arith.muli %scan3A_78, %mul3A_412 : i32
      %add3A_414 = arith.constant 3 : i32
      %add3A_415 = arith.addi %mul3A_413, %add3A_414 : i32
      %dma_wait3A_416 = arith.constant 0 : i32
      %dma_wait3A_417 = arith.constant 0 : i32
      %dma_wait3A_418 = arith.constant 3 : i32
      %dma_wait3A_419 = arith.constant 0 : i32
      %dma_wait3A_420 = arith.constant 0 : i32
      %dma_wait3A_421 = tpu.memref_slice %arg6[%dma_wait3A_418, %dma_wait3A_419, %dma_wait3A_420] : memref<4x104x128xf32, #tpu.memory_space<vmem>> -> memref<1x104x128xf32, #tpu.memory_space<vmem>>
      %dma_wait3A_422 = tpu.memref_squeeze %dma_wait3A_421 : memref<1x104x128xf32, #tpu.memory_space<vmem>> -> memref<104x128xf32, #tpu.memory_space<vmem>>
      %dma_wait3A_423 = arith.constant 0 : i32
      %dma_wait3A_424 = tpu.memref_slice %arg5[%dma_wait3A_416, %dma_wait3A_417, %dma_wait3A_423] : memref<64x2x104xi32, #tpu.memory_space<vmem>> -> memref<1x1x104xi32, #tpu.memory_space<vmem>>
      %dma_wait3A_425 = tpu.memref_squeeze %dma_wait3A_424 : memref<1x1x104xi32, #tpu.memory_space<vmem>> -> memref<104xi32, #tpu.memory_space<vmem>>
      %dma_wait3A_426 = arith.constant 0 : i32
      %dma_wait3A_427 = arith.constant 0 : i32
      %dma_wait3A_428 = tpu.memref_slice %arg3[%dma_wait3A_426, %dma_wait3A_427] : memref<100000x128xf32, #tpu.memory_space<hbm>> -> memref<100000x128xf32, #tpu.memory_space<hbm>>
      tpu.wait_indirect_dma semaphore(%arg11 : memref<!tpu.dma_semaphore, #tpu.memory_space<semaphore_mem>>) src(%dma_wait3A_428 : memref<100000x128xf32, #tpu.memory_space<hbm>>) dst(%dma_wait3A_422 : memref<104x128xf32, #tpu.memory_space<vmem>>)
      %div3A_429 = arith.constant 2 : i32
      %div3A_430 = arith.divsi %add3A_415, %div3A_429 : i32
      %scan3A_431 = arith.constant 3 : i32
      %scan3A_432 = arith.constant 0 : i32
      %scan3A_433 = arith.constant 104 : i32
      %scan3A_434 = arith.addi %scan3A_432, %scan3A_433 : i32
      %scan3A_435 = arith.constant 1 : i32
      %scan3A_436:8 = scf.for %scan3A_525 = %scan3A_432 to %scan3A_434 step %scan3A_435 iter_args(%scan3A_526 = %broadcast_in_dim3A_3, %scan3A_527 = %broadcast_in_dim3A_3, %scan3A_528 = %broadcast_in_dim3A_3, %scan3A_529 = %broadcast_in_dim3A_3, %scan3A_530 = %broadcast_in_dim3A_3, %scan3A_531 = %broadcast_in_dim3A_3, %scan3A_532 = %broadcast_in_dim3A_3, %scan3A_533 = %broadcast_in_dim3A_3) -> (vector<16xf32>, vector<16xf32>, vector<16xf32>, vector<16xf32>, vector<16xf32>, vector<16xf32>, vector<16xf32>, vector<16xf32>)  : i32 {
        %get3A_534 = arith.constant 0 : i32
        %get3A_535 = arith.constant 0 : i32
        %get3A_536 = tpu.memref_slice %arg6[%scan3A_431, %get3A_534, %get3A_535] : memref<4x104x128xf32, #tpu.memory_space<vmem>> -> memref<1x104x128xf32, #tpu.memory_space<vmem>>
        %get3A_537 = tpu.memref_squeeze %get3A_536 : memref<1x104x128xf32, #tpu.memory_space<vmem>> -> memref<104x128xf32, #tpu.memory_space<vmem>>
        %get3A_538 = arith.index_cast %scan3A_525 : i32 to index
        %get3A_539 = arith.constant 0 : index
        %get3A_540 = tpu.vector_load %get3A_537[%get3A_538, %get3A_539] {strides = array<i32>} : memref<104x128xf32, #tpu.memory_space<vmem>>, vector<1x16xf32>,
        %get3A_541 = vector.shape_cast %get3A_540 : vector<1x16xf32> to vector<16xf32>
        %add3A_542 = arith.addf %scan3A_526, %get3A_541 : vector<16xf32>
        %get3A_543 = arith.constant 0 : i32
        %get3A_544 = arith.constant 0 : i32
        %get3A_545 = tpu.memref_slice %arg6[%scan3A_431, %get3A_543, %get3A_544] : memref<4x104x128xf32, #tpu.memory_space<vmem>> -> memref<1x104x128xf32, #tpu.memory_space<vmem>>
        %get3A_546 = tpu.memref_squeeze %get3A_545 : memref<1x104x128xf32, #tpu.memory_space<vmem>> -> memref<104x128xf32, #tpu.memory_space<vmem>>
        %get3A_547 = arith.index_cast %scan3A_525 : i32 to index
        %get3A_548 = arith.constant 16 : index
        %get3A_549 = tpu.vector_load %get3A_546[%get3A_547, %get3A_548] {strides = array<i32>} : memref<104x128xf32, #tpu.memory_space<vmem>>, vector<1x16xf32>,
        %get3A_550 = vector.shape_cast %get3A_549 : vector<1x16xf32> to vector<16xf32>
        %add3A_551 = arith.addf %scan3A_527, %get3A_550 : vector<16xf32>
        %get3A_552 = arith.constant 0 : i32
        %get3A_553 = arith.constant 0 : i32
        %get3A_554 = tpu.memref_slice %arg6[%scan3A_431, %get3A_552, %get3A_553] : memref<4x104x128xf32, #tpu.memory_space<vmem>> -> memref<1x104x128xf32, #tpu.memory_space<vmem>>
        %get3A_555 = tpu.memref_squeeze %get3A_554 : memref<1x104x128xf32, #tpu.memory_space<vmem>> -> memref<104x128xf32, #tpu.memory_space<vmem>>
        %get3A_556 = arith.index_cast %scan3A_525 : i32 to index
        %get3A_557 = arith.constant 32 : index
        %get3A_558 = tpu.vector_load %get3A_555[%get3A_556, %get3A_557] {strides = array<i32>} : memref<104x128xf32, #tpu.memory_space<vmem>>, vector<1x16xf32>,
        %get3A_559 = vector.shape_cast %get3A_558 : vector<1x16xf32> to vector<16xf32>
        %add3A_560 = arith.addf %scan3A_528, %get3A_559 : vector<16xf32>
        %get3A_561 = arith.constant 0 : i32
        %get3A_562 = arith.constant 0 : i32
        %get3A_563 = tpu.memref_slice %arg6[%scan3A_431, %get3A_561, %get3A_562] : memref<4x104x128xf32, #tpu.memory_space<vmem>> -> memref<1x104x128xf32, #tpu.memory_space<vmem>>
        %get3A_564 = tpu.memref_squeeze %get3A_563 : memref<1x104x128xf32, #tpu.memory_space<vmem>> -> memref<104x128xf32, #tpu.memory_space<vmem>>
        %get3A_565 = arith.index_cast %scan3A_525 : i32 to index
        %get3A_566 = arith.constant 48 : index
        %get3A_567 = tpu.vector_load %get3A_564[%get3A_565, %get3A_566] {strides = array<i32>} : memref<104x128xf32, #tpu.memory_space<vmem>>, vector<1x16xf32>,
        %get3A_568 = vector.shape_cast %get3A_567 : vector<1x16xf32> to vector<16xf32>
        %add3A_569 = arith.addf %scan3A_529, %get3A_568 : vector<16xf32>
        %get3A_570 = arith.constant 0 : i32
        %get3A_571 = arith.constant 0 : i32
        %get3A_572 = tpu.memref_slice %arg6[%scan3A_431, %get3A_570, %get3A_571] : memref<4x104x128xf32, #tpu.memory_space<vmem>> -> memref<1x104x128xf32, #tpu.memory_space<vmem>>
        %get3A_573 = tpu.memref_squeeze %get3A_572 : memref<1x104x128xf32, #tpu.memory_space<vmem>> -> memref<104x128xf32, #tpu.memory_space<vmem>>
        %get3A_574 = arith.index_cast %scan3A_525 : i32 to index
        %get3A_575 = arith.constant 64 : index
        %get3A_576 = tpu.vector_load %get3A_573[%get3A_574, %get3A_575] {strides = array<i32>} : memref<104x128xf32, #tpu.memory_space<vmem>>, vector<1x16xf32>,
        %get3A_577 = vector.shape_cast %get3A_576 : vector<1x16xf32> to vector<16xf32>
        %add3A_578 = arith.addf %scan3A_530, %get3A_577 : vector<16xf32>
        %get3A_579 = arith.constant 0 : i32
        %get3A_580 = arith.constant 0 : i32
        %get3A_581 = tpu.memref_slice %arg6[%scan3A_431, %get3A_579, %get3A_580] : memref<4x104x128xf32, #tpu.memory_space<vmem>> -> memref<1x104x128xf32, #tpu.memory_space<vmem>>
        %get3A_582 = tpu.memref_squeeze %get3A_581 : memref<1x104x128xf32, #tpu.memory_space<vmem>> -> memref<104x128xf32, #tpu.memory_space<vmem>>
        %get3A_583 = arith.index_cast %scan3A_525 : i32 to index
        %get3A_584 = arith.constant 80 : index
        %get3A_585 = tpu.vector_load %get3A_582[%get3A_583, %get3A_584] {strides = array<i32>} : memref<104x128xf32, #tpu.memory_space<vmem>>, vector<1x16xf32>,
        %get3A_586 = vector.shape_cast %get3A_585 : vector<1x16xf32> to vector<16xf32>
        %add3A_587 = arith.addf %scan3A_531, %get3A_586 : vector<16xf32>
        %get3A_588 = arith.constant 0 : i32
        %get3A_589 = arith.constant 0 : i32
        %get3A_590 = tpu.memref_slice %arg6[%scan3A_431, %get3A_588, %get3A_589] : memref<4x104x128xf32, #tpu.memory_space<vmem>> -> memref<1x104x128xf32, #tpu.memory_space<vmem>>
        %get3A_591 = tpu.memref_squeeze %get3A_590 : memref<1x104x128xf32, #tpu.memory_space<vmem>> -> memref<104x128xf32, #tpu.memory_space<vmem>>
        %get3A_592 = arith.index_cast %scan3A_525 : i32 to index
        %get3A_593 = arith.constant 96 : index
        %get3A_594 = tpu.vector_load %get3A_591[%get3A_592, %get3A_593] {strides = array<i32>} : memref<104x128xf32, #tpu.memory_space<vmem>>, vector<1x16xf32>,
        %get3A_595 = vector.shape_cast %get3A_594 : vector<1x16xf32> to vector<16xf32>
        %add3A_596 = arith.addf %scan3A_532, %get3A_595 : vector<16xf32>
        %get3A_597 = arith.constant 0 : i32
        %get3A_598 = arith.constant 0 : i32
        %get3A_599 = tpu.memref_slice %arg6[%scan3A_431, %get3A_597, %get3A_598] : memref<4x104x128xf32, #tpu.memory_space<vmem>> -> memref<1x104x128xf32, #tpu.memory_space<vmem>>
        %get3A_600 = tpu.memref_squeeze %get3A_599 : memref<1x104x128xf32, #tpu.memory_space<vmem>> -> memref<104x128xf32, #tpu.memory_space<vmem>>
        %get3A_601 = arith.index_cast %scan3A_525 : i32 to index
        %get3A_602 = arith.constant 112 : index
        %get3A_603 = tpu.vector_load %get3A_600[%get3A_601, %get3A_602] {strides = array<i32>} : memref<104x128xf32, #tpu.memory_space<vmem>>, vector<1x16xf32>,
        %get3A_604 = vector.shape_cast %get3A_603 : vector<1x16xf32> to vector<16xf32>
        %add3A_605 = arith.addf %scan3A_533, %get3A_604 : vector<16xf32>
        scf.yield %add3A_542, %add3A_551, %add3A_560, %add3A_569, %add3A_578, %add3A_587, %add3A_596, %add3A_605 : vector<16xf32>, vector<16xf32>, vector<16xf32>, vector<16xf32>, vector<16xf32>, vector<16xf32>, vector<16xf32>, vector<16xf32>
      }
      %scan3A_437 = arith.constant 104 : i32
      %get3A_438 = arith.index_cast %div3A_430 : i32 to index
      %get3A_439 = arith.constant 0 : index
      %get3A_440 = tpu.vector_load %arg7[%get3A_438, %get3A_439] {strides = array<i32>} : memref<64x128xf32, #tpu.memory_space<vmem>>, vector<1x16xf32>,
      %get3A_441 = vector.shape_cast %get3A_440 : vector<1x16xf32> to vector<16xf32>
      %add3A_442 = arith.addf %get3A_441, %scan3A_436#0 : vector<16xf32>
      %swap3A_443 = arith.index_cast %div3A_430 : i32 to index
      %swap3A_444 = arith.constant 0 : index
      %swap3A_445 = tpu.vector_load %arg7[%swap3A_443, %swap3A_444] {strides = array<i32>} : memref<64x128xf32, #tpu.memory_space<vmem>>, vector<1x16xf32>,
      %swap3A_446 = vector.shape_cast %swap3A_445 : vector<1x16xf32> to vector<16xf32>
      %swap3A_447 = vector.shape_cast %add3A_442 : vector<16xf32> to vector<1x16xf32>
      tpu.vector_store %arg7[%swap3A_443, %swap3A_444], %swap3A_447 {strides = array<i32>} : memref<64x128xf32, #tpu.memory_space<vmem>>, vector<1x16xf32>,
      %get3A_448 = arith.index_cast %div3A_430 : i32 to index
      %get3A_449 = arith.constant 16 : index
      %get3A_450 = tpu.vector_load %arg7[%get3A_448, %get3A_449] {strides = array<i32>} : memref<64x128xf32, #tpu.memory_space<vmem>>, vector<1x16xf32>,
      %get3A_451 = vector.shape_cast %get3A_450 : vector<1x16xf32> to vector<16xf32>
      %add3A_452 = arith.addf %get3A_451, %scan3A_436#1 : vector<16xf32>
      %swap3A_453 = arith.index_cast %div3A_430 : i32 to index
      %swap3A_454 = arith.constant 16 : index
      %swap3A_455 = tpu.vector_load %arg7[%swap3A_453, %swap3A_454] {strides = array<i32>} : memref<64x128xf32, #tpu.memory_space<vmem>>, vector<1x16xf32>,
      %swap3A_456 = vector.shape_cast %swap3A_455 : vector<1x16xf32> to vector<16xf32>
      %swap3A_457 = vector.shape_cast %add3A_452 : vector<16xf32> to vector<1x16xf32>
      tpu.vector_store %arg7[%swap3A_453, %swap3A_454], %swap3A_457 {strides = array<i32>} : memref<64x128xf32, #tpu.memory_space<vmem>>, vector<1x16xf32>,
      %get3A_458 = arith.index_cast %div3A_430 : i32 to index
      %get3A_459 = arith.constant 32 : index
      %get3A_460 = tpu.vector_load %arg7[%get3A_458, %get3A_459] {strides = array<i32>} : memref<64x128xf32, #tpu.memory_space<vmem>>, vector<1x16xf32>,
      %get3A_461 = vector.shape_cast %get3A_460 : vector<1x16xf32> to vector<16xf32>
      %add3A_462 = arith.addf %get3A_461, %scan3A_436#2 : vector<16xf32>
      %swap3A_463 = arith.index_cast %div3A_430 : i32 to index
      %swap3A_464 = arith.constant 32 : index
      %swap3A_465 = tpu.vector_load %arg7[%swap3A_463, %swap3A_464] {strides = array<i32>} : memref<64x128xf32, #tpu.memory_space<vmem>>, vector<1x16xf32>,
      %swap3A_466 = vector.shape_cast %swap3A_465 : vector<1x16xf32> to vector<16xf32>
      %swap3A_467 = vector.shape_cast %add3A_462 : vector<16xf32> to vector<1x16xf32>
      tpu.vector_store %arg7[%swap3A_463, %swap3A_464], %swap3A_467 {strides = array<i32>} : memref<64x128xf32, #tpu.memory_space<vmem>>, vector<1x16xf32>,
      %get3A_468 = arith.index_cast %div3A_430 : i32 to index
      %get3A_469 = arith.constant 48 : index
      %get3A_470 = tpu.vector_load %arg7[%get3A_468, %get3A_469] {strides = array<i32>} : memref<64x128xf32, #tpu.memory_space<vmem>>, vector<1x16xf32>,
      %get3A_471 = vector.shape_cast %get3A_470 : vector<1x16xf32> to vector<16xf32>
      %add3A_472 = arith.addf %get3A_471, %scan3A_436#3 : vector<16xf32>
      %swap3A_473 = arith.index_cast %div3A_430 : i32 to index
      %swap3A_474 = arith.constant 48 : index
      %swap3A_475 = tpu.vector_load %arg7[%swap3A_473, %swap3A_474] {strides = array<i32>} : memref<64x128xf32, #tpu.memory_space<vmem>>, vector<1x16xf32>,
      %swap3A_476 = vector.shape_cast %swap3A_475 : vector<1x16xf32> to vector<16xf32>
      %swap3A_477 = vector.shape_cast %add3A_472 : vector<16xf32> to vector<1x16xf32>
      tpu.vector_store %arg7[%swap3A_473, %swap3A_474], %swap3A_477 {strides = array<i32>} : memref<64x128xf32, #tpu.memory_space<vmem>>, vector<1x16xf32>,
      %get3A_478 = arith.index_cast %div3A_430 : i32 to index
      %get3A_479 = arith.constant 64 : index
      %get3A_480 = tpu.vector_load %arg7[%get3A_478, %get3A_479] {strides = array<i32>} : memref<64x128xf32, #tpu.memory_space<vmem>>, vector<1x16xf32>,
      %get3A_481 = vector.shape_cast %get3A_480 : vector<1x16xf32> to vector<16xf32>
      %add3A_482 = arith.addf %get3A_481, %scan3A_436#4 : vector<16xf32>
      %swap3A_483 = arith.index_cast %div3A_430 : i32 to index
      %swap3A_484 = arith.constant 64 : index
      %swap3A_485 = tpu.vector_load %arg7[%swap3A_483, %swap3A_484] {strides = array<i32>} : memref<64x128xf32, #tpu.memory_space<vmem>>, vector<1x16xf32>,
      %swap3A_486 = vector.shape_cast %swap3A_485 : vector<1x16xf32> to vector<16xf32>
      %swap3A_487 = vector.shape_cast %add3A_482 : vector<16xf32> to vector<1x16xf32>
      tpu.vector_store %arg7[%swap3A_483, %swap3A_484], %swap3A_487 {strides = array<i32>} : memref<64x128xf32, #tpu.memory_space<vmem>>, vector<1x16xf32>,
      %get3A_488 = arith.index_cast %div3A_430 : i32 to index
      %get3A_489 = arith.constant 80 : index
      %get3A_490 = tpu.vector_load %arg7[%get3A_488, %get3A_489] {strides = array<i32>} : memref<64x128xf32, #tpu.memory_space<vmem>>, vector<1x16xf32>,
      %get3A_491 = vector.shape_cast %get3A_490 : vector<1x16xf32> to vector<16xf32>
      %add3A_492 = arith.addf %get3A_491, %scan3A_436#5 : vector<16xf32>
      %swap3A_493 = arith.index_cast %div3A_430 : i32 to index
      %swap3A_494 = arith.constant 80 : index
      %swap3A_495 = tpu.vector_load %arg7[%swap3A_493, %swap3A_494] {strides = array<i32>} : memref<64x128xf32, #tpu.memory_space<vmem>>, vector<1x16xf32>,
      %swap3A_496 = vector.shape_cast %swap3A_495 : vector<1x16xf32> to vector<16xf32>
      %swap3A_497 = vector.shape_cast %add3A_492 : vector<16xf32> to vector<1x16xf32>
      tpu.vector_store %arg7[%swap3A_493, %swap3A_494], %swap3A_497 {strides = array<i32>} : memref<64x128xf32, #tpu.memory_space<vmem>>, vector<1x16xf32>,
      %get3A_498 = arith.index_cast %div3A_430 : i32 to index
      %get3A_499 = arith.constant 96 : index
      %get3A_500 = tpu.vector_load %arg7[%get3A_498, %get3A_499] {strides = array<i32>} : memref<64x128xf32, #tpu.memory_space<vmem>>, vector<1x16xf32>,
      %get3A_501 = vector.shape_cast %get3A_500 : vector<1x16xf32> to vector<16xf32>
      %add3A_502 = arith.addf %get3A_501, %scan3A_436#6 : vector<16xf32>
      %swap3A_503 = arith.index_cast %div3A_430 : i32 to index
      %swap3A_504 = arith.constant 96 : index
      %swap3A_505 = tpu.vector_load %arg7[%swap3A_503, %swap3A_504] {strides = array<i32>} : memref<64x128xf32, #tpu.memory_space<vmem>>, vector<1x16xf32>,
      %swap3A_506 = vector.shape_cast %swap3A_505 : vector<1x16xf32> to vector<16xf32>
      %swap3A_507 = vector.shape_cast %add3A_502 : vector<16xf32> to vector<1x16xf32>
      tpu.vector_store %arg7[%swap3A_503, %swap3A_504], %swap3A_507 {strides = array<i32>} : memref<64x128xf32, #tpu.memory_space<vmem>>, vector<1x16xf32>,
      %get3A_508 = arith.index_cast %div3A_430 : i32 to index
      %get3A_509 = arith.constant 112 : index
      %get3A_510 = tpu.vector_load %arg7[%get3A_508, %get3A_509] {strides = array<i32>} : memref<64x128xf32, #tpu.memory_space<vmem>>, vector<1x16xf32>,
      %get3A_511 = vector.shape_cast %get3A_510 : vector<1x16xf32> to vector<16xf32>
      %add3A_512 = arith.addf %get3A_511, %scan3A_436#7 : vector<16xf32>
      %swap3A_513 = arith.index_cast %div3A_430 : i32 to index
      %swap3A_514 = arith.constant 112 : index
      %swap3A_515 = tpu.vector_load %arg7[%swap3A_513, %swap3A_514] {strides = array<i32>} : memref<64x128xf32, #tpu.memory_space<vmem>>, vector<1x16xf32>,
      %swap3A_516 = vector.shape_cast %swap3A_515 : vector<1x16xf32> to vector<16xf32>
      %swap3A_517 = vector.shape_cast %add3A_512 : vector<16xf32> to vector<1x16xf32>
      tpu.vector_store %arg7[%swap3A_513, %swap3A_514], %swap3A_517 {strides = array<i32>} : memref<64x128xf32, #tpu.memory_space<vmem>>, vector<1x16xf32>,
      %add3A_518 = arith.constant 4 : i32
      %add3A_519 = arith.addi %add3A_415, %add3A_518 : i32
      %lt3A_520 = arith.constant 128 : i32
      %lt3A_521 = arith.cmpi slt, %add3A_519, %lt3A_520 : i32
      %convert_element_type3A_522 = arith.extui %lt3A_521 : i1 to i32
      %cond3A_523 = arith.constant 0 : i32
      %cond3A_524 = arith.cmpi ne, %convert_element_type3A_522, %cond3A_523 : i32
      scf.if %cond3A_524 {
        %add3A_525 = arith.constant 4 : i32
        %add3A_526 = arith.addi %add3A_415, %add3A_525 : i32
        %div3A_527 = arith.constant 2 : i32
        %div3A_528 = arith.divsi %add3A_526, %div3A_527 : i32
        %rem3A_529 = arith.constant 2 : i32
        %rem3A_530 = arith.remsi %add3A_526, %rem3A_529 : i32
        %dma_start3A_531 = arith.constant 3 : i32
        %dma_start3A_532 = arith.constant 0 : i32
        %dma_start3A_533 = arith.constant 0 : i32
        %dma_start3A_534 = tpu.memref_slice %arg6[%dma_start3A_531, %dma_start3A_532, %dma_start3A_533] : memref<4x104x128xf32, #tpu.memory_space<vmem>> -> memref<1x104x128xf32, #tpu.memory_space<vmem>>
        %dma_start3A_535 = tpu.memref_squeeze %dma_start3A_534 : memref<1x104x128xf32, #tpu.memory_space<vmem>> -> memref<104x128xf32, #tpu.memory_space<vmem>>
        %dma_start3A_536 = arith.constant 0 : i32
        %dma_start3A_537 = tpu.memref_slice %arg5[%div3A_528, %rem3A_530, %dma_start3A_536] : memref<64x2x104xi32, #tpu.memory_space<vmem>> -> memref<1x1x104xi32, #tpu.memory_space<vmem>>
        %dma_start3A_538 = tpu.memref_squeeze %dma_start3A_537 : memref<1x1x104xi32, #tpu.memory_space<vmem>> -> memref<104xi32, #tpu.memory_space<vmem>>
        %dma_start3A_539 = arith.constant 0 : i32
        %dma_start3A_540 = arith.constant 0 : i32
        %dma_start3A_541 = tpu.memref_slice %arg3[%dma_start3A_539, %dma_start3A_540] : memref<100000x128xf32, #tpu.memory_space<hbm>> -> memref<100000x128xf32, #tpu.memory_space<hbm>>
        tpu.enqueue_indirect_dma source(%dma_start3A_541 : memref<100000x128xf32, #tpu.memory_space<hbm>>) target(%dma_start3A_535 : memref<104x128xf32, #tpu.memory_space<vmem>>) offsets(%dma_start3A_538 : memref<104xi32, #tpu.memory_space<vmem>>) semaphore(%arg11 : memref<!tpu.dma_semaphore, #tpu.memory_space<semaphore_mem>>)
      } else {
      }
    }
    %scan3A_77 = arith.constant 32 : i32
    "tpu.region"() ({
      %run_scoped3A = tpu.sem_alloc : memref<!tpu.dma_semaphore, #tpu.memory_space<semaphore_mem>>
      %dma_start3A_78 = arith.constant 0 : i32
      %dma_start3A_79 = tpu.memref_slice %arg4[%mul3A_2, %dma_start3A_78] : memref<2048x128xf32, #tpu.memory_space<hbm>> -> memref<64x128xf32, #tpu.memory_space<hbm>>
      %dma_start3A_80 = arith.constant 0 : i32
      %dma_start3A_81 = tpu.memref_slice %arg4[%mul3A_2, %dma_start3A_80] : memref<2048x128xf32, #tpu.memory_space<hbm>> -> memref<64x128xf32, #tpu.memory_space<hbm>>
      tpu.enqueue_dma source(%arg7 : memref<64x128xf32, #tpu.memory_space<vmem>>) target(%dma_start3A_81 : memref<64x128xf32, #tpu.memory_space<hbm>>) target_semaphore(%run_scoped3A : memref<!tpu.dma_semaphore, #tpu.memory_space<semaphore_mem>>)
      %dma_wait3A = arith.constant 0 : i32
      %dma_wait3A_82 = tpu.memref_slice %arg4[%mul3A_2, %dma_wait3A] : memref<2048x128xf32, #tpu.memory_space<hbm>> -> memref<64x128xf32, #tpu.memory_space<hbm>>
      %dma_wait3A_83 = arith.constant 0 : i32
      %dma_wait3A_84 = tpu.memref_slice %arg4[%mul3A_2, %dma_wait3A_83] : memref<2048x128xf32, #tpu.memory_space<hbm>> -> memref<64x128xf32, #tpu.memory_space<hbm>>
      tpu.wait_dma2 semaphore(%run_scoped3A : memref<!tpu.dma_semaphore, #tpu.memory_space<semaphore_mem>>) src(%arg7 : memref<64x128xf32, #tpu.memory_space<vmem>>) dst(%dma_wait3A_84 : memref<64x128xf32, #tpu.memory_space<hbm>>)
      tpu.yield
    }) : () -> ()
    return
  }
}

module attributes {stable_mosaic.version = 14 : i64} {
  func.func @_mlp_body(%arg0: i32, %arg1: memref<512x200xi32, #tpu.memory_space<vmem>>, %arg2: memref<512x128xf32, #tpu.memory_space<vmem>>, %arg3: memref<128x2048xf32, #tpu.memory_space<vmem>>, %arg4: memref<1x2048xf32, #tpu.memory_space<vmem>>, %arg5: memref<2048x1024xf32, #tpu.memory_space<vmem>>, %arg6: memref<1x1024xf32, #tpu.memory_space<vmem>>, %arg7: memref<1024x2048xf32, #tpu.memory_space<vmem>>, %arg8: memref<1x2048xf32, #tpu.memory_space<vmem>>, %arg9: memref<2048x128xf32, #tpu.memory_space<vmem>>, %arg10: memref<1x128xf32, #tpu.memory_space<vmem>>, %arg11: memref<512x128xf32, #tpu.memory_space<vmem>>) attributes {dimension_semantics = [#tpu.dimension_semantics<arbitrary>], iteration_bounds = array<i64: 4>, scalar_prefetch = 0 : i64, scratch_operands = 0 : i64, tpu.core_type = #tpu.core_type<tc>, window_params = [{transform_indices = @transform_0, window_bounds = array<i64: 512, 200>}, {transform_indices = @transform_1, window_bounds = array<i64: 512, 128>}, {pipeline_mode = #tpu.pipeline_mode<synchronous>, transform_indices = @transform_2, window_bounds = array<i64: 128, 2048>}, {pipeline_mode = #tpu.pipeline_mode<synchronous>, transform_indices = @transform_3, window_bounds = array<i64: 1, 2048>}, {pipeline_mode = #tpu.pipeline_mode<synchronous>, transform_indices = @transform_4, window_bounds = array<i64: 2048, 1024>}, {pipeline_mode = #tpu.pipeline_mode<synchronous>, transform_indices = @transform_5, window_bounds = array<i64: 1, 1024>}, {pipeline_mode = #tpu.pipeline_mode<synchronous>, transform_indices = @transform_6, window_bounds = array<i64: 1024, 2048>}, {pipeline_mode = #tpu.pipeline_mode<synchronous>, transform_indices = @transform_7, window_bounds = array<i64: 1, 2048>}, {pipeline_mode = #tpu.pipeline_mode<synchronous>, transform_indices = @transform_8, window_bounds = array<i64: 2048, 128>}, {pipeline_mode = #tpu.pipeline_mode<synchronous>, transform_indices = @transform_9, window_bounds = array<i64: 1, 128>}, {transform_indices = @transform_10, window_bounds = array<i64: 512, 128>}]} {
    %get3A = arith.constant 0 : index
    %get3A_0 = arith.constant 0 : index
    %get3A_1 = vector.load %arg1[%get3A, %get3A_0] : memref<512x200xi32, #tpu.memory_space<vmem>>, vector<512x200xi32>
    %ne3A = arith.constant 0 : i32
    %ne3A_2 = vector.broadcast %ne3A : i32 to vector<512x200xi32>
    %ne3A_3 = arith.cmpi ne, %get3A_1, %ne3A_2 : vector<512x200xi32>
    %convert_element_type3A = arith.extui %ne3A_3 : vector<512x200xi1> to vector<512x200xi32>
    %convert_element_type3A_4 = arith.sitofp %convert_element_type3A : vector<512x200xi32> to vector<512x200xf32>
    %reduce_sum3A = arith.constant dense<0.000000e+00> : vector<512xf32>
    %reduce_sum3A_5 = vector.multi_reduction <add>, %convert_element_type3A_4, %reduce_sum3A [1] : vector<512x200xf32> to vector<512xf32>
    %broadcast_in_dim3A = vector.shape_cast %reduce_sum3A_5 : vector<512xf32> to vector<512x1xf32>
    %get3A_6 = arith.constant 0 : index
    %get3A_7 = arith.constant 0 : index
    %get3A_8 = vector.load %arg2[%get3A_6, %get3A_7] : memref<512x128xf32, #tpu.memory_space<vmem>>, vector<512x128xf32>
    %rsqrt3A = math.rsqrt %broadcast_in_dim3A : vector<512x1xf32>
    %mul3A = vector.broadcast %rsqrt3A : vector<512x1xf32> to vector<512x128xf32>
    %mul3A_9 = arith.mulf %get3A_8, %mul3A : vector<512x128xf32>
    %get3A_10 = arith.constant 0 : index
    %get3A_11 = arith.constant 0 : index
    %get3A_12 = vector.load %arg3[%get3A_10, %get3A_11] : memref<128x2048xf32, #tpu.memory_space<vmem>>, vector<128x2048xf32>
    %dot_general3A = arith.constant dense<0.000000e+00> : vector<512x2048xf32>
    %dot_general3A_13 = tpu.matmul %mul3A_9, %get3A_12, %dot_general3A {dimension_numbers = #tpu.dot_dimension_numbers<[1], [0], [0], [1], [0, 0, 1, 1], [], []>, transpose_lhs_hint = false} : vector<512x128xf32>, vector<128x2048xf32>, vector<512x2048xf32> -> vector<512x2048xf32>
    %get3A_14 = arith.constant 0 : index
    %get3A_15 = arith.constant 0 : index
    %get3A_16 = vector.load %arg4[%get3A_14, %get3A_15] : memref<1x2048xf32, #tpu.memory_space<vmem>>, vector<1x2048xf32>
    %add3A = vector.broadcast %get3A_16 : vector<1x2048xf32> to vector<512x2048xf32>
    %add3A_17 = arith.addf %dot_general3A_13, %add3A : vector<512x2048xf32>
    %max3A = arith.constant 0.000000e+00 : f32
    %max3A_18 = vector.broadcast %max3A : f32 to vector<512x2048xf32>
    %max3A_19 = arith.maximumf %add3A_17, %max3A_18 : vector<512x2048xf32>
    %get3A_20 = arith.constant 0 : index
    %get3A_21 = arith.constant 0 : index
    %get3A_22 = vector.load %arg5[%get3A_20, %get3A_21] : memref<2048x1024xf32, #tpu.memory_space<vmem>>, vector<2048x1024xf32>
    %dot_general3A_23 = arith.constant dense<0.000000e+00> : vector<512x1024xf32>
    %dot_general3A_24 = tpu.matmul %max3A_19, %get3A_22, %dot_general3A_23 {dimension_numbers = #tpu.dot_dimension_numbers<[1], [0], [0], [1], [0, 0, 1, 1], [], []>, transpose_lhs_hint = false} : vector<512x2048xf32>, vector<2048x1024xf32>, vector<512x1024xf32> -> vector<512x1024xf32>
    %get3A_25 = arith.constant 0 : index
    %get3A_26 = arith.constant 0 : index
    %get3A_27 = vector.load %arg6[%get3A_25, %get3A_26] : memref<1x1024xf32, #tpu.memory_space<vmem>>, vector<1x1024xf32>
    %add3A_28 = vector.broadcast %get3A_27 : vector<1x1024xf32> to vector<512x1024xf32>
    %add3A_29 = arith.addf %dot_general3A_24, %add3A_28 : vector<512x1024xf32>
    %max3A_30 = arith.constant 0.000000e+00 : f32
    %max3A_31 = vector.broadcast %max3A_30 : f32 to vector<512x1024xf32>
    %max3A_32 = arith.maximumf %add3A_29, %max3A_31 : vector<512x1024xf32>
    %get3A_33 = arith.constant 0 : index
    %get3A_34 = arith.constant 0 : index
    %get3A_35 = vector.load %arg7[%get3A_33, %get3A_34] : memref<1024x2048xf32, #tpu.memory_space<vmem>>, vector<1024x2048xf32>
    %dot_general3A_36 = arith.constant dense<0.000000e+00> : vector<512x2048xf32>
    %dot_general3A_37 = tpu.matmul %max3A_32, %get3A_35, %dot_general3A_36 {dimension_numbers = #tpu.dot_dimension_numbers<[1], [0], [0], [1], [0, 0, 1, 1], [], []>, transpose_lhs_hint = false} : vector<512x1024xf32>, vector<1024x2048xf32>, vector<512x2048xf32> -> vector<512x2048xf32>
    %get3A_38 = arith.constant 0 : index
    %get3A_39 = arith.constant 0 : index
    %get3A_40 = vector.load %arg8[%get3A_38, %get3A_39] : memref<1x2048xf32, #tpu.memory_space<vmem>>, vector<1x2048xf32>
    %add3A_41 = vector.broadcast %get3A_40 : vector<1x2048xf32> to vector<512x2048xf32>
    %add3A_42 = arith.addf %dot_general3A_37, %add3A_41 : vector<512x2048xf32>
    %max3A_43 = arith.constant 0.000000e+00 : f32
    %max3A_44 = vector.broadcast %max3A_43 : f32 to vector<512x2048xf32>
    %max3A_45 = arith.maximumf %add3A_42, %max3A_44 : vector<512x2048xf32>
    %get3A_46 = arith.constant 0 : index
    %get3A_47 = arith.constant 0 : index
    %get3A_48 = vector.load %arg9[%get3A_46, %get3A_47] : memref<2048x128xf32, #tpu.memory_space<vmem>>, vector<2048x128xf32>
    %dot_general3A_49 = arith.constant dense<0.000000e+00> : vector<512x128xf32>
    %dot_general3A_50 = tpu.matmul %max3A_45, %get3A_48, %dot_general3A_49 {dimension_numbers = #tpu.dot_dimension_numbers<[1], [0], [0], [1], [0, 0, 1, 1], [], []>, transpose_lhs_hint = false} : vector<512x2048xf32>, vector<2048x128xf32>, vector<512x128xf32> -> vector<512x128xf32>
    %get3A_51 = arith.constant 0 : index
    %get3A_52 = arith.constant 0 : index
    %get3A_53 = vector.load %arg10[%get3A_51, %get3A_52] : memref<1x128xf32, #tpu.memory_space<vmem>>, vector<1x128xf32>
    %add3A_54 = vector.broadcast %get3A_53 : vector<1x128xf32> to vector<512x128xf32>
    %add3A_55 = arith.addf %dot_general3A_50, %add3A_54 : vector<512x128xf32>
    %swap3A = arith.constant 0 : index
    %swap3A_56 = arith.constant 0 : index
    %swap3A_57 = vector.load %arg11[%swap3A, %swap3A_56] : memref<512x128xf32, #tpu.memory_space<vmem>>, vector<512x128xf32>
    tpu.vector_store %arg11[%swap3A, %swap3A_56], %add3A_55 {strides = array<i32>} : memref<512x128xf32, #tpu.memory_space<vmem>>, vector<512x128xf32>,
    return
  }
  func.func @transform_0(%arg0: i32) -> (i32, i32) {
    %c0_i32 = arith.constant 0 : i32
    %c0_i32_0 = arith.constant 0 : i32
    return %arg0, %c0_i32 : i32, i32
  }
  func.func @transform_1(%arg0: i32) -> (i32, i32) {
    %c0_i32 = arith.constant 0 : i32
    %c0_i32_0 = arith.constant 0 : i32
    return %arg0, %c0_i32 : i32, i32
  }
  func.func @transform_2(%arg0: i32) -> (i32, i32) {
    %c0_i32 = arith.constant 0 : i32
    %c0_i32_0 = arith.constant 0 : i32
    %c0_i32_1 = arith.constant 0 : i32
    return %c0_i32, %c0_i32_0 : i32, i32
  }
  func.func @transform_3(%arg0: i32) -> (i32, i32) {
    %c0_i32 = arith.constant 0 : i32
    %c0_i32_0 = arith.constant 0 : i32
    %c0_i32_1 = arith.constant 0 : i32
    return %c0_i32, %c0_i32_0 : i32, i32
  }
  func.func @transform_4(%arg0: i32) -> (i32, i32) {
    %c0_i32 = arith.constant 0 : i32
    %c0_i32_0 = arith.constant 0 : i32
    %c0_i32_1 = arith.constant 0 : i32
    return %c0_i32, %c0_i32_0 : i32, i32
  }
  func.func @transform_5(%arg0: i32) -> (i32, i32) {
    %c0_i32 = arith.constant 0 : i32
    %c0_i32_0 = arith.constant 0 : i32
    %c0_i32_1 = arith.constant 0 : i32
    return %c0_i32, %c0_i32_0 : i32, i32
  }
  func.func @transform_6(%arg0: i32) -> (i32, i32) {
    %c0_i32 = arith.constant 0 : i32
    %c0_i32_0 = arith.constant 0 : i32
    %c0_i32_1 = arith.constant 0 : i32
    return %c0_i32, %c0_i32_0 : i32, i32
  }
  func.func @transform_7(%arg0: i32) -> (i32, i32) {
    %c0_i32 = arith.constant 0 : i32
    %c0_i32_0 = arith.constant 0 : i32
    %c0_i32_1 = arith.constant 0 : i32
    return %c0_i32, %c0_i32_0 : i32, i32
  }
  func.func @transform_8(%arg0: i32) -> (i32, i32) {
    %c0_i32 = arith.constant 0 : i32
    %c0_i32_0 = arith.constant 0 : i32
    %c0_i32_1 = arith.constant 0 : i32
    return %c0_i32, %c0_i32_0 : i32, i32
  }
  func.func @transform_9(%arg0: i32) -> (i32, i32) {
    %c0_i32 = arith.constant 0 : i32
    %c0_i32_0 = arith.constant 0 : i32
    %c0_i32_1 = arith.constant 0 : i32
    return %c0_i32, %c0_i32_0 : i32, i32
  }
  func.func @transform_10(%arg0: i32) -> (i32, i32) {
    %c0_i32 = arith.constant 0 : i32
    %c0_i32_0 = arith.constant 0 : i32
    return %arg0, %c0_i32 : i32, i32
  }
}

</mosaic_0001>

<sc_bundles>
// kernel: kernel.6.cloned.1.call-start
scs
__scs_entry_jumppad:
0x0: {  	(pc) =	sbr.rel $0x88, $3  }
0x1: {  	(tag) =	ssettag $0x0;
	lr =	simm.s32 $0x1  }
0x2: {  	[smem:$0x3F97] =	sst lr;
	_ =	strace $0xD0000000  }
0x3: {  	_ = 	snop  }
0x4: {  	_ = 	snop  }
0x5: {  	_ = 	snop  }
0x6: {  	_ = 	snop  }
0x7: {  	_ = 	snop  }
__scs_overlays_trampoline_lowered:
0x8: {  	[smem:$0x3FA6] =	sst s0  }
0x9: {  	[smem:$0x3FA7] =	sst s1  }
0xa: {  	[smem:$0x3FA8] =	sst s2  }
0xb: {  	[smem:$0x3FA9] =	sst s3  }
0xc: {  	[smem:$0x3FAA] =	sst s4  }
0xd: {  	[smem:$0x3FAB] =	sst s5  }
0xe: {  	[smem:$0x3FAC] =	sst s6  }
0xf: {  	[smem:$0x3FAD] =	sst s7  }
0x10: {  	[smem:$0x3FAE] =	sst s8  }
0x11: {  	[smem:$0x3FAF] =	sst s9;
	s0 =	simm.s32 @!p0 $0x0  }
0x12: {  	s1 =	sld [smem:$0x3F95];
	s0 =	simm.s32 @p0 $0x1  }
0x13: {  	[smem:$0x3FB0] =	sst s0;
	s0 =	simm.s32 @!p1 $0x0  }
0x14: {  	s2 =	sld [smem:$0x3F94];
	s0 =	simm.s32 @p1 $0x1  }
0x15: {  	[smem:$0x3FB1] =	sst s0;
	s0 =	simm.s32 @!p2 $0x0  }
0x16: {  	s3 =	sld [smem:$0x3FDB];
	s0 =	simm.s32 @p2 $0x1  }
0x17: {  	s4 =	simm.s32 $0x1BF5;
	[smem:$0x3FB3] =	sst s0  }
0x18: {  	s0 =	sld [smem:$0x3F96];
	_ =	swait.ge [sflag:s4], $0x0  }
0x19: {  	s7 =	sld [smem:$0x3F97]  }
0x1a: {  	s8 =	sadd.s32 $0xFFFFE003, lr  }
0x1b: {  	s9 =	sadd.s32 $0xFFFFFEF7, lr;
	s5 =	simm.s32 $0xFFFFFFFF;
	p2 =	slt.u32 s8, $0xFFFFF086  }
0x1c: {  	p1 =	slt.u32 s9, $0xF7A;
	s5 =	simm.s32 @!p2 $0x0  }
0x1d: {  	s5 =	simm.s32 @p1 $0x1;
	p0 =	seq.s32 s7, s2  }
0x1e: {  	s7 =	smul.u32 @!p0 $0xF7A, s2;
	p2 =	seq.s32 @!p0 s5, $0x0  }
0x1f: {  	s9 =	smul.u32 $0xF7A, s1;
	s8 =	simm.s32 @!p0 $0x1BF5;
	p2 =	por !p2, p0  }
0x20: {  	[sflag:s8] =	ssyncset.s32 @!p0 $0xFFFFF086;
	s6 =	sadd.s32 @!p0 s3, s7;
	s7 =	simm.s32 @!p0 $0x108  }
0x21: {  	s3 =	sadd.s32 s3, s9;
	s6 =	sadd.s32 @!p0 $0x88, s6;
	s7 =	simm.s32 @p2 $0x1082  }
0x22: {  	[simem:s7], [sflag:s8] =	dma.local @!p0 [hbm:s6], $0xF7A  }
0x23: {  	s9 =	sor.u32 $0xD0000000, s2;
	s6 =	simm.s32 $0x108;
	_ =	swait.ge @!p0 [sflag:s8], $0x0  }
0x24: {  	s3 =	sadd.s32 $0x88, s3;
	s6 =	simm.s32 @!p1 $0x1082;
	[sflag:s4] =	ssyncset.s32 $0xFFFFF086  }
0x25: {  	[simem:s6], [sflag:s4] =	dma.local [hbm:s3], $0xF7A  }
0x26: {  	[smem:$0x3F97] =	sst s1;
	(tag) =	ssettag s2;
	_ =	strace s9  }
0x27: {  	s1 =	sld [smem:$0x3FA7]  }
0x28: {  	s2 =	sld [smem:$0x3FA8]  }
0x29: {  	s4 =	sld [smem:$0x3FAA]  }
0x2a: {  	p0 =	seq.s32 s5, $0x0;
	s5 =	sld [smem:$0x3FAB]  }
0x2b: {  	s6 =	sld [smem:$0x3FAC]  }
0x2c: {  	s7 =	sld [smem:$0x3FAD]  }
0x2d: {  	s3 =	simm.s32 $0x108;
	s8 =	sld [smem:$0x3FAE]  }
0x2e: {  	s3 =	simm.s32 @!p0 $0x1082;
	s9 =	sld [smem:$0x3FAF]  }
0x2f: {  	lr =	sadd.s32 s0, s3;
	s0 =	sld [smem:$0x3FA6]  }
0x30: {  	s3 =	sld [smem:$0x3FA9]  }
0x31: {  	[smem:$0x3FB2] =	sst s10  }
0x32: {  	s10 =	sld [smem:$0x3FB0];
	_ =	sdelay $0x3  }
0x33: {  	p0 =	seq.s32 s10, $0x1;
	s10 =	sld [smem:$0x3FB2];
	_ =	sdelay $0x3  }
0x34: {  	[smem:$0x3FB2] =	sst s10  }
0x35: {  	s10 =	sld [smem:$0x3FB1];
	_ =	sdelay $0x3  }
0x36: {  	p1 =	seq.s32 s10, $0x1;
	s10 =	sld [smem:$0x3FB2];
	_ =	sdelay $0x3  }
0x37: {  	[smem:$0x3FB2] =	sst s10  }
0x38: {  	s10 =	sld [smem:$0x3FB3]  }
0x39: {  	_ = 	snop;
	(pc) =	sbr.ind lr, $3  }
0x3a: {  	_ = 	snop  }
0x3b: {  	_ = 	snop  }
0x3c: {  	p2 =	seq.s32 s10, $0x1;
	s10 =	sld [smem:$0x3FB2]  }
0x3d: {  	_ =	shalt  }
0x3e: {  	_ =	shalt  }
0x3f: {  	_ =	shalt  }
0x40: {  	_ =	shalt  }
0x41: {  	_ =	shalt  }
0x42: {  	_ =	shalt  }
0x43: {  	_ =	shalt  }
0x44: {  	_ =	shalt  }
0x45: {  	_ =	shalt  }
0x46: {  	_ =	shalt  }
0x47: {  	_ =	shalt  }
0x48: {  	_ =	shalt  }
0x49: {  	_ =	shalt  }
0x4a: {  	_ =	shalt  }
0x4b: {  	_ =	shalt  }
0x4c: {  	_ =	shalt  }
0x4d: {  	_ =	shalt  }
0x4e: {  	_ =	shalt  }
0x4f: {  	_ =	shalt  }
0x50: {  	_ =	shalt  }
0x51: {  	_ =	shalt  }
0x52: {  	_ =	shalt  }
0x53: {  	_ =	shalt  }
0x54: {  	_ =	shalt  }
0x55: {  	_ =	shalt  }
0x56: {  	_ =	shalt  }
0x57: {  	_ =	shalt  }
0x58: {  	_ =	shalt  }
0x59: {  	_ =	shalt  }
0x5a: {  	_ =	shalt  }
0x5b: {  	_ =	shalt  }
0x5c: {  	_ =	shalt  }
0x5d: {  	_ =	shalt  }
0x5e: {  	_ =	shalt  }
0x5f: {  	_ =	shalt  }
0x60: {  	_ =	shalt  }
0x61: {  	_ =	shalt  }
0x62: {  	_ =	shalt  }
0x63: {  	_ =	shalt  }
0x64: {  	_ =	shalt  }
0x65: {  	_ =	shalt  }
0x66: {  	_ =	shalt  }
0x67: {  	_ =	shalt  }
0x68: {  	_ =	shalt  }
0x69: {  	_ =	shalt  }
0x6a: {  	_ =	shalt  }
0x6b: {  	_ =	shalt  }
0x6c: {  	_ =	shalt  }
0x6d: {  	_ =	shalt  }
0x6e: {  	_ =	shalt  }
0x6f: {  	_ =	shalt  }
0x70: {  	_ =	shalt  }
0x71: {  	_ =	shalt  }
0x72: {  	_ =	shalt  }
0x73: {  	_ =	shalt  }
0x74: {  	_ =	shalt  }
0x75: {  	_ =	shalt  }
0x76: {  	_ =	shalt  }
0x77: {  	_ =	shalt  }
0x78: {  	_ =	shalt  }
0x79: {  	_ =	shalt  }
0x7a: {  	_ =	shalt  }
0x7b: {  	_ =	shalt  }
0x7c: {  	_ =	shalt  }
0x7d: {  	_ =	shalt  }
0x7e: {  	_ =	shalt  }
0x7f: {  	_ =	shalt  }
0x80: {  	_ =	shalt  }
0x81: {  	_ =	shalt  }
0x82: {  	_ =	shalt  }
0x83: {  	_ =	shalt  }
0x84: {  	_ =	shalt  }
0x85: {  	_ =	shalt  }
0x86: {  	_ =	shalt  }
0x87: {  	_ =	shalt  }
.Lfunc_end0:
.L_simem_size_0:
called_computation_lowered:
.L_overlay_start_0:
0x88: {  	s2 =	sld [smem:$0x3FD9]  }
0x89: {  	s3 =	sld [smem:$0x3FFE];
	_ =	sdelay $0x1  }
0x8a: {  	s1 =	srdreg.scid  }
0x8b: {  	s0 =	sand.u32 $0x1, s1  }
0x8c: {  	s17 =	sshll.u32 s0, $0xA;
	s2 =	sadd.s32 s3, s2  }
0x8d: {  	s2 =	sadd.s32 s2, s17  }
0x8e: {  	[smem:$0x3FBE] =	sst s2  }
0x8f: {  	_ = 	snop  }
0x90: {  	s2 =	sld [smem:$0x3FC8];
	(tm) =	ssettm $0x1  }
0x91: {  	s18 =	sld [smem:$0x3FFB];
	_ =	sdelay $0x3  }
0x92: {  	_ =	strace s18  }
0x93: {  	s3 =	sld [smem:$0x3FFC];
	_ =	sdelay $0x3  }
0x94: {  	_ =	strace s3  }
0x95: {  	s3 =	sld [smem:$0x3FFD];
	_ =	sdelay $0x3  }
0x96: {  	_ =	strace s3  }
0x97: {  	_ =	strace $0x8FFFFFFF  }
0x98: {  	s19 =	sld [smem:$0x3FDB];
	_ =	sdelay $0x1  }
0x99: {  	s4 =	simm.s32 $_scs_section_size  }
0x9a: {  	s5 =	simm.s32 $_size__tile_overlayer_lowered;
	s6 =	simm.s32 $_tile_overlayer_lowered  }
0x9b: {  	s22 =	simm.s32 $0x1BFF;
	s21 =	sshll.u32 s6, $0x1;
	s3 =	sadd.s32 s4, s19  }
0x9c: {  	s7 =	simm.s32 $0x0;
	s20 =	sshll.u32 s5, $0x1;
	s5 =	sadd.s32 s21, s3  }
0x9d: {  	[timem:s7], [sflag:s22] =	dma.local [hbm:s5], s20  }
0x9e: {  	_ =	swait.ge [sflag:s22], s20  }
0x9f: {  	s4 =	ssub.s32 $0x0, s20;
	[sflag:s22] =	ssyncset.done $0x0  }
0xa0: {  	[sflag:s22] =	ssyncadd.s32 s4;
	_ =	sdelay $0x1  }
0xa1: {  	s23 =	simm.s32 $0x1B8B  }
0xa2: {  	_ =	swait.ge [sflag:s23], $0x1  }
0xa3: {  	[sflag:s23] =	ssyncset.done $0x0  }
0xa4: {  	s25 =	simm.s32 $0x1B8E;
	s24 =	sld [smem:$0x3FFE];
	[sflag:s23] =	ssyncadd.s32 $0xFFFFFFFF  }
0xa5: {  	s26 =	simm.s32 $execute0_lowered;
	[smem:$0x3FD2] =	sst s25  }
0xa6: {  	s5 =	sshll.u32 s26, $0x1;
	_ =	strace $0x80000046;
	[dreg:$0x1] =	wrdreg $0xFFFFFFFF  }
0xa7: {  	s28 =	simm.s32 $_size_execute0_lowered;
	s3 =	sadd.s32 s3, s5;
	[dreg:$0x0] =	wrdreg $0x0  }
0xa8: {  	s5 =	sshll.u32 s28, $0x1;
	[dreg:$0x2] =	wrdreg s3  }
0xa9: {  	[dreg:$0x3] =	wrdreg s5  }
0xaa: {  	[dreg:$0x4] =	wrdreg $0xC0  }
0xab: {  	_ =	task [dreg:s7], $0x5FFFF  }
0xac: {  	[dreg:$0x1] =	wrdreg $0xFFFFFFFF  }
0xad: {  	[dreg:$0x0] =	wrdreg $0x60  }
0xae: {  	[dreg:$0x2] =	wrdreg s24  }
0xaf: {  	[dreg:$0x3] =	wrdreg s2  }
0xb0: {  	[dreg:$0x4] =	wrdreg $0x9  }
0xb1: {  	_ =	task.clear_ibuf [dreg:s7], $0x5FFFF;
	_ =	strace $0x90000046  }
0xb2: {  	s29 =	simm.s32 $0x9;
	_ =	strace $0x80000048  }
0xb3: {  	_ =	swait.ge [sflag:s29], $0x1  }
0xb4: {  	[sflag:s29] =	ssyncadd.s32 $0xFFFFFFFF  }
0xb5: {  	_ =	strace $0x90000048  }
0xb6: {  	_ =	sfence  }
0xb7: {  	s30 =	sld [smem:$0x0];
	_ =	sdelay $0x2  }
0xb8: {  	s31 =	sshll.u32 s1, $0xD;
	s1 =	sshrl.u32 s1, $0x2  }
0xb9: {  	s3 =	sand.u32 $0x4000, s31;
	s1 =	sadd.s32 s1, s30  }
0xba: {  	s0 =	sor.u32 s3, s0;
	s1 =	sshll.u32 s1, $0x11  }
0xbb: {  	s0 =	sor.u32 s1, s0  }
0xbc: {  	s0 =	sadd.s32 $0x8F2B, s0  }
0xbd: {  	[sflag:s0] =	ssyncadd.remote.s32 $0x1  }
0xbe: {  	_ =	sfence.sel $0xFFFF  }
0xbf: {  	[dreg:$0x0] =	wrdreg $0xFFFFFFFF;
	(pc) =	sbr.abs _section_cstart, $3  }
0xc0: {  	[dreg:$0x1] =	wrdreg $0xFFFFFFFF  }
0xc1: {  	_ =	task.clear_ibuf [dreg:s7], $0x2FFFF;
	_ =	strace $0x9FFFFFFF  }
0xc2: {  	(tm) =	ssettm $0x7FFFFFFF  }
0xc3: {  	_ =	shalt  }
tec
execute0_lowered:
.L_overlay_start_1:
0x0: {  	(tag) =	ssettag $0x1  }
0x1: {  	s4 =	rddreg [dreg:$0x0]  }
0x2: {  	s2 =	rddreg [dreg:$0x1]  }
0x3: {  	s0 =	rddreg [dreg:$0x2];
	s5 =	srdreg.scid;
	s3 =	simm.s32 $0x0  }
0x4: {  	s1 =	stileid.u32;
	s9 =	simm.s32 $0x4000;
	s10 =	simm.s32 $0x80  }
0x5: {  	s11 =	simm.s32 $0x7400;
	s12 =	simm.s32 $0x100;
	s13 =	simm.s32 $0xA800  }
0x6: {  	s14 =	simm.s32 $0x180;
	s15 =	simm.s32 $0xDC00;
	s16 =	simm.s32 $0x1  }
0x7: {  	s17 =	simm.s32 $0x2;
	s18 =	simm.s32 $0x3;
	s19 =	simm.s32 $0x4  }
0x8: {  	s20 =	simm.s32 $0x11000;
	s21 =	simm.s32 $0x0;
	s5 =	sand.u32 $0x1, s5  }
0x9: {  	[smem:$0x7FF] =	sst s3;
	s6 =	sshll.u32 s1, $0x7;
	s7 =	sshll.u32 s5, $0x6  }
.Ltmp0:
0xa: {  	_ =	strace $0x80000047;
	s6 =	sor.u32 s7, s6;
	(pc) =	sbr.rel .LBB2_1-.Ltmp0, $4  }
0xb: {  	s5 =	ssub.s32 $0x2, s5;
	s7 =	sshll.u32 s6, $0x5;
	s6 =	sshll.u32 s6, $0x4  }
0xc: {  	s8 =	sshrl.u32 s5, $0x1;
	s7 =	sadd.s32 s7, s4;
	s6 =	sadd.s32 s6, s4  }
0xd: {  	s8 =	ssub.s32 s5, s8;
	s4 =	sadd.s32 $0x2400, s7;
	s5 =	sadd.s32 $0x12400, s6  }
0xe: {  	v0 =	vimm.f32 $0.0e+00;
	s6 =	smax.u32 s8, $0x1;
	s7 =	simm.s32 $0x5;
	s8 =	simm.s32 $0x68  }
.LBB2_14:
0xf: {  	s21 =	sadd.s32 $0x1, s21  }
0x10: {  	p0 =	sne.s32 s21, s6  }
.Ltmp1:
0x11: {  	_ = 	snop;
	(pc) =	sbr.rel @!p0 .LBB2_15-.Ltmp1, $4  }
0x12: {  	[hbm4b:s5+s3] =	stream.linear.scatter [tilespmem:s20], [sflag:$0x5], $0x2000, $0x38;
	[tilespmem:$0x13000] =	vst v63  }
0x13: {  	_ =	swait.ge [sflag:s7], $0x2000  }
0x14: {  	[sflag:s7] =	ssyncset.done $0x0  }
0x15: {  	[sflag:s7] =	ssyncadd.s32 $0xFFFFE000  }
.LBB2_1:
0x16: {  	[tilespmem:s3], [sflag:$0x5] =	stream.linear.gather [hbm4b:s4+s3], $0x4000, $0x38;
	[tilespmem:$0x13000] =	vst v63  }
0x17: {  	_ =	swait.ge [sflag:s7], $0x4000  }
0x18: {  	[sflag:s7] =	ssyncset.done $0x0  }
0x19: {  	s22 =	simm.s32 $0x0;
	s23 =	simm.s32 $0x200;
	[sflag:s7] =	ssyncadd.s32 $0xFFFFC000  }
.LBB2_2:
0x1a: {  	p0 =	sne.s32 s23, $0x7E00;
	[tilespmem:s22+$0x11070] =	vst v0  }
0x1b: {  	[tilespmem:s22+$0x11000] =	vst v0  }
0x1c: {  	[tilespmem:s22+$0x11010] =	vst v0  }
.Ltmp2:
0x1d: {  	[tilespmem:s22+$0x11020] =	vst v0;
	(pc) =	sbr.rel @p0 .LBB2_2-.Ltmp2, $4  }
0x1e: {  	[tilespmem:s22+$0x11030] =	vst v0  }
0x1f: {  	[tilespmem:s22+$0x11040] =	vst v0  }
0x20: {  	[tilespmem:s22+$0x11050] =	vst v0  }
0x21: {  	[tilespmem:s22+$0x11060] =	vst v0;
	s22 =	sshra.s32 s23, $0x2;
	s23 =	sadd.s32 $0x200, s23  }
0x22: {  	[tilespmem:s22+$0x11070] =	vst v0  }
0x23: {  	[tilespmem:s22+$0x11000] =	vst v0  }
0x24: {  	[tilespmem:s22+$0x11010] =	vst v0  }
0x25: {  	[tilespmem:s22+$0x11020] =	vst v0  }
0x26: {  	[tilespmem:s22+$0x11030] =	vst v0  }
0x27: {  	[tilespmem:s22+$0x11040] =	vst v0  }
0x28: {  	[tilespmem:s22+$0x11050] =	vst v0  }
0x29: {  	[tilespmem:s22+$0x11060] =	vst v0;
	s22 =	simm.s32 $0x0  }
0x2a: {  	[tilespmem:s9], [sflag:$0x1] =	stream.indirect.gather [hbm4b:s2+s8], $0x80, s22, s8, $0xb8;
	[tilespmem:$0x13000] =	vst v63  }
0x2b: {  	_ = 	snop  }
0x2c: {  	[tilespmem:s11], [sflag:$0x2] =	stream.indirect.gather [hbm4b:s2+s8], $0x80, s10, s8, $0xb8;
	[tilespmem:$0x13000] =	vst v63  }
0x2d: {  	_ = 	snop  }
0x2e: {  	[tilespmem:s13], [sflag:$0x3] =	stream.indirect.gather [hbm4b:s2+s8], $0x80, s12, s8, $0xb8;
	[tilespmem:$0x13000] =	vst v63  }
0x2f: {  	_ = 	snop  }
0x30: {  	[tilespmem:s15], [sflag:$0x4] =	stream.indirect.gather [hbm4b:s2+s8], $0x80, s14, s8, $0xb8;
	[tilespmem:$0x13000] =	vst v63  }
.LBB2_4:
0x31: {  	_ =	swait.ge [sflag:s16], $0x3400  }
0x32: {  	[sflag:s16] =	ssyncset.done $0x0  }
0x33: {  	s25 =	simm.s32 $0x0;
	[sflag:s16] =	ssyncadd.s32 $0xFFFFCC00  }
0x34: {  	v1 =	vld [tilespmem:s25+$0x4070]  }
0x35: {  	v2 =	vld [tilespmem:s25+$0x4000]  }
0x36: {  	v5 =	vld [tilespmem:s25+$0x4010]  }
0x37: {  	v7 =	vld [tilespmem:s25+$0x4020]  }
0x38: {  	v8 =	vld [tilespmem:s25+$0x4030]  }
0x39: {  	v4 =	vimm.f32 $0.0e+00;
	v11 =	vimm.f32 $0.0e+00;
	v9 =	vld [tilespmem:s25+$0x4040]  }
0x3a: {  	v10 =	vimm.f32 $0.0e+00;
	v6 =	vimm.f32 $0.0e+00;
	v12 =	vld [tilespmem:s25+$0x4050];
	v1 =	vadd.f32 v1, v4  }
0x3b: {  	s23 =	simm.s32 $0x80;
	s24 =	simm.s32 $0x400;
	v13 =	vld [tilespmem:s25+$0x4060];
	v3 =	vadd.f32 v2, v4;
	v2 =	vadd.f32 v5, v4;
	v5 =	vimm.f32 $0.0e+00  }
.LBB2_5:
0x3c: {  	p0 =	sne.s32 s24, $0xCE00;
	v14 =	vld [tilespmem:s23+$0x4070];
	v4 =	vadd.f32 v7, v4  }
0x3d: {  	v15 =	vld [tilespmem:s23+$0x4000];
	v5 =	vadd.f32 v8, v5  }
0x3e: {  	v16 =	vld [tilespmem:s23+$0x4010];
	v11 =	vadd.f32 v9, v11  }
.Ltmp3:
0x3f: {  	v7 =	vld [tilespmem:s23+$0x4020];
	v10 =	vadd.f32 v12, v10;
	(pc) =	sbr.rel @p0 .LBB2_5-.Ltmp3, $4  }
0x40: {  	v8 =	vld [tilespmem:s23+$0x4030];
	v6 =	vadd.f32 v13, v6  }
0x41: {  	v9 =	vld [tilespmem:s23+$0x4040];
	v1 =	vadd.f32 v14, v1  }
0x42: {  	v3 =	vadd.f32 v15, v3;
	v12 =	vld [tilespmem:s23+$0x4050]  }
0x43: {  	v2 =	vadd.f32 v16, v2;
	v13 =	vld [tilespmem:s23+$0x4060];
	s23 =	sshra.s32 s24, $0x2;
	s24 =	sadd.s32 $0x200, s24  }
0x44: {  	v14 =	vld [tilespmem:s23+$0x4070]  }
0x45: {  	v15 =	vld [tilespmem:s23+$0x4000]  }
0x46: {  	v16 =	vld [tilespmem:s23+$0x4010]  }
0x47: {  	v17 =	vld [tilespmem:s23+$0x4020]  }
0x48: {  	v18 =	vld [tilespmem:s23+$0x4030]  }
0x49: {  	v19 =	vld [tilespmem:s23+$0x4040]  }
0x4a: {  	v20 =	vld [tilespmem:s23+$0x4050];
	s24 =	sshll.u32 s22, $0xA  }
0x4b: {  	v21 =	vld [tilespmem:s23+$0x4060];
	s23 =	sshra.s32 s24, $0x2  }
0x4c: {  	v22 =	vld [tilespmem:s23+$0x11000]  }
0x4d: {  	v4 =	vadd.f32 v7, v4;
	v7 =	vld [tilespmem:s23+$0x11010]  }
0x4e: {  	v5 =	vadd.f32 v8, v5;
	v8 =	vadd.f32 v9, v11;
	v9 =	vld [tilespmem:s23+$0x11020]  }
0x4f: {  	v11 =	vld [tilespmem:s23+$0x11030];
	v10 =	vadd.f32 v12, v10;
	v3 =	vadd.f32 v15, v3  }
0x50: {  	v12 =	vld [tilespmem:s23+$0x11040];
	v6 =	vadd.f32 v13, v6;
	v2 =	vadd.f32 v16, v2  }
0x51: {  	v13 =	vld [tilespmem:s23+$0x11050];
	v4 =	vadd.f32 v17, v4;
	v3 =	vadd.f32 v22, v3  }
0x52: {  	v5 =	vadd.f32 v18, v5;
	v2 =	vadd.f32 v7, v2;
	v7 =	vld [tilespmem:s23+$0x11060]  }
0x53: {  	v8 =	vadd.f32 v19, v8;
	[tilespmem:s23+$0x11000] =	vst v3;
	v3 =	vadd.f32 v9, v4;
	v4 =	vld [tilespmem:s23+$0x11070]  }
0x54: {  	v9 =	vadd.f32 v20, v10;
	[tilespmem:s23+$0x11010] =	vst v2;
	v2 =	vadd.f32 v11, v5  }
0x55: {  	v5 =	vadd.f32 v21, v6;
	[tilespmem:s23+$0x11020] =	vst v3;
	v3 =	vadd.f32 v12, v8  }
0x56: {  	v1 =	vadd.f32 v14, v1;
	[tilespmem:s23+$0x11030] =	vst v2;
	v2 =	vadd.f32 v13, v9  }
0x57: {  	[tilespmem:s23+$0x11040] =	vst v3;
	v3 =	vadd.f32 v7, v5  }
0x58: {  	p0 =	seq.s32 s22, $0x1F;
	s24 =	sshll.u32 s22, $0xB;
	[tilespmem:s23+$0x11050] =	vst v2;
	v1 =	vadd.f32 v4, v1  }
0x59: {  	s25 =	sshrl.u32 @!p0 s24, $0x2;
	[tilespmem:s23+$0x11060] =	vst v3  }
0x5a: {  	s28 =	simm.s32 @!p0 $0x68;
	s29 =	simm.s32 @!p0 $0x4000;
	s26 =	sadd.s32 @!p0 $0x200, s25;
	[tilespmem:s23+$0x11070] =	vst v1  }
0x5b: {  	[tilespmem:s29], [sflag:$0x1] =	stream.indirect.gather @!p0 [hbm4b:s2+s28], $0x80, s26, s28, $0xb8;
	[tilespmem:$0x13000] =	vst v63  }
0x5c: {  	_ =	swait.ge [sflag:s17], $0x3400  }
0x5d: {  	[sflag:s17] =	ssyncset.done $0x0  }
0x5e: {  	s31 =	simm.s32 $0x0;
	[sflag:s17] =	ssyncadd.s32 $0xFFFFCC00  }
0x5f: {  	v1 =	vld [tilespmem:s31+$0x7470]  }
0x60: {  	v2 =	vld [tilespmem:s31+$0x7400]  }
0x61: {  	v5 =	vld [tilespmem:s31+$0x7410]  }
0x62: {  	v7 =	vld [tilespmem:s31+$0x7420]  }
0x63: {  	v8 =	vld [tilespmem:s31+$0x7430]  }
0x64: {  	v11 =	vimm.f32 $0.0e+00;
	v4 =	vimm.f32 $0.0e+00;
	v9 =	vld [tilespmem:s31+$0x7440]  }
0x65: {  	v10 =	vimm.f32 $0.0e+00;
	v6 =	vimm.f32 $0.0e+00;
	v12 =	vld [tilespmem:s31+$0x7450];
	v1 =	vadd.f32 v1, v4  }
0x66: {  	s26 =	simm.s32 $0x80;
	s28 =	simm.s32 $0x400;
	v13 =	vld [tilespmem:s31+$0x7460];
	v3 =	vadd.f32 v2, v4;
	v2 =	vadd.f32 v5, v4;
	v5 =	vimm.f32 $0.0e+00  }
.LBB2_7:
0x67: {  	p1 =	sne.s32 s28, $0xCE00;
	v14 =	vld [tilespmem:s26+$0x7470];
	v4 =	vadd.f32 v7, v4  }
0x68: {  	v15 =	vld [tilespmem:s26+$0x7400];
	v5 =	vadd.f32 v8, v5  }
0x69: {  	v16 =	vld [tilespmem:s26+$0x7410];
	v11 =	vadd.f32 v9, v11  }
.Ltmp4:
0x6a: {  	v7 =	vld [tilespmem:s26+$0x7420];
	v10 =	vadd.f32 v12, v10;
	(pc) =	sbr.rel @p1 .LBB2_7-.Ltmp4, $4  }
0x6b: {  	v8 =	vld [tilespmem:s26+$0x7430];
	v6 =	vadd.f32 v13, v6  }
0x6c: {  	v9 =	vld [tilespmem:s26+$0x7440];
	v1 =	vadd.f32 v14, v1  }
0x6d: {  	v3 =	vadd.f32 v15, v3;
	v12 =	vld [tilespmem:s26+$0x7450]  }
0x6e: {  	v2 =	vadd.f32 v16, v2;
	v13 =	vld [tilespmem:s26+$0x7460];
	s26 =	sshra.s32 s28, $0x2;
	s28 =	sadd.s32 $0x200, s28  }
0x6f: {  	v14 =	vld [tilespmem:s26+$0x7470]  }
0x70: {  	v15 =	vld [tilespmem:s26+$0x7400]  }
0x71: {  	v16 =	vld [tilespmem:s26+$0x7410]  }
0x72: {  	v17 =	vld [tilespmem:s26+$0x7420]  }
0x73: {  	v18 =	vld [tilespmem:s26+$0x7430]  }
0x74: {  	v19 =	vld [tilespmem:s26+$0x7440]  }
0x75: {  	v20 =	vld [tilespmem:s26+$0x7450]  }
0x76: {  	v21 =	vld [tilespmem:s26+$0x7460]  }
0x77: {  	v22 =	vld [tilespmem:s23+$0x11000]  }
0x78: {  	v4 =	vadd.f32 v7, v4;
	v7 =	vld [tilespmem:s23+$0x11010]  }
0x79: {  	v5 =	vadd.f32 v8, v5;
	v8 =	vadd.f32 v9, v11;
	v9 =	vld [tilespmem:s23+$0x11020]  }
0x7a: {  	v11 =	vld [tilespmem:s23+$0x11030];
	v10 =	vadd.f32 v12, v10;
	v3 =	vadd.f32 v15, v3  }
0x7b: {  	v12 =	vld [tilespmem:s23+$0x11040];
	v6 =	vadd.f32 v13, v6;
	v2 =	vadd.f32 v16, v2  }
0x7c: {  	v13 =	vld [tilespmem:s23+$0x11050];
	v4 =	vadd.f32 v17, v4;
	v3 =	vadd.f32 v22, v3  }
0x7d: {  	v5 =	vadd.f32 v18, v5;
	v2 =	vadd.f32 v7, v2;
	v7 =	vld [tilespmem:s23+$0x11060]  }
0x7e: {  	v8 =	vadd.f32 v19, v8;
	[tilespmem:s23+$0x11000] =	vst v3;
	v3 =	vadd.f32 v9, v4;
	v4 =	vld [tilespmem:s23+$0x11070]  }
0x7f: {  	v9 =	vadd.f32 v20, v10;
	[tilespmem:s23+$0x11010] =	vst v2;
	v2 =	vadd.f32 v11, v5  }
0x80: {  	v5 =	vadd.f32 v21, v6;
	[tilespmem:s23+$0x11020] =	vst v3;
	v3 =	vadd.f32 v12, v8  }
0x81: {  	v1 =	vadd.f32 v14, v1;
	[tilespmem:s23+$0x11030] =	vst v2;
	v2 =	vadd.f32 v13, v9  }
0x82: {  	[tilespmem:s23+$0x11040] =	vst v3;
	v3 =	vadd.f32 v7, v5  }
0x83: {  	[tilespmem:s23+$0x11050] =	vst v2;
	v1 =	vadd.f32 v4, v1  }
0x84: {  	[tilespmem:s23+$0x11060] =	vst v3  }
0x85: {  	s26 =	sadd.s32 @!p0 $0x280, s25;
	s28 =	simm.s32 @!p0 $0x68;
	s29 =	simm.s32 @!p0 $0x7400;
	[tilespmem:s23+$0x11070] =	vst v1  }
0x86: {  	[tilespmem:s29], [sflag:$0x2] =	stream.indirect.gather @!p0 [hbm4b:s2+s28], $0x80, s26, s28, $0xb8;
	[tilespmem:$0x13000] =	vst v63  }
0x87: {  	_ =	swait.ge [sflag:s18], $0x3400  }
0x88: {  	[sflag:s18] =	ssyncset.done $0x0  }
0x89: {  	s31 =	simm.s32 $0x0;
	[sflag:s18] =	ssyncadd.s32 $0xFFFFCC00  }
0x8a: {  	v1 =	vld [tilespmem:s31+$0xA870]  }
0x8b: {  	v2 =	vld [tilespmem:s31+$0xA800]  }
0x8c: {  	v5 =	vld [tilespmem:s31+$0xA810]  }
0x8d: {  	v7 =	vld [tilespmem:s31+$0xA820]  }
0x8e: {  	v8 =	vld [tilespmem:s31+$0xA830]  }
0x8f: {  	v11 =	vimm.f32 $0.0e+00;
	v4 =	vimm.f32 $0.0e+00;
	v9 =	vld [tilespmem:s31+$0xA840]  }
0x90: {  	v10 =	vimm.f32 $0.0e+00;
	v6 =	vimm.f32 $0.0e+00;
	v12 =	vld [tilespmem:s31+$0xA850];
	v1 =	vadd.f32 v1, v4  }
0x91: {  	s26 =	simm.s32 $0x80;
	s28 =	simm.s32 $0x400;
	v13 =	vld [tilespmem:s31+$0xA860];
	v3 =	vadd.f32 v2, v4;
	v2 =	vadd.f32 v5, v4;
	v5 =	vimm.f32 $0.0e+00  }
.LBB2_9:
0x92: {  	p1 =	sne.s32 s28, $0xCE00;
	v14 =	vld [tilespmem:s26+$0xA870];
	v4 =	vadd.f32 v7, v4  }
0x93: {  	v15 =	vld [tilespmem:s26+$0xA800];
	v5 =	vadd.f32 v8, v5  }
0x94: {  	v16 =	vld [tilespmem:s26+$0xA810];
	v11 =	vadd.f32 v9, v11  }
.Ltmp5:
0x95: {  	v7 =	vld [tilespmem:s26+$0xA820];
	v10 =	vadd.f32 v12, v10;
	(pc) =	sbr.rel @p1 .LBB2_9-.Ltmp5, $4  }
0x96: {  	v8 =	vld [tilespmem:s26+$0xA830];
	v6 =	vadd.f32 v13, v6  }
0x97: {  	v9 =	vld [tilespmem:s26+$0xA840];
	v1 =	vadd.f32 v14, v1  }
0x98: {  	v3 =	vadd.f32 v15, v3;
	v12 =	vld [tilespmem:s26+$0xA850]  }
0x99: {  	v2 =	vadd.f32 v16, v2;
	v13 =	vld [tilespmem:s26+$0xA860];
	s26 =	sshra.s32 s28, $0x2;
	s28 =	sadd.s32 $0x200, s28  }
0x9a: {  	v14 =	vld [tilespmem:s26+$0xA870]  }
0x9b: {  	v15 =	vld [tilespmem:s26+$0xA800]  }
0x9c: {  	v16 =	vld [tilespmem:s26+$0xA810]  }
0x9d: {  	v17 =	vld [tilespmem:s26+$0xA820]  }
0x9e: {  	v18 =	vld [tilespmem:s26+$0xA830]  }
0x9f: {  	v19 =	vld [tilespmem:s26+$0xA840]  }
0xa0: {  	v20 =	vld [tilespmem:s26+$0xA850]  }
0xa1: {  	v21 =	vld [tilespmem:s26+$0xA860]  }
0xa2: {  	v22 =	vld [tilespmem:s23+$0x11080]  }
0xa3: {  	v4 =	vadd.f32 v7, v4;
	v7 =	vld [tilespmem:s23+$0x11090]  }
0xa4: {  	v5 =	vadd.f32 v8, v5;
	v8 =	vadd.f32 v9, v11;
	v9 =	vld [tilespmem:s23+$0x110A0]  }
0xa5: {  	v11 =	vld [tilespmem:s23+$0x110B0];
	v10 =	vadd.f32 v12, v10;
	v3 =	vadd.f32 v15, v3  }
0xa6: {  	v12 =	vld [tilespmem:s23+$0x110C0];
	v6 =	vadd.f32 v13, v6;
	v2 =	vadd.f32 v16, v2  }
0xa7: {  	v13 =	vld [tilespmem:s23+$0x110D0];
	v4 =	vadd.f32 v17, v4;
	v3 =	vadd.f32 v22, v3  }
0xa8: {  	v5 =	vadd.f32 v18, v5;
	v2 =	vadd.f32 v7, v2;
	v7 =	vld [tilespmem:s23+$0x110E0]  }
0xa9: {  	v8 =	vadd.f32 v19, v8;
	[tilespmem:s23+$0x11080] =	vst v3;
	v3 =	vadd.f32 v9, v4;
	v4 =	vld [tilespmem:s23+$0x110F0]  }
0xaa: {  	v9 =	vadd.f32 v20, v10;
	[tilespmem:s23+$0x11090] =	vst v2;
	v2 =	vadd.f32 v11, v5  }
0xab: {  	v5 =	vadd.f32 v21, v6;
	[tilespmem:s23+$0x110A0] =	vst v3;
	v3 =	vadd.f32 v12, v8  }
0xac: {  	v1 =	vadd.f32 v14, v1;
	[tilespmem:s23+$0x110B0] =	vst v2;
	v2 =	vadd.f32 v13, v9  }
0xad: {  	[tilespmem:s23+$0x110C0] =	vst v3;
	v3 =	vadd.f32 v7, v5  }
0xae: {  	[tilespmem:s23+$0x110D0] =	vst v2;
	v1 =	vadd.f32 v4, v1  }
0xaf: {  	[tilespmem:s23+$0x110E0] =	vst v3  }
0xb0: {  	s25 =	sadd.s32 @!p0 $0x300, s25;
	s26 =	simm.s32 @!p0 $0x68;
	s28 =	simm.s32 @!p0 $0xA800;
	[tilespmem:s23+$0x110F0] =	vst v1  }
0xb1: {  	[tilespmem:s28], [sflag:$0x3] =	stream.indirect.gather @!p0 [hbm4b:s2+s26], $0x80, s25, s26, $0xb8;
	[tilespmem:$0x13000] =	vst v63  }
0xb2: {  	_ =	swait.ge [sflag:s19], $0x3400  }
0xb3: {  	[sflag:s19] =	ssyncset.done $0x0  }
0xb4: {  	s31 =	simm.s32 $0x0;
	[sflag:s19] =	ssyncadd.s32 $0xFFFFCC00  }
0xb5: {  	v1 =	vld [tilespmem:s31+$0xDC70]  }
0xb6: {  	v2 =	vld [tilespmem:s31+$0xDC00]  }
0xb7: {  	v5 =	vld [tilespmem:s31+$0xDC10]  }
0xb8: {  	v7 =	vld [tilespmem:s31+$0xDC20]  }
0xb9: {  	v8 =	vld [tilespmem:s31+$0xDC30]  }
0xba: {  	v11 =	vimm.f32 $0.0e+00;
	v4 =	vimm.f32 $0.0e+00;
	v9 =	vld [tilespmem:s31+$0xDC40]  }
0xbb: {  	v10 =	vimm.f32 $0.0e+00;
	v6 =	vimm.f32 $0.0e+00;
	v12 =	vld [tilespmem:s31+$0xDC50];
	v1 =	vadd.f32 v1, v4  }
0xbc: {  	s25 =	simm.s32 $0x80;
	s26 =	simm.s32 $0x400;
	v13 =	vld [tilespmem:s31+$0xDC60];
	v3 =	vadd.f32 v2, v4;
	v2 =	vadd.f32 v5, v4;
	v5 =	vimm.f32 $0.0e+00  }
.LBB2_11:
0xbd: {  	p1 =	sne.s32 s26, $0xCE00;
	v14 =	vld [tilespmem:s25+$0xDC70];
	v4 =	vadd.f32 v7, v4  }
0xbe: {  	v15 =	vld [tilespmem:s25+$0xDC00];
	v5 =	vadd.f32 v8, v5  }
0xbf: {  	v16 =	vld [tilespmem:s25+$0xDC10];
	v11 =	vadd.f32 v9, v11  }
.Ltmp6:
0xc0: {  	v7 =	vld [tilespmem:s25+$0xDC20];
	v10 =	vadd.f32 v12, v10;
	(pc) =	sbr.rel @p1 .LBB2_11-.Ltmp6, $4  }
0xc1: {  	v8 =	vld [tilespmem:s25+$0xDC30];
	v6 =	vadd.f32 v13, v6  }
0xc2: {  	v9 =	vld [tilespmem:s25+$0xDC40];
	v1 =	vadd.f32 v14, v1  }
0xc3: {  	v3 =	vadd.f32 v15, v3;
	v12 =	vld [tilespmem:s25+$0xDC50]  }
0xc4: {  	v2 =	vadd.f32 v16, v2;
	v13 =	vld [tilespmem:s25+$0xDC60];
	s25 =	sshra.s32 s26, $0x2;
	s26 =	sadd.s32 $0x200, s26  }
0xc5: {  	v14 =	vld [tilespmem:s25+$0xDC70]  }
0xc6: {  	v15 =	vld [tilespmem:s25+$0xDC00]  }
0xc7: {  	v16 =	vld [tilespmem:s25+$0xDC10]  }
0xc8: {  	v17 =	vld [tilespmem:s25+$0xDC20]  }
0xc9: {  	v18 =	vld [tilespmem:s25+$0xDC30]  }
0xca: {  	v19 =	vld [tilespmem:s25+$0xDC40]  }
0xcb: {  	v20 =	vld [tilespmem:s25+$0xDC50]  }
0xcc: {  	v21 =	vld [tilespmem:s25+$0xDC60]  }
0xcd: {  	v22 =	vld [tilespmem:s23+$0x11080]  }
0xce: {  	v4 =	vadd.f32 v7, v4;
	v54 =	vld [tilespmem:s23+$0x11090]  }
0xcf: {  	v61 =	vld [tilespmem:s23+$0x110F0];
	v5 =	vadd.f32 v8, v5;
	v55 =	vadd.f32 v9, v11  }
0xd0: {  	v56 =	vld [tilespmem:s23+$0x110A0];
	v10 =	vadd.f32 v12, v10;
	v3 =	vadd.f32 v15, v3  }
0xd1: {  	v57 =	vld [tilespmem:s23+$0x110B0];
	v6 =	vadd.f32 v13, v6;
	v2 =	vadd.f32 v16, v2  }
0xd2: {  	v58 =	vld [tilespmem:s23+$0x110C0];
	v1 =	vadd.f32 v14, v1;
	v3 =	vadd.f32 v22, v3  }
0xd3: {  	v59 =	vld [tilespmem:s23+$0x110D0];
	v4 =	vadd.f32 v17, v4;
	v2 =	vadd.f32 v54, v2  }
0xd4: {  	v60 =	vld [tilespmem:s23+$0x110E0];
	v5 =	vadd.f32 v18, v5;
	v1 =	vadd.f32 v61, v1;
	[tilespmem:s23+$0x11080] =	vst v3  }
0xd5: {  	v8 =	vadd.f32 v19, v55;
	v3 =	vadd.f32 v56, v4;
	[tilespmem:s23+$0x11090] =	vst v2  }
0xd6: {  	v62 =	vadd.f32 v20, v10;
	v2 =	vadd.f32 v57, v5;
	[tilespmem:s23+$0x110F0] =	vst v1  }
.Ltmp7:
0xd7: {  	v63 =	vadd.f32 v21, v6;
	[tilespmem:s23+$0x110A0] =	vst v3;
	v3 =	vadd.f32 v58, v8;
	(pc) =	sbr.rel @p0 .LBB2_14-.Ltmp7, $4  }
0xd8: {  	[tilespmem:s23+$0x110B0] =	vst v2;
	v2 =	vadd.f32 v59, v62  }
0xd9: {  	[tilespmem:s23+$0x110C0] =	vst v3;
	v3 =	vadd.f32 v60, v63  }
0xda: {  	[tilespmem:s23+$0x110D0] =	vst v2  }
0xdb: {  	[tilespmem:s23+$0x110E0] =	vst v3  }
.Ltmp8:
0xdc: {  	(pc) =	sbr.rel .LBB2_4-.Ltmp8, $4  }
0xdd: {  	_ = 	snop  }
0xde: {  	s23 =	sshrl.u32 s24, $0x2  }
0xdf: {  	s22 =	sadd.s32 $0x1, s22;
	s23 =	sadd.s32 $0x380, s23  }
0xe0: {  	[tilespmem:s15], [sflag:$0x4] =	stream.indirect.gather [hbm4b:s2+s8], $0x80, s23, s8, $0xb8;
	[tilespmem:$0x13000] =	vst v63  }
.LBB2_15:
0xe1: {  	_ =	sfence.sel $0x180000  }
0xe2: {  	[bflag:$0x0] =	sbarrier.arrive $0xFFFF  }
0xe3: {  	p0 =	sne.s32 s1, $0x0;
	_ =	strace $0x90000047  }
0xe4: {  	s0 =	sadd.s32 @!p0 $0x100000, s0;
	[bflag:$0x2] =	sbarrier.arrive $0xFFFF  }
0xe5: {  	[sflag:s0] =	ssyncadd.tile.s32 @!p0 $0x1;
	_ =	shalt  }
.Lfunc_end2:
_tile_overlayer_lowered:
.L_overlay_start_2:
0xe6: {  	(tag) =	ssettag $0x2  }
0xe7: {  	s0 =	rddreg [dreg:$0x0];
	s2 =	stileid.u32  }
0xe8: {  	s1 =	rddreg [dreg:$0x1];
	p0 =	sne.s32 s2, $0x0  }
0xe9: {  	s3 =	rddreg [dreg:$0x2];
	[bflag:$0x3] =	sbarrier.arrive $0xFFFF;
	s2 =	simm.s32 @!p0 $0x1C05  }
0xea: {  	[timem:s3], [sflag:s2] =	dma.local @!p0 [hbm:s0], s1  }
0xeb: {  	s0 =	simm.s32 @!p0 $0x5  }
0xec: {  	_ =	swait.ge @!p0 [sflag:s0], s1  }
0xed: {  	s1 =	ssub.s32 @!p0 $0x0, s1;
	[sflag:s0] =	ssyncset.done @!p0 $0x0  }
0xee: {  	[sflag:s0] =	ssyncadd.s32 @!p0 s1  }
0xef: {  	[bflag:$0x3] =	sbarrier.arrive $0xFFFF  }
0xf0: {  	_ =	shalt  }

// kernel: kernel.9.cloned.1.call-start
scs
__scs_entry_jumppad:
0x0: {  	(pc) =	sbr.rel $0x88, $3  }
0x1: {  	(tag) =	ssettag $0x0;
	lr =	simm.s32 $0x1  }
0x2: {  	[smem:$0x3F97] =	sst lr;
	_ =	strace $0xD0000000  }
0x3: {  	_ = 	snop  }
0x4: {  	_ = 	snop  }
0x5: {  	_ = 	snop  }
0x6: {  	_ = 	snop  }
0x7: {  	_ = 	snop  }
__scs_overlays_trampoline_lowered:
0x8: {  	[smem:$0x3FA6] =	sst s0  }
0x9: {  	[smem:$0x3FA7] =	sst s1  }
0xa: {  	[smem:$0x3FA8] =	sst s2  }
0xb: {  	[smem:$0x3FA9] =	sst s3  }
0xc: {  	[smem:$0x3FAA] =	sst s4  }
0xd: {  	[smem:$0x3FAB] =	sst s5  }
0xe: {  	[smem:$0x3FAC] =	sst s6  }
0xf: {  	[smem:$0x3FAD] =	sst s7  }
0x10: {  	[smem:$0x3FAE] =	sst s8  }
0x11: {  	[smem:$0x3FAF] =	sst s9;
	s0 =	simm.s32 @!p0 $0x0  }
0x12: {  	s1 =	sld [smem:$0x3F95];
	s0 =	simm.s32 @p0 $0x1  }
0x13: {  	[smem:$0x3FB0] =	sst s0;
	s0 =	simm.s32 @!p1 $0x0  }
0x14: {  	s2 =	sld [smem:$0x3F94];
	s0 =	simm.s32 @p1 $0x1  }
0x15: {  	[smem:$0x3FB1] =	sst s0;
	s0 =	simm.s32 @!p2 $0x0  }
0x16: {  	s3 =	sld [smem:$0x3FDB];
	s0 =	simm.s32 @p2 $0x1  }
0x17: {  	s4 =	simm.s32 $0x1BF5;
	[smem:$0x3FB3] =	sst s0  }
0x18: {  	s0 =	sld [smem:$0x3F96];
	_ =	swait.ge [sflag:s4], $0x0  }
0x19: {  	s7 =	sld [smem:$0x3F97]  }
0x1a: {  	s8 =	sadd.s32 $0xFFFFE003, lr  }
0x1b: {  	s9 =	sadd.s32 $0xFFFFFEF7, lr;
	s5 =	simm.s32 $0xFFFFFFFF;
	p2 =	slt.u32 s8, $0xFFFFF086  }
0x1c: {  	p1 =	slt.u32 s9, $0xF7A;
	s5 =	simm.s32 @!p2 $0x0  }
0x1d: {  	s5 =	simm.s32 @p1 $0x1;
	p0 =	seq.s32 s7, s2  }
0x1e: {  	s7 =	smul.u32 @!p0 $0xF7A, s2;
	p2 =	seq.s32 @!p0 s5, $0x0  }
0x1f: {  	s9 =	smul.u32 $0xF7A, s1;
	s8 =	simm.s32 @!p0 $0x1BF5;
	p2 =	por !p2, p0  }
0x20: {  	[sflag:s8] =	ssyncset.s32 @!p0 $0xFFFFF086;
	s6 =	sadd.s32 @!p0 s3, s7;
	s7 =	simm.s32 @!p0 $0x108  }
0x21: {  	s3 =	sadd.s32 s3, s9;
	s6 =	sadd.s32 @!p0 $0x88, s6;
	s7 =	simm.s32 @p2 $0x1082  }
0x22: {  	[simem:s7], [sflag:s8] =	dma.local @!p0 [hbm:s6], $0xF7A  }
0x23: {  	s9 =	sor.u32 $0xD0000000, s2;
	s6 =	simm.s32 $0x108;
	_ =	swait.ge @!p0 [sflag:s8], $0x0  }
0x24: {  	s3 =	sadd.s32 $0x88, s3;
	s6 =	simm.s32 @!p1 $0x1082;
	[sflag:s4] =	ssyncset.s32 $0xFFFFF086  }
0x25: {  	[simem:s6], [sflag:s4] =	dma.local [hbm:s3], $0xF7A  }
0x26: {  	[smem:$0x3F97] =	sst s1;
	(tag) =	ssettag s2;
	_ =	strace s9  }
0x27: {  	s1 =	sld [smem:$0x3FA7]  }
0x28: {  	s2 =	sld [smem:$0x3FA8]  }
0x29: {  	s4 =	sld [smem:$0x3FAA]  }
0x2a: {  	p0 =	seq.s32 s5, $0x0;
	s5 =	sld [smem:$0x3FAB]  }
0x2b: {  	s6 =	sld [smem:$0x3FAC]  }
0x2c: {  	s7 =	sld [smem:$0x3FAD]  }
0x2d: {  	s3 =	simm.s32 $0x108;
	s8 =	sld [smem:$0x3FAE]  }
0x2e: {  	s3 =	simm.s32 @!p0 $0x1082;
	s9 =	sld [smem:$0x3FAF]  }
0x2f: {  	lr =	sadd.s32 s0, s3;
	s0 =	sld [smem:$0x3FA6]  }
0x30: {  	s3 =	sld [smem:$0x3FA9]  }
0x31: {  	[smem:$0x3FB2] =	sst s10  }
0x32: {  	s10 =	sld [smem:$0x3FB0];
	_ =	sdelay $0x3  }
0x33: {  	p0 =	seq.s32 s10, $0x1;
	s10 =	sld [smem:$0x3FB2];
	_ =	sdelay $0x3  }
0x34: {  	[smem:$0x3FB2] =	sst s10  }
0x35: {  	s10 =	sld [smem:$0x3FB1];
	_ =	sdelay $0x3  }
0x36: {  	p1 =	seq.s32 s10, $0x1;
	s10 =	sld [smem:$0x3FB2];
	_ =	sdelay $0x3  }
0x37: {  	[smem:$0x3FB2] =	sst s10  }
0x38: {  	s10 =	sld [smem:$0x3FB3]  }
0x39: {  	_ = 	snop;
	(pc) =	sbr.ind lr, $3  }
0x3a: {  	_ = 	snop  }
0x3b: {  	_ = 	snop  }
0x3c: {  	p2 =	seq.s32 s10, $0x1;
	s10 =	sld [smem:$0x3FB2]  }
0x3d: {  	_ =	shalt  }
0x3e: {  	_ =	shalt  }
0x3f: {  	_ =	shalt  }
0x40: {  	_ =	shalt  }
0x41: {  	_ =	shalt  }
0x42: {  	_ =	shalt  }
0x43: {  	_ =	shalt  }
0x44: {  	_ =	shalt  }
0x45: {  	_ =	shalt  }
0x46: {  	_ =	shalt  }
0x47: {  	_ =	shalt  }
0x48: {  	_ =	shalt  }
0x49: {  	_ =	shalt  }
0x4a: {  	_ =	shalt  }
0x4b: {  	_ =	shalt  }
0x4c: {  	_ =	shalt  }
0x4d: {  	_ =	shalt  }
0x4e: {  	_ =	shalt  }
0x4f: {  	_ =	shalt  }
0x50: {  	_ =	shalt  }
0x51: {  	_ =	shalt  }
0x52: {  	_ =	shalt  }
0x53: {  	_ =	shalt  }
0x54: {  	_ =	shalt  }
0x55: {  	_ =	shalt  }
0x56: {  	_ =	shalt  }
0x57: {  	_ =	shalt  }
0x58: {  	_ =	shalt  }
0x59: {  	_ =	shalt  }
0x5a: {  	_ =	shalt  }
0x5b: {  	_ =	shalt  }
0x5c: {  	_ =	shalt  }
0x5d: {  	_ =	shalt  }
0x5e: {  	_ =	shalt  }
0x5f: {  	_ =	shalt  }
0x60: {  	_ =	shalt  }
0x61: {  	_ =	shalt  }
0x62: {  	_ =	shalt  }
0x63: {  	_ =	shalt  }
0x64: {  	_ =	shalt  }
0x65: {  	_ =	shalt  }
0x66: {  	_ =	shalt  }
0x67: {  	_ =	shalt  }
0x68: {  	_ =	shalt  }
0x69: {  	_ =	shalt  }
0x6a: {  	_ =	shalt  }
0x6b: {  	_ =	shalt  }
0x6c: {  	_ =	shalt  }
0x6d: {  	_ =	shalt  }
0x6e: {  	_ =	shalt  }
0x6f: {  	_ =	shalt  }
0x70: {  	_ =	shalt  }
0x71: {  	_ =	shalt  }
0x72: {  	_ =	shalt  }
0x73: {  	_ =	shalt  }
0x74: {  	_ =	shalt  }
0x75: {  	_ =	shalt  }
0x76: {  	_ =	shalt  }
0x77: {  	_ =	shalt  }
0x78: {  	_ =	shalt  }
0x79: {  	_ =	shalt  }
0x7a: {  	_ =	shalt  }
0x7b: {  	_ =	shalt  }
0x7c: {  	_ =	shalt  }
0x7d: {  	_ =	shalt  }
0x7e: {  	_ =	shalt  }
0x7f: {  	_ =	shalt  }
0x80: {  	_ =	shalt  }
0x81: {  	_ =	shalt  }
0x82: {  	_ =	shalt  }
0x83: {  	_ =	shalt  }
0x84: {  	_ =	shalt  }
0x85: {  	_ =	shalt  }
0x86: {  	_ =	shalt  }
0x87: {  	_ =	shalt  }
.Lfunc_end0:
.L_simem_size_0:
called_computation.1_lowered:
.L_overlay_start_0:
0x88: {  	s2 =	sld [smem:$0x3FD9]  }
0x89: {  	s3 =	sld [smem:$0x3FFE];
	_ =	sdelay $0x1  }
0x8a: {  	s1 =	srdreg.scid  }
0x8b: {  	s0 =	sand.u32 $0x1, s1  }
0x8c: {  	s17 =	sshll.u32 s0, $0xA;
	s2 =	sadd.s32 s3, s2  }
0x8d: {  	s2 =	sadd.s32 s2, s17  }
0x8e: {  	[smem:$0x3FBE] =	sst s2  }
0x8f: {  	_ = 	snop  }
0x90: {  	s2 =	sld [smem:$0x3FC8]  }
0x91: {  	s18 =	sld [smem:$0x3FD0];
	(tm) =	ssettm $0x1  }
0x92: {  	s4 =	sld [smem:$0x3FFB];
	_ =	sdelay $0x3  }
0x93: {  	_ =	strace s4  }
0x94: {  	s4 =	sld [smem:$0x3FFC];
	_ =	sdelay $0x3  }
0x95: {  	_ =	strace s4  }
0x96: {  	s4 =	sld [smem:$0x3FFD];
	_ =	sdelay $0x3  }
0x97: {  	_ =	strace s4  }
0x98: {  	_ =	strace $0x8FFFFFFF  }
0x99: {  	s19 =	sld [smem:$0x3FDB];
	_ =	sdelay $0x1  }
0x9a: {  	s5 =	simm.s32 $_scs_section_size  }
0x9b: {  	s6 =	simm.s32 $_size__tile_overlayer_lowered;
	s7 =	simm.s32 $_tile_overlayer_lowered  }
0x9c: {  	s22 =	simm.s32 $0x1BFF;
	s21 =	sshll.u32 s7, $0x1;
	s4 =	sadd.s32 s5, s19  }
0x9d: {  	s8 =	simm.s32 $0x0;
	s20 =	sshll.u32 s6, $0x1;
	s6 =	sadd.s32 s21, s4  }
0x9e: {  	[timem:s8], [sflag:s22] =	dma.local [hbm:s6], s20  }
0x9f: {  	_ =	swait.ge [sflag:s22], s20  }
0xa0: {  	s5 =	ssub.s32 $0x0, s20;
	[sflag:s22] =	ssyncset.done $0x0  }
0xa1: {  	[sflag:s22] =	ssyncadd.s32 s5;
	_ =	sdelay $0x1  }
0xa2: {  	s23 =	simm.s32 $0x1B8B  }
0xa3: {  	_ =	swait.ge [sflag:s23], $0x1  }
0xa4: {  	[sflag:s23] =	ssyncset.done $0x0  }
0xa5: {  	s25 =	simm.s32 $0x1B8E;
	s24 =	sld [smem:$0x3FFE];
	[sflag:s23] =	ssyncadd.s32 $0xFFFFFFFF  }
0xa6: {  	s26 =	simm.s32 $execute0_lowered;
	[smem:$0x3FD2] =	sst s25  }
0xa7: {  	s6 =	sshll.u32 s26, $0x1;
	_ =	strace $0x80000049;
	[dreg:$0x1] =	wrdreg $0xFFFFFFFF  }
0xa8: {  	s28 =	simm.s32 $_size_execute0_lowered;
	s4 =	sadd.s32 s4, s6;
	[dreg:$0x0] =	wrdreg $0x0  }
0xa9: {  	s6 =	sshll.u32 s28, $0x1;
	[dreg:$0x2] =	wrdreg s4  }
0xaa: {  	[dreg:$0x3] =	wrdreg s6  }
0xab: {  	[dreg:$0x4] =	wrdreg $0xC0  }
0xac: {  	_ =	task [dreg:s8], $0x5FFFF  }
0xad: {  	[dreg:$0x1] =	wrdreg $0xFFFFFFFF  }
0xae: {  	[dreg:$0x0] =	wrdreg $0x60  }
0xaf: {  	[dreg:$0x2] =	wrdreg s18  }
0xb0: {  	[dreg:$0x3] =	wrdreg s2  }
0xb1: {  	[dreg:$0x4] =	wrdreg s24  }
0xb2: {  	[dreg:$0x5] =	wrdreg $0x9  }
0xb3: {  	_ =	task.clear_ibuf [dreg:s8], $0x6FFFF;
	_ =	strace $0x90000049  }
0xb4: {  	s29 =	simm.s32 $0x9;
	_ =	strace $0x8000004B  }
0xb5: {  	_ =	swait.ge [sflag:s29], $0x1  }
0xb6: {  	[sflag:s29] =	ssyncadd.s32 $0xFFFFFFFF  }
0xb7: {  	_ =	strace $0x9000004B  }
0xb8: {  	_ =	sfence  }
0xb9: {  	s30 =	sld [smem:$0x0];
	_ =	sdelay $0x2  }
0xba: {  	s31 =	sshll.u32 s1, $0xD;
	s1 =	sshrl.u32 s1, $0x2  }
0xbb: {  	s3 =	sand.u32 $0x4000, s31;
	s1 =	sadd.s32 s1, s30  }
0xbc: {  	s0 =	sor.u32 s3, s0;
	s1 =	sshll.u32 s1, $0x11  }
0xbd: {  	s0 =	sor.u32 s1, s0  }
0xbe: {  	s0 =	sadd.s32 $0x8F2B, s0  }
0xbf: {  	[sflag:s0] =	ssyncadd.remote.s32 $0x1  }
0xc0: {  	_ =	sfence.sel $0xFFFF  }
0xc1: {  	[dreg:$0x0] =	wrdreg $0xFFFFFFFF;
	(pc) =	sbr.abs _section_cstart, $3  }
0xc2: {  	[dreg:$0x1] =	wrdreg $0xFFFFFFFF  }
0xc3: {  	_ =	task.clear_ibuf [dreg:s8], $0x2FFFF;
	_ =	strace $0x9FFFFFFF  }
0xc4: {  	(tm) =	ssettm $0x7FFFFFFF  }
0xc5: {  	_ =	shalt  }
tec
execute0_lowered:
.L_overlay_start_1:
0x0: {  	(tag) =	ssettag $0x1  }
0x1: {  	s4 =	rddreg [dreg:$0x0]  }
0x2: {  	s2 =	rddreg [dreg:$0x1]  }
0x3: {  	s5 =	rddreg [dreg:$0x2]  }
0x4: {  	s3 =	srdreg.scid;
	s0 =	rddreg [dreg:$0x3]  }
0x5: {  	s1 =	stileid.u32;
	s10 =	simm.s32 $0x80;
	s11 =	simm.s32 $0x7400  }
0x6: {  	s12 =	simm.s32 $0x100;
	s13 =	simm.s32 $0xA800;
	s14 =	simm.s32 $0x180  }
0x7: {  	s15 =	simm.s32 $0xDC00;
	s16 =	simm.s32 $0x1;
	s17 =	simm.s32 $0x2  }
0x8: {  	s18 =	simm.s32 $0x3;
	s19 =	simm.s32 $0x4;
	s20 =	simm.s32 $0x11000  }
0x9: {  	s21 =	simm.s32 $0x0;
	s6 =	sand.u32 $0x1, s3;
	s3 =	simm.s32 $0x0  }
0xa: {  	s7 =	sshll.u32 s1, $0x7;
	s8 =	sshll.u32 s6, $0x6;
	[smem:$0x7FF] =	sst s3  }
.Ltmp0:
0xb: {  	s6 =	ssub.s32 $0x2, s6;
	s7 =	sor.u32 s8, s7;
	(pc) =	sbr.rel .LBB2_1-.Ltmp0, $4  }
0xc: {  	_ =	strace $0x8000004A;
	s9 =	sshrl.u32 s6, $0x1;
	s8 =	sshll.u32 s7, $0x4  }
0xd: {  	s6 =	ssub.s32 s6, s9;
	s7 =	sshll.u32 s7, $0x5;
	s9 =	simm.s32 $0x4000  }
0xe: {  	s5 =	sadd.s32 s8, s5;
	s4 =	sadd.s32 s4, s7;
	s6 =	smax.u32 s6, $0x1  }
0xf: {  	v0 =	vimm.f32 $0.0e+00;
	s7 =	simm.s32 $0x5;
	s8 =	simm.s32 $0x68;
	s5 =	sadd.s32 $0x2400, s5  }
.LBB2_14:
0x10: {  	s21 =	sadd.s32 $0x1, s21  }
0x11: {  	p0 =	sne.s32 s21, s6  }
.Ltmp1:
0x12: {  	_ = 	snop;
	(pc) =	sbr.rel @!p0 .LBB2_15-.Ltmp1, $4  }
0x13: {  	[hbm4b:s5+s3] =	stream.linear.scatter [tilespmem:s20], [sflag:$0x5], $0x2000, $0x38;
	[tilespmem:$0x13000] =	vst v63  }
0x14: {  	_ =	swait.ge [sflag:s7], $0x2000  }
0x15: {  	[sflag:s7] =	ssyncset.done $0x0  }
0x16: {  	[sflag:s7] =	ssyncadd.s32 $0xFFFFE000  }
.LBB2_1:
0x17: {  	[tilespmem:s3], [sflag:$0x5] =	stream.linear.gather [hbm4b:s4+s3], $0x4000, $0x38;
	[tilespmem:$0x13000] =	vst v63  }
0x18: {  	_ =	swait.ge [sflag:s7], $0x4000  }
0x19: {  	[sflag:s7] =	ssyncset.done $0x0  }
0x1a: {  	s22 =	simm.s32 $0x0;
	s23 =	simm.s32 $0x200;
	[sflag:s7] =	ssyncadd.s32 $0xFFFFC000  }
.LBB2_2:
0x1b: {  	p0 =	sne.s32 s23, $0x7E00;
	[tilespmem:s22+$0x11070] =	vst v0  }
0x1c: {  	[tilespmem:s22+$0x11000] =	vst v0  }
0x1d: {  	[tilespmem:s22+$0x11010] =	vst v0  }
.Ltmp2:
0x1e: {  	[tilespmem:s22+$0x11020] =	vst v0;
	(pc) =	sbr.rel @p0 .LBB2_2-.Ltmp2, $4  }
0x1f: {  	[tilespmem:s22+$0x11030] =	vst v0  }
0x20: {  	[tilespmem:s22+$0x11040] =	vst v0  }
0x21: {  	[tilespmem:s22+$0x11050] =	vst v0  }
0x22: {  	[tilespmem:s22+$0x11060] =	vst v0;
	s22 =	sshra.s32 s23, $0x2;
	s23 =	sadd.s32 $0x200, s23  }
0x23: {  	[tilespmem:s22+$0x11070] =	vst v0  }
0x24: {  	[tilespmem:s22+$0x11000] =	vst v0  }
0x25: {  	[tilespmem:s22+$0x11010] =	vst v0  }
0x26: {  	[tilespmem:s22+$0x11020] =	vst v0  }
0x27: {  	[tilespmem:s22+$0x11030] =	vst v0  }
0x28: {  	[tilespmem:s22+$0x11040] =	vst v0  }
0x29: {  	[tilespmem:s22+$0x11050] =	vst v0  }
0x2a: {  	[tilespmem:s22+$0x11060] =	vst v0;
	s22 =	simm.s32 $0x0  }
0x2b: {  	[tilespmem:s9], [sflag:$0x1] =	stream.indirect.gather [hbm4b:s2+s8], $0x80, s22, s8, $0xb8;
	[tilespmem:$0x13000] =	vst v63  }
0x2c: {  	_ = 	snop  }
0x2d: {  	[tilespmem:s11], [sflag:$0x2] =	stream.indirect.gather [hbm4b:s2+s8], $0x80, s10, s8, $0xb8;
	[tilespmem:$0x13000] =	vst v63  }
0x2e: {  	_ = 	snop  }
0x2f: {  	[tilespmem:s13], [sflag:$0x3] =	stream.indirect.gather [hbm4b:s2+s8], $0x80, s12, s8, $0xb8;
	[tilespmem:$0x13000] =	vst v63  }
0x30: {  	_ = 	snop  }
0x31: {  	[tilespmem:s15], [sflag:$0x4] =	stream.indirect.gather [hbm4b:s2+s8], $0x80, s14, s8, $0xb8;
	[tilespmem:$0x13000] =	vst v63  }
.LBB2_4:
0x32: {  	_ =	swait.ge [sflag:s16], $0x3400  }
0x33: {  	[sflag:s16] =	ssyncset.done $0x0  }
0x34: {  	s25 =	simm.s32 $0x0;
	[sflag:s16] =	ssyncadd.s32 $0xFFFFCC00  }
0x35: {  	v1 =	vld [tilespmem:s25+$0x4070]  }
0x36: {  	v2 =	vld [tilespmem:s25+$0x4000]  }
0x37: {  	v5 =	vld [tilespmem:s25+$0x4010]  }
0x38: {  	v7 =	vld [tilespmem:s25+$0x4020]  }
0x39: {  	v8 =	vld [tilespmem:s25+$0x4030]  }
0x3a: {  	v4 =	vimm.f32 $0.0e+00;
	v11 =	vimm.f32 $0.0e+00;
	v9 =	vld [tilespmem:s25+$0x4040]  }
0x3b: {  	v10 =	vimm.f32 $0.0e+00;
	v6 =	vimm.f32 $0.0e+00;
	v12 =	vld [tilespmem:s25+$0x4050];
	v1 =	vadd.f32 v1, v4  }
0x3c: {  	s23 =	simm.s32 $0x80;
	s24 =	simm.s32 $0x400;
	v13 =	vld [tilespmem:s25+$0x4060];
	v3 =	vadd.f32 v2, v4;
	v2 =	vadd.f32 v5, v4;
	v5 =	vimm.f32 $0.0e+00  }
.LBB2_5:
0x3d: {  	p0 =	sne.s32 s24, $0xCE00;
	v14 =	vld [tilespmem:s23+$0x4070];
	v4 =	vadd.f32 v7, v4  }
0x3e: {  	v15 =	vld [tilespmem:s23+$0x4000];
	v5 =	vadd.f32 v8, v5  }
0x3f: {  	v16 =	vld [tilespmem:s23+$0x4010];
	v11 =	vadd.f32 v9, v11  }
.Ltmp3:
0x40: {  	v7 =	vld [tilespmem:s23+$0x4020];
	v10 =	vadd.f32 v12, v10;
	(pc) =	sbr.rel @p0 .LBB2_5-.Ltmp3, $4  }
0x41: {  	v8 =	vld [tilespmem:s23+$0x4030];
	v6 =	vadd.f32 v13, v6  }
0x42: {  	v9 =	vld [tilespmem:s23+$0x4040];
	v1 =	vadd.f32 v14, v1  }
0x43: {  	v3 =	vadd.f32 v15, v3;
	v12 =	vld [tilespmem:s23+$0x4050]  }
0x44: {  	v2 =	vadd.f32 v16, v2;
	v13 =	vld [tilespmem:s23+$0x4060];
	s23 =	sshra.s32 s24, $0x2;
	s24 =	sadd.s32 $0x200, s24  }
0x45: {  	v14 =	vld [tilespmem:s23+$0x4070]  }
0x46: {  	v15 =	vld [tilespmem:s23+$0x4000]  }
0x47: {  	v16 =	vld [tilespmem:s23+$0x4010]  }
0x48: {  	v17 =	vld [tilespmem:s23+$0x4020]  }
0x49: {  	v18 =	vld [tilespmem:s23+$0x4030]  }
0x4a: {  	v19 =	vld [tilespmem:s23+$0x4040]  }
0x4b: {  	v20 =	vld [tilespmem:s23+$0x4050];
	s24 =	sshll.u32 s22, $0xA  }
0x4c: {  	v21 =	vld [tilespmem:s23+$0x4060];
	s23 =	sshra.s32 s24, $0x2  }
0x4d: {  	v22 =	vld [tilespmem:s23+$0x11000]  }
0x4e: {  	v4 =	vadd.f32 v7, v4;
	v7 =	vld [tilespmem:s23+$0x11010]  }
0x4f: {  	v5 =	vadd.f32 v8, v5;
	v8 =	vadd.f32 v9, v11;
	v9 =	vld [tilespmem:s23+$0x11020]  }
0x50: {  	v11 =	vld [tilespmem:s23+$0x11030];
	v10 =	vadd.f32 v12, v10;
	v3 =	vadd.f32 v15, v3  }
0x51: {  	v12 =	vld [tilespmem:s23+$0x11040];
	v6 =	vadd.f32 v13, v6;
	v2 =	vadd.f32 v16, v2  }
0x52: {  	v13 =	vld [tilespmem:s23+$0x11050];
	v4 =	vadd.f32 v17, v4;
	v3 =	vadd.f32 v22, v3  }
0x53: {  	v5 =	vadd.f32 v18, v5;
	v2 =	vadd.f32 v7, v2;
	v7 =	vld [tilespmem:s23+$0x11060]  }
0x54: {  	v8 =	vadd.f32 v19, v8;
	[tilespmem:s23+$0x11000] =	vst v3;
	v3 =	vadd.f32 v9, v4;
	v4 =	vld [tilespmem:s23+$0x11070]  }
0x55: {  	v9 =	vadd.f32 v20, v10;
	[tilespmem:s23+$0x11010] =	vst v2;
	v2 =	vadd.f32 v11, v5  }
0x56: {  	v5 =	vadd.f32 v21, v6;
	[tilespmem:s23+$0x11020] =	vst v3;
	v3 =	vadd.f32 v12, v8  }
0x57: {  	v1 =	vadd.f32 v14, v1;
	[tilespmem:s23+$0x11030] =	vst v2;
	v2 =	vadd.f32 v13, v9  }
0x58: {  	[tilespmem:s23+$0x11040] =	vst v3;
	v3 =	vadd.f32 v7, v5  }
0x59: {  	p0 =	seq.s32 s22, $0x1F;
	s24 =	sshll.u32 s22, $0xB;
	[tilespmem:s23+$0x11050] =	vst v2;
	v1 =	vadd.f32 v4, v1  }
0x5a: {  	s25 =	sshrl.u32 @!p0 s24, $0x2;
	[tilespmem:s23+$0x11060] =	vst v3  }
0x5b: {  	s28 =	simm.s32 @!p0 $0x68;
	s29 =	simm.s32 @!p0 $0x4000;
	s26 =	sadd.s32 @!p0 $0x200, s25;
	[tilespmem:s23+$0x11070] =	vst v1  }
0x5c: {  	[tilespmem:s29], [sflag:$0x1] =	stream.indirect.gather @!p0 [hbm4b:s2+s28], $0x80, s26, s28, $0xb8;
	[tilespmem:$0x13000] =	vst v63  }
0x5d: {  	_ =	swait.ge [sflag:s17], $0x3400  }
0x5e: {  	[sflag:s17] =	ssyncset.done $0x0  }
0x5f: {  	s31 =	simm.s32 $0x0;
	[sflag:s17] =	ssyncadd.s32 $0xFFFFCC00  }
0x60: {  	v1 =	vld [tilespmem:s31+$0x7470]  }
0x61: {  	v2 =	vld [tilespmem:s31+$0x7400]  }
0x62: {  	v5 =	vld [tilespmem:s31+$0x7410]  }
0x63: {  	v7 =	vld [tilespmem:s31+$0x7420]  }
0x64: {  	v8 =	vld [tilespmem:s31+$0x7430]  }
0x65: {  	v11 =	vimm.f32 $0.0e+00;
	v4 =	vimm.f32 $0.0e+00;
	v9 =	vld [tilespmem:s31+$0x7440]  }
0x66: {  	v10 =	vimm.f32 $0.0e+00;
	v6 =	vimm.f32 $0.0e+00;
	v12 =	vld [tilespmem:s31+$0x7450];
	v1 =	vadd.f32 v1, v4  }
0x67: {  	s26 =	simm.s32 $0x80;
	s28 =	simm.s32 $0x400;
	v13 =	vld [tilespmem:s31+$0x7460];
	v3 =	vadd.f32 v2, v4;
	v2 =	vadd.f32 v5, v4;
	v5 =	vimm.f32 $0.0e+00  }
.LBB2_7:
0x68: {  	p1 =	sne.s32 s28, $0xCE00;
	v14 =	vld [tilespmem:s26+$0x7470];
	v4 =	vadd.f32 v7, v4  }
0x69: {  	v15 =	vld [tilespmem:s26+$0x7400];
	v5 =	vadd.f32 v8, v5  }
0x6a: {  	v16 =	vld [tilespmem:s26+$0x7410];
	v11 =	vadd.f32 v9, v11  }
.Ltmp4:
0x6b: {  	v7 =	vld [tilespmem:s26+$0x7420];
	v10 =	vadd.f32 v12, v10;
	(pc) =	sbr.rel @p1 .LBB2_7-.Ltmp4, $4  }
0x6c: {  	v8 =	vld [tilespmem:s26+$0x7430];
	v6 =	vadd.f32 v13, v6  }
0x6d: {  	v9 =	vld [tilespmem:s26+$0x7440];
	v1 =	vadd.f32 v14, v1  }
0x6e: {  	v3 =	vadd.f32 v15, v3;
	v12 =	vld [tilespmem:s26+$0x7450]  }
0x6f: {  	v2 =	vadd.f32 v16, v2;
	v13 =	vld [tilespmem:s26+$0x7460];
	s26 =	sshra.s32 s28, $0x2;
	s28 =	sadd.s32 $0x200, s28  }
0x70: {  	v14 =	vld [tilespmem:s26+$0x7470]  }
0x71: {  	v15 =	vld [tilespmem:s26+$0x7400]  }
0x72: {  	v16 =	vld [tilespmem:s26+$0x7410]  }
0x73: {  	v17 =	vld [tilespmem:s26+$0x7420]  }
0x74: {  	v18 =	vld [tilespmem:s26+$0x7430]  }
0x75: {  	v19 =	vld [tilespmem:s26+$0x7440]  }
0x76: {  	v20 =	vld [tilespmem:s26+$0x7450]  }
0x77: {  	v21 =	vld [tilespmem:s26+$0x7460]  }
0x78: {  	v22 =	vld [tilespmem:s23+$0x11000]  }
0x79: {  	v4 =	vadd.f32 v7, v4;
	v7 =	vld [tilespmem:s23+$0x11010]  }
0x7a: {  	v5 =	vadd.f32 v8, v5;
	v8 =	vadd.f32 v9, v11;
	v9 =	vld [tilespmem:s23+$0x11020]  }
0x7b: {  	v11 =	vld [tilespmem:s23+$0x11030];
	v10 =	vadd.f32 v12, v10;
	v3 =	vadd.f32 v15, v3  }
0x7c: {  	v12 =	vld [tilespmem:s23+$0x11040];
	v6 =	vadd.f32 v13, v6;
	v2 =	vadd.f32 v16, v2  }
0x7d: {  	v13 =	vld [tilespmem:s23+$0x11050];
	v4 =	vadd.f32 v17, v4;
	v3 =	vadd.f32 v22, v3  }
0x7e: {  	v5 =	vadd.f32 v18, v5;
	v2 =	vadd.f32 v7, v2;
	v7 =	vld [tilespmem:s23+$0x11060]  }
0x7f: {  	v8 =	vadd.f32 v19, v8;
	[tilespmem:s23+$0x11000] =	vst v3;
	v3 =	vadd.f32 v9, v4;
	v4 =	vld [tilespmem:s23+$0x11070]  }
0x80: {  	v9 =	vadd.f32 v20, v10;
	[tilespmem:s23+$0x11010] =	vst v2;
	v2 =	vadd.f32 v11, v5  }
0x81: {  	v5 =	vadd.f32 v21, v6;
	[tilespmem:s23+$0x11020] =	vst v3;
	v3 =	vadd.f32 v12, v8  }
0x82: {  	v1 =	vadd.f32 v14, v1;
	[tilespmem:s23+$0x11030] =	vst v2;
	v2 =	vadd.f32 v13, v9  }
0x83: {  	[tilespmem:s23+$0x11040] =	vst v3;
	v3 =	vadd.f32 v7, v5  }
0x84: {  	[tilespmem:s23+$0x11050] =	vst v2;
	v1 =	vadd.f32 v4, v1  }
0x85: {  	[tilespmem:s23+$0x11060] =	vst v3  }
0x86: {  	s26 =	sadd.s32 @!p0 $0x280, s25;
	s28 =	simm.s32 @!p0 $0x68;
	s29 =	simm.s32 @!p0 $0x7400;
	[tilespmem:s23+$0x11070] =	vst v1  }
0x87: {  	[tilespmem:s29], [sflag:$0x2] =	stream.indirect.gather @!p0 [hbm4b:s2+s28], $0x80, s26, s28, $0xb8;
	[tilespmem:$0x13000] =	vst v63  }
0x88: {  	_ =	swait.ge [sflag:s18], $0x3400  }
0x89: {  	[sflag:s18] =	ssyncset.done $0x0  }
0x8a: {  	s31 =	simm.s32 $0x0;
	[sflag:s18] =	ssyncadd.s32 $0xFFFFCC00  }
0x8b: {  	v1 =	vld [tilespmem:s31+$0xA870]  }
0x8c: {  	v2 =	vld [tilespmem:s31+$0xA800]  }
0x8d: {  	v5 =	vld [tilespmem:s31+$0xA810]  }
0x8e: {  	v7 =	vld [tilespmem:s31+$0xA820]  }
0x8f: {  	v8 =	vld [tilespmem:s31+$0xA830]  }
0x90: {  	v11 =	vimm.f32 $0.0e+00;
	v4 =	vimm.f32 $0.0e+00;
	v9 =	vld [tilespmem:s31+$0xA840]  }
0x91: {  	v10 =	vimm.f32 $0.0e+00;
	v6 =	vimm.f32 $0.0e+00;
	v12 =	vld [tilespmem:s31+$0xA850];
	v1 =	vadd.f32 v1, v4  }
0x92: {  	s26 =	simm.s32 $0x80;
	s28 =	simm.s32 $0x400;
	v13 =	vld [tilespmem:s31+$0xA860];
	v3 =	vadd.f32 v2, v4;
	v2 =	vadd.f32 v5, v4;
	v5 =	vimm.f32 $0.0e+00  }
.LBB2_9:
0x93: {  	p1 =	sne.s32 s28, $0xCE00;
	v14 =	vld [tilespmem:s26+$0xA870];
	v4 =	vadd.f32 v7, v4  }
0x94: {  	v15 =	vld [tilespmem:s26+$0xA800];
	v5 =	vadd.f32 v8, v5  }
0x95: {  	v16 =	vld [tilespmem:s26+$0xA810];
	v11 =	vadd.f32 v9, v11  }
.Ltmp5:
0x96: {  	v7 =	vld [tilespmem:s26+$0xA820];
	v10 =	vadd.f32 v12, v10;
	(pc) =	sbr.rel @p1 .LBB2_9-.Ltmp5, $4  }
0x97: {  	v8 =	vld [tilespmem:s26+$0xA830];
	v6 =	vadd.f32 v13, v6  }
0x98: {  	v9 =	vld [tilespmem:s26+$0xA840];
	v1 =	vadd.f32 v14, v1  }
0x99: {  	v3 =	vadd.f32 v15, v3;
	v12 =	vld [tilespmem:s26+$0xA850]  }
0x9a: {  	v2 =	vadd.f32 v16, v2;
	v13 =	vld [tilespmem:s26+$0xA860];
	s26 =	sshra.s32 s28, $0x2;
	s28 =	sadd.s32 $0x200, s28  }
0x9b: {  	v14 =	vld [tilespmem:s26+$0xA870]  }
0x9c: {  	v15 =	vld [tilespmem:s26+$0xA800]  }
0x9d: {  	v16 =	vld [tilespmem:s26+$0xA810]  }
0x9e: {  	v17 =	vld [tilespmem:s26+$0xA820]  }
0x9f: {  	v18 =	vld [tilespmem:s26+$0xA830]  }
0xa0: {  	v19 =	vld [tilespmem:s26+$0xA840]  }
0xa1: {  	v20 =	vld [tilespmem:s26+$0xA850]  }
0xa2: {  	v21 =	vld [tilespmem:s26+$0xA860]  }
0xa3: {  	v22 =	vld [tilespmem:s23+$0x11080]  }
0xa4: {  	v4 =	vadd.f32 v7, v4;
	v7 =	vld [tilespmem:s23+$0x11090]  }
0xa5: {  	v5 =	vadd.f32 v8, v5;
	v8 =	vadd.f32 v9, v11;
	v9 =	vld [tilespmem:s23+$0x110A0]  }
0xa6: {  	v11 =	vld [tilespmem:s23+$0x110B0];
	v10 =	vadd.f32 v12, v10;
	v3 =	vadd.f32 v15, v3  }
0xa7: {  	v12 =	vld [tilespmem:s23+$0x110C0];
	v6 =	vadd.f32 v13, v6;
	v2 =	vadd.f32 v16, v2  }
0xa8: {  	v13 =	vld [tilespmem:s23+$0x110D0];
	v4 =	vadd.f32 v17, v4;
	v3 =	vadd.f32 v22, v3  }
0xa9: {  	v5 =	vadd.f32 v18, v5;
	v2 =	vadd.f32 v7, v2;
	v7 =	vld [tilespmem:s23+$0x110E0]  }
0xaa: {  	v8 =	vadd.f32 v19, v8;
	[tilespmem:s23+$0x11080] =	vst v3;
	v3 =	vadd.f32 v9, v4;
	v4 =	vld [tilespmem:s23+$0x110F0]  }
0xab: {  	v9 =	vadd.f32 v20, v10;
	[tilespmem:s23+$0x11090] =	vst v2;
	v2 =	vadd.f32 v11, v5  }
0xac: {  	v5 =	vadd.f32 v21, v6;
	[tilespmem:s23+$0x110A0] =	vst v3;
	v3 =	vadd.f32 v12, v8  }
0xad: {  	v1 =	vadd.f32 v14, v1;
	[tilespmem:s23+$0x110B0] =	vst v2;
	v2 =	vadd.f32 v13, v9  }
0xae: {  	[tilespmem:s23+$0x110C0] =	vst v3;
	v3 =	vadd.f32 v7, v5  }
0xaf: {  	[tilespmem:s23+$0x110D0] =	vst v2;
	v1 =	vadd.f32 v4, v1  }
0xb0: {  	[tilespmem:s23+$0x110E0] =	vst v3  }
0xb1: {  	s25 =	sadd.s32 @!p0 $0x300, s25;
	s26 =	simm.s32 @!p0 $0x68;
	s28 =	simm.s32 @!p0 $0xA800;
	[tilespmem:s23+$0x110F0] =	vst v1  }
0xb2: {  	[tilespmem:s28], [sflag:$0x3] =	stream.indirect.gather @!p0 [hbm4b:s2+s26], $0x80, s25, s26, $0xb8;
	[tilespmem:$0x13000] =	vst v63  }
0xb3: {  	_ =	swait.ge [sflag:s19], $0x3400  }
0xb4: {  	[sflag:s19] =	ssyncset.done $0x0  }
0xb5: {  	s31 =	simm.s32 $0x0;
	[sflag:s19] =	ssyncadd.s32 $0xFFFFCC00  }
0xb6: {  	v1 =	vld [tilespmem:s31+$0xDC70]  }
0xb7: {  	v2 =	vld [tilespmem:s31+$0xDC00]  }
0xb8: {  	v5 =	vld [tilespmem:s31+$0xDC10]  }
0xb9: {  	v7 =	vld [tilespmem:s31+$0xDC20]  }
0xba: {  	v8 =	vld [tilespmem:s31+$0xDC30]  }
0xbb: {  	v11 =	vimm.f32 $0.0e+00;
	v4 =	vimm.f32 $0.0e+00;
	v9 =	vld [tilespmem:s31+$0xDC40]  }
0xbc: {  	v10 =	vimm.f32 $0.0e+00;
	v6 =	vimm.f32 $0.0e+00;
	v12 =	vld [tilespmem:s31+$0xDC50];
	v1 =	vadd.f32 v1, v4  }
0xbd: {  	s25 =	simm.s32 $0x80;
	s26 =	simm.s32 $0x400;
	v13 =	vld [tilespmem:s31+$0xDC60];
	v3 =	vadd.f32 v2, v4;
	v2 =	vadd.f32 v5, v4;
	v5 =	vimm.f32 $0.0e+00  }
.LBB2_11:
0xbe: {  	p1 =	sne.s32 s26, $0xCE00;
	v14 =	vld [tilespmem:s25+$0xDC70];
	v4 =	vadd.f32 v7, v4  }
0xbf: {  	v15 =	vld [tilespmem:s25+$0xDC00];
	v5 =	vadd.f32 v8, v5  }
0xc0: {  	v16 =	vld [tilespmem:s25+$0xDC10];
	v11 =	vadd.f32 v9, v11  }
.Ltmp6:
0xc1: {  	v7 =	vld [tilespmem:s25+$0xDC20];
	v10 =	vadd.f32 v12, v10;
	(pc) =	sbr.rel @p1 .LBB2_11-.Ltmp6, $4  }
0xc2: {  	v8 =	vld [tilespmem:s25+$0xDC30];
	v6 =	vadd.f32 v13, v6  }
0xc3: {  	v9 =	vld [tilespmem:s25+$0xDC40];
	v1 =	vadd.f32 v14, v1  }
0xc4: {  	v3 =	vadd.f32 v15, v3;
	v12 =	vld [tilespmem:s25+$0xDC50]  }
0xc5: {  	v2 =	vadd.f32 v16, v2;
	v13 =	vld [tilespmem:s25+$0xDC60];
	s25 =	sshra.s32 s26, $0x2;
	s26 =	sadd.s32 $0x200, s26  }
0xc6: {  	v14 =	vld [tilespmem:s25+$0xDC70]  }
0xc7: {  	v15 =	vld [tilespmem:s25+$0xDC00]  }
0xc8: {  	v16 =	vld [tilespmem:s25+$0xDC10]  }
0xc9: {  	v17 =	vld [tilespmem:s25+$0xDC20]  }
0xca: {  	v18 =	vld [tilespmem:s25+$0xDC30]  }
0xcb: {  	v19 =	vld [tilespmem:s25+$0xDC40]  }
0xcc: {  	v20 =	vld [tilespmem:s25+$0xDC50]  }
0xcd: {  	v21 =	vld [tilespmem:s25+$0xDC60]  }
0xce: {  	v22 =	vld [tilespmem:s23+$0x11080]  }
0xcf: {  	v4 =	vadd.f32 v7, v4;
	v54 =	vld [tilespmem:s23+$0x11090]  }
0xd0: {  	v61 =	vld [tilespmem:s23+$0x110F0];
	v5 =	vadd.f32 v8, v5;
	v55 =	vadd.f32 v9, v11  }
0xd1: {  	v56 =	vld [tilespmem:s23+$0x110A0];
	v10 =	vadd.f32 v12, v10;
	v3 =	vadd.f32 v15, v3  }
0xd2: {  	v57 =	vld [tilespmem:s23+$0x110B0];
	v6 =	vadd.f32 v13, v6;
	v2 =	vadd.f32 v16, v2  }
0xd3: {  	v58 =	vld [tilespmem:s23+$0x110C0];
	v1 =	vadd.f32 v14, v1;
	v3 =	vadd.f32 v22, v3  }
0xd4: {  	v59 =	vld [tilespmem:s23+$0x110D0];
	v4 =	vadd.f32 v17, v4;
	v2 =	vadd.f32 v54, v2  }
0xd5: {  	v60 =	vld [tilespmem:s23+$0x110E0];
	v5 =	vadd.f32 v18, v5;
	v1 =	vadd.f32 v61, v1;
	[tilespmem:s23+$0x11080] =	vst v3  }
0xd6: {  	v8 =	vadd.f32 v19, v55;
	v3 =	vadd.f32 v56, v4;
	[tilespmem:s23+$0x11090] =	vst v2  }
0xd7: {  	v62 =	vadd.f32 v20, v10;
	v2 =	vadd.f32 v57, v5;
	[tilespmem:s23+$0x110F0] =	vst v1  }
.Ltmp7:
0xd8: {  	v63 =	vadd.f32 v21, v6;
	[tilespmem:s23+$0x110A0] =	vst v3;
	v3 =	vadd.f32 v58, v8;
	(pc) =	sbr.rel @p0 .LBB2_14-.Ltmp7, $4  }
0xd9: {  	[tilespmem:s23+$0x110B0] =	vst v2;
	v2 =	vadd.f32 v59, v62  }
0xda: {  	[tilespmem:s23+$0x110C0] =	vst v3;
	v3 =	vadd.f32 v60, v63  }
0xdb: {  	[tilespmem:s23+$0x110D0] =	vst v2  }
0xdc: {  	[tilespmem:s23+$0x110E0] =	vst v3  }
.Ltmp8:
0xdd: {  	(pc) =	sbr.rel .LBB2_4-.Ltmp8, $4  }
0xde: {  	_ = 	snop  }
0xdf: {  	s23 =	sshrl.u32 s24, $0x2  }
0xe0: {  	s22 =	sadd.s32 $0x1, s22;
	s23 =	sadd.s32 $0x380, s23  }
0xe1: {  	[tilespmem:s15], [sflag:$0x4] =	stream.indirect.gather [hbm4b:s2+s8], $0x80, s23, s8, $0xb8;
	[tilespmem:$0x13000] =	vst v63  }
.LBB2_15:
0xe2: {  	_ =	sfence.sel $0x180000  }
0xe3: {  	[bflag:$0x0] =	sbarrier.arrive $0xFFFF  }
0xe4: {  	p0 =	sne.s32 s1, $0x0;
	_ =	strace $0x9000004A  }
0xe5: {  	s0 =	sadd.s32 @!p0 $0x100000, s0;
	[bflag:$0x2] =	sbarrier.arrive $0xFFFF  }
0xe6: {  	[sflag:s0] =	ssyncadd.tile.s32 @!p0 $0x1;
	_ =	shalt  }
.Lfunc_end2:
_tile_overlayer_lowered:
.L_overlay_start_2:
0xe7: {  	(tag) =	ssettag $0x2  }
0xe8: {  	s0 =	rddreg [dreg:$0x0];
	s2 =	stileid.u32  }
0xe9: {  	s1 =	rddreg [dreg:$0x1];
	p0 =	sne.s32 s2, $0x0  }
0xea: {  	s3 =	rddreg [dreg:$0x2];
	[bflag:$0x3] =	sbarrier.arrive $0xFFFF;
	s2 =	simm.s32 @!p0 $0x1C05  }
0xeb: {  	[timem:s3], [sflag:s2] =	dma.local @!p0 [hbm:s0], s1  }
0xec: {  	s0 =	simm.s32 @!p0 $0x5  }
0xed: {  	_ =	swait.ge @!p0 [sflag:s0], s1  }
0xee: {  	s1 =	ssub.s32 @!p0 $0x0, s1;
	[sflag:s0] =	ssyncset.done @!p0 $0x0  }
0xef: {  	[sflag:s0] =	ssyncadd.s32 @!p0 s1  }
0xf0: {  	[bflag:$0x3] =	sbarrier.arrive $0xFFFF  }
0xf1: {  	_ =	shalt  }

</sc_bundles>
